<compile_context>
chip_gen: v7x
topology: tpu7x:2x2x1
jax: 0.10.2.dev20260603
libtpu: 0.0.44.dev20260713+nightly
codegen_flags: <defaults>
</compile_context>

<pallas_src>
import functools

import jax
import jax.numpy as jnp
from jax import lax
from jax.experimental import pallas as pl
from jax.experimental.pallas import tpu as pltpu
from jax.experimental.pallas import tpu_sc as plsc

N = 10000
E = 320000
D = 128
H = 4
DH = 32

NC, NS = 2, 16
NW = NC * NS
EPT = E // NW
C = 40
NCHUNK = EPT // C
N2 = 10240
ROWS = N2 // NS
AW = 144

BN = 2000
BE = 2000



def _node_body(x_ref, w_ref, al_ref, ar_ref, feat_ref, el_ref, er_ref):
    f = jnp.dot(x_ref[...], w_ref[...], preferred_element_type=jnp.float32)
    feat_ref[...] = f
    el_ref[...] = jnp.dot(f, al_ref[...], preferred_element_type=jnp.float32)
    er_ref[...] = jnp.dot(f, ar_ref[...], preferred_element_type=jnp.float32)


def _node_call(x, W, A_l, A_r):
    return pl.pallas_call(
        _node_body,
        grid=(N // BN,),
        in_specs=[
            pl.BlockSpec((BN, D), lambda i: (i, 0)),
            pl.BlockSpec((D, D), lambda i: (0, 0)),
            pl.BlockSpec((D, 16), lambda i: (0, 0)),
            pl.BlockSpec((D, 16), lambda i: (0, 0)),
        ],
        out_specs=[
            pl.BlockSpec((BN, D), lambda i: (i, 0)),
            pl.BlockSpec((BN, 16), lambda i: (i, 0)),
            pl.BlockSpec((BN, 16), lambda i: (i, 0)),
        ],
        out_shape=[
            jax.ShapeDtypeStruct((N, D), jnp.float32),
            jax.ShapeDtypeStruct((N, 16), jnp.float32),
            jax.ShapeDtypeStruct((N, 16), jnp.float32),
        ],
    )(x, W, A_l, A_r)



def _edge_body(ea_ref, we_ref, ae_ref, fe_ref, ee_ref):
    f = jnp.dot(ea_ref[...], we_ref[...], preferred_element_type=jnp.float32)
    fe_ref[...] = f
    ee_ref[...] = jnp.dot(f, ae_ref[...], preferred_element_type=jnp.float32)


def _edge_call(edge_attr, W_e, A_e):
    return pl.pallas_call(
        _edge_body,
        grid=(E // BE,),
        in_specs=[
            pl.BlockSpec((BE, D), lambda i: (i, 0)),
            pl.BlockSpec((D, D), lambda i: (0, 0)),
            pl.BlockSpec((D, 16), lambda i: (0, 0)),
        ],
        out_specs=[
            pl.BlockSpec((BE, D), lambda i: (i, 0)),
            pl.BlockSpec((BE, 16), lambda i: (i, 0)),
        ],
        out_shape=[
            jax.ShapeDtypeStruct((E, D), jnp.float32),
            jax.ShapeDtypeStruct((E, 16), jnp.float32),
        ],
    )(edge_attr, W_e, A_e)



def _sc_agg_body(src_hbm, dst_hbm, elt_hbm, ert_hbm, eep_hbm, feat_hbm, fe_hbm,
                 out_hbm,
                 src_v0, dst_v0, elg0, erg0, eev0, fg0, fev0,
                 src_v1, dst_v1, elg1, erg1, eev1, fg1, fev1,
                 msg0, acc_sh, sl0, sl1, sg0, sg1):
    cid = lax.axis_index("c")
    sid = lax.axis_index("s")
    wid = sid * NC + cid
    bufs = ((src_v0, dst_v0, elg0, erg0, eev0, fg0, fev0, msg0, sl0, sg0),
            (src_v1, dst_v1, elg1, erg1, eev1, fg1, fev1, msg0, sl1, sg1))

    def zero_row(c, carry):
        for q in range(AW // 16):
            msg0[c, pl.ds(q * 16, 16)] = jnp.zeros((16,), jnp.float32)
        return carry

    lax.fori_loop(0, C, zero_row, 0, unroll=False)
    for j in range(ROWS // C):
        pltpu.sync_copy(msg0, acc_sh.at[pl.ds(sid * ROWS + j * C, C)])
    plsc.subcore_barrier()

    def _base(k):
        return pl.multiple_of(wid * EPT + k * C, 8)

    def lin_descs(k, b):
        src_v, dst_v, elg, erg, eev, fg, fev, msg, sl, sg = bufs[b]
        base = _base(k)
        return ((src_hbm.at[pl.ds(base, C)], src_v, sl),
                (dst_hbm.at[pl.ds(base, C)], dst_v, sl),
                (eep_hbm.at[pl.ds(base, C)], eev, sl),
                (fe_hbm.at[pl.ds(base, C)], fev, sl))

    def gth_descs(b):
        src_v, dst_v, elg, erg, eev, fg, fev, msg, sl, sg = bufs[b]
        return ((elt_hbm.at[src_v], elg, sg),
                (ert_hbm.at[dst_v], erg, sg),
                (feat_hbm.at[src_v], fg, sg))

    def issue_lin(k, b):
        for d in lin_descs(k, b):
            pltpu.async_copy(*d)

    def wait_lin(k, b):
        for d in lin_descs(k, b):
            pltpu.make_async_copy(*d).wait()

    def issue_gth(b):
        for d in gth_descs(b):
            pltpu.async_copy(*d)

    def wait_gth(b):
        for d in gth_descs(b):
            pltpu.make_async_copy(*d).wait()

    def compute(b):
        src_v, dst_v, elg, erg, eev, fg, fev, msg, sl, sg = bufs[b]

        def edge(c, carry2):
            v = elg[c, :] + erg[c, :] + eev[c, :]
            lg = jnp.where(v >= 0.0, v, 0.2 * v)
            p = jnp.exp(lg)
            msg[c, pl.ds(D, 16)] = p
            for h in range(H):
                ps = p[h]
                for q in range(2):
                    sl2 = pl.ds(h * DH + q * 16, 16)
                    msg[c, sl2] = ps * (fg[c, sl2] + fev[c, sl2])
            return carry2

        lax.fori_loop(0, C, edge, 0, unroll=False)
        pltpu.sync_copy(msg, acc_sh.at[dst_v], add=True)

    issue_lin(0, 0)
    wait_lin(0, 0)
    issue_gth(0)
    issue_lin(1, 1)

    def pair(g, carry):
        e = 2 * g
        o = e + 1
        wait_lin(o, 1)
        issue_gth(1)
        wait_gth(0)
        compute(0)
        issue_lin(e + 2, 0)
        wait_gth(1)
        compute(1)
        wait_lin(e + 2, 0)
        issue_gth(0)
        issue_lin(o + 2, 1)
        return carry

    lax.fori_loop(0, NCHUNK // 2 - 1, pair, 0, unroll=False)
    wait_lin(NCHUNK - 1, 1)
    issue_gth(1)
    wait_gth(0)
    compute(0)
    wait_gth(1)
    compute(1)

    plsc.subcore_barrier()
    for j in range(ROWS // C):
        pltpu.sync_copy(acc_sh.at[pl.ds(sid * ROWS + j * C, C)], msg0)
        pltpu.sync_copy(msg0, out_hbm.at[cid, pl.ds(sid * ROWS + j * C, C)])


@functools.cache
def _sc_agg():
    return functools.partial(
        pl.kernel,
        out_type=jax.ShapeDtypeStruct((NC, N2, AW), jnp.float32),
        mesh=plsc.VectorSubcoreMesh(core_axis_name="c", subcore_axis_name="s",
                                    num_cores=NC, num_subcores=NS),
        compiler_params=pltpu.CompilerParams(use_tc_tiling_on_sc=False),
        scratch_types=[
            pltpu.VMEM((C,), jnp.int32),
            pltpu.VMEM((C,), jnp.int32),
            pltpu.VMEM((C, 16), jnp.float32),
            pltpu.VMEM((C, 16), jnp.float32),
            pltpu.VMEM((C, 16), jnp.float32),
            pltpu.VMEM((C, D), jnp.float32),
            pltpu.VMEM((C, D), jnp.float32),
            pltpu.VMEM((C,), jnp.int32),
            pltpu.VMEM((C,), jnp.int32),
            pltpu.VMEM((C, 16), jnp.float32),
            pltpu.VMEM((C, 16), jnp.float32),
            pltpu.VMEM((C, 16), jnp.float32),
            pltpu.VMEM((C, D), jnp.float32),
            pltpu.VMEM((C, D), jnp.float32),
            pltpu.VMEM((C, AW), jnp.float32),
            pltpu.VMEM_SHARED((N2, AW), jnp.float32),
            pltpu.SemaphoreType.DMA,
            pltpu.SemaphoreType.DMA,
            pltpu.SemaphoreType.DMA,
            pltpu.SemaphoreType.DMA,
        ],
    )(_sc_agg_body)



def _fin_body(a0_ref, a1_ref, x_ref, b_ref, s_ref, o_ref):
    a = a0_ref[...] + a1_ref[...]
    msgs = a[:, :D]
    den16 = a[:, D:]
    den = jnp.dot(den16, s_ref[...], preferred_element_type=jnp.float32)
    r = jnp.where(den > 0.0, msgs / den, 0.0)
    o_ref[...] = jnp.maximum(r + x_ref[...] + b_ref[...], 0.0)


def _fin_call(a0, a1, x, bias2d, S):
    return pl.pallas_call(
        _fin_body,
        grid=(N // BN,),
        in_specs=[
            pl.BlockSpec((BN, AW), lambda i: (i, 0)),
            pl.BlockSpec((BN, AW), lambda i: (i, 0)),
            pl.BlockSpec((BN, D), lambda i: (i, 0)),
            pl.BlockSpec((1, D), lambda i: (0, 0)),
            pl.BlockSpec((16, D), lambda i: (0, 0)),
        ],
        out_specs=pl.BlockSpec((BN, D), lambda i: (i, 0)),
        out_shape=jax.ShapeDtypeStruct((N, D), jnp.float32),
    )(a0, a1, x, bias2d, S)



def _placement(attn):
    rows = jnp.arange(D)
    cols = jnp.repeat(jnp.arange(H), DH)
    return jnp.zeros((D, 16), jnp.float32).at[rows, cols].set(attn.reshape(-1))


def kernel(x, edge_index, edge_attr, W, W_e, attn_l, attn_r, attn_e, bias):
    src = edge_index[0]
    dst = edge_index[1]

    A_l = _placement(attn_l)
    A_r = _placement(attn_r)
    A_e = _placement(attn_e)
    rows = jnp.arange(D)
    cols = jnp.repeat(jnp.arange(H), DH)
    S = jnp.zeros((16, D), jnp.float32).at[cols, rows].set(1.0)

    feat, el_t, er_t = _node_call(x, W, A_l, A_r)
    feat_e, ee_p = _edge_call(edge_attr, W_e, A_e)

    acc = _sc_agg()(src, dst, el_t, er_t, ee_p, feat, feat_e)

    return _fin_call(acc[0], acc[1], x, bias.reshape(1, D), S)

# --- scband reference (transcript-rebuilt; emitter-appended) ---
"""Pipeline reference for scband-gatconvwith-edge-feat-69415261438028 (READ-ONLY COPY).

The authoritative reference and input builder live on the scoring server;
editing this copy changes nothing except your own understanding.
"""

import jax, jax.numpy as jnp
import numpy as np

N = 10000
E = 320000
D_IN = 128
H = 4
D_H = 32  # out_feat // num_heads


def setup_inputs(seed: int = 0) -> dict:
    key = jax.random.key(seed)
    ks = jax.random.split(key, 10)
    x = jax.random.normal(ks[0], (N, D_IN), dtype=jnp.float32)
    edge_index = jax.random.randint(ks[1], (2, E), 0, N, dtype=jnp.int32)
    edge_attr = jax.random.normal(ks[2], (E, D_IN), dtype=jnp.float32)
    # learned params of dgl.nn.EdgeGATConv (fc, fc_edge, attn_l, attn_r, attn_edge, bias)
    W = jax.random.normal(ks[3], (D_IN, H * D_H), dtype=jnp.float32) * 0.05
    W_e = jax.random.normal(ks[4], (D_IN, H * D_H), dtype=jnp.float32) * 0.05
    attn_l = jax.random.normal(ks[5], (H, D_H), dtype=jnp.float32) * 0.05
    attn_r = jax.random.normal(ks[6], (H, D_H), dtype=jnp.float32) * 0.05
    attn_e = jax.random.normal(ks[7], (H, D_H), dtype=jnp.float32) * 0.05
    bias = jnp.zeros((H * D_H,), dtype=jnp.float32)
    return {"x": x, "edge_index": edge_index, "edge_attr": edge_attr,
            "W": W, "W_e": W_e, "attn_l": attn_l, "attn_r": attn_r,
            "attn_e": attn_e, "bias": bias}


def reference(x, edge_index, edge_attr, W, W_e, attn_l, attn_r, attn_e, bias):
    src = edge_index[0]
    dst = edge_index[1]
    feat = (x @ W).reshape(N, H, D_H)                      # fc(h).view(N,H,Dh)
    feat_e = (edge_attr @ W_e).reshape(-1, H, D_H)         # fc_edge(e).view(E,H,Dh)
    el = jnp.sum(feat * attn_l[None], axis=-1)             # [N,H]
    er = jnp.sum(feat * attn_r[None], axis=-1)             # [N,H]
    ee = jnp.sum(feat_e * attn_e[None], axis=-1)           # [E,H]
    logits = jax.nn.leaky_relu(el[src] + er[dst] + ee, negative_slope=0.2)
    # edge softmax grouped by destination node
    lmax = jax.ops.segment_max(logits, dst, num_segments=N)
    lmax = jnp.where(jnp.isfinite(lmax), lmax, 0.0)        # zero in-degree safe
    e_exp = jnp.exp(logits - lmax[dst])
    denom = jax.ops.segment_sum(e_exp, dst, num_segments=N)
    a = e_exp / denom[dst]                                 # [E,H]
    # message = (W h_j + W_e e_ij) * alpha, aggregated by sum onto dst
    m = (feat[src] + feat_e) * a[:, :, None]               # [E,H,Dh]
    rst = jax.ops.segment_sum(m, dst, num_segments=N)      # [N,H,Dh]
    # residual (Identity since in_feat == num_heads*out_per_head)
    rst = rst + x.reshape(N, H, D_H)
    rst = rst + bias.reshape(1, H, D_H)
    rst = jax.nn.relu(rst)                                 # activation=F.relu
    # GATConvwithEdgeFeat flattens heads; num_ffn_layers_in_gnn=0 -> no NGNN MLP
    return rst.reshape(N, H * D_H)

if __name__ == "__main__":
    import jax
    _d = setup_inputs()
    print(jax.jit(kernel)(*tuple(_d.values())))

</pallas_src>

<mosaic_0001>
#map = affine_map<(d0, d1) -> (0)>
#map1 = affine_map<(d0, d1) -> (0, 0)>
#map2 = affine_map<(d0, d1) -> (0, 0, 0)>
module attributes {stable_mosaic.version = 14 : i64} {
  func.func @_sc_agg_body(%arg0: i32, %arg1: i32, %arg2: memref<320000xi32, #tpu.memory_space<hbm>>, %arg3: memref<320000xi32, #tpu.memory_space<hbm>>, %arg4: memref<10000x16xf32, #tpu.memory_space<hbm>>, %arg5: memref<10000x16xf32, #tpu.memory_space<hbm>>, %arg6: memref<320000x16xf32, #tpu.memory_space<hbm>>, %arg7: memref<10000x128xf32, #tpu.memory_space<hbm>>, %arg8: memref<320000x128xf32, #tpu.memory_space<hbm>>, %arg9: memref<2x10240x144xf32, #tpu.memory_space<hbm>>, %arg10: memref<40xi32, #tpu.memory_space<vmem>>, %arg11: memref<40xi32, #tpu.memory_space<vmem>>, %arg12: memref<40x16xf32, #tpu.memory_space<vmem>>, %arg13: memref<40x16xf32, #tpu.memory_space<vmem>>, %arg14: memref<40x16xf32, #tpu.memory_space<vmem>>, %arg15: memref<40x128xf32, #tpu.memory_space<vmem>>, %arg16: memref<40x128xf32, #tpu.memory_space<vmem>>, %arg17: memref<40xi32, #tpu.memory_space<vmem>>, %arg18: memref<40xi32, #tpu.memory_space<vmem>>, %arg19: memref<40x16xf32, #tpu.memory_space<vmem>>, %arg20: memref<40x16xf32, #tpu.memory_space<vmem>>, %arg21: memref<40x16xf32, #tpu.memory_space<vmem>>, %arg22: memref<40x128xf32, #tpu.memory_space<vmem>>, %arg23: memref<40x128xf32, #tpu.memory_space<vmem>>, %arg24: memref<40x144xf32, #tpu.memory_space<vmem>>, %arg25: memref<10240x144xf32, #tpu.memory_space<vmem_shared>>, %arg26: memref<!tpu.dma_semaphore, #tpu.memory_space<semaphore_mem>>, %arg27: memref<!tpu.dma_semaphore, #tpu.memory_space<semaphore_mem>>, %arg28: memref<!tpu.dma_semaphore, #tpu.memory_space<semaphore_mem>>, %arg29: memref<!tpu.dma_semaphore, #tpu.memory_space<semaphore_mem>>) attributes {dimension_semantics = [#tpu.dimension_semantics<core_parallel>, #tpu.dimension_semantics<subcore_parallel>], iteration_bounds = array<i64: 2, 16>, scalar_prefetch = 0 : i64, scratch_operands = 20 : i64, tpu.core_type = #tpu.core_type<sc_vector_subcore>, window_params = [{transform_indices = #map}, {transform_indices = #map}, {transform_indices = #map1}, {transform_indices = #map1}, {transform_indices = #map1}, {transform_indices = #map1}, {transform_indices = #map1}, {transform_indices = #map2}]} {
    %mul3A = arith.constant 2 : i32
    %mul3A_0 = arith.muli %arg1, %mul3A : i32
    %add3A = arith.addi %mul3A_0, %arg0 : i32
    %scan3A = arith.constant 0 : i32
    %scan3A_1 = arith.constant 0 : i32
    %scan3A_2 = arith.constant 40 : i32
    %scan3A_3 = arith.addi %scan3A_1, %scan3A_2 : i32
    %scan3A_4 = arith.constant 1 : i32
    scf.for %scan3A_318 = %scan3A_1 to %scan3A_3 step %scan3A_4  : i32 {
      %broadcast_in_dim3A = arith.constant 0.000000e+00 : f32
      %broadcast_in_dim3A_319 = vector.broadcast %broadcast_in_dim3A : f32 to vector<16xf32>
      %swap3A = arith.index_cast %scan3A_318 : i32 to index
      %swap3A_320 = arith.constant 0 : index
      %swap3A_321 = tpu.vector_load %arg24[%swap3A, %swap3A_320] {strides = array<i32>} : memref<40x144xf32, #tpu.memory_space<vmem>>, vector<1x16xf32>,
      %swap3A_322 = vector.shape_cast %swap3A_321 : vector<1x16xf32> to vector<16xf32>
      %swap3A_323 = vector.shape_cast %broadcast_in_dim3A_319 : vector<16xf32> to vector<1x16xf32>
      tpu.vector_store %arg24[%swap3A, %swap3A_320], %swap3A_323 {strides = array<i32>} : memref<40x144xf32, #tpu.memory_space<vmem>>, vector<1x16xf32>,
      %broadcast_in_dim3A_324 = arith.constant 0.000000e+00 : f32
      %broadcast_in_dim3A_325 = vector.broadcast %broadcast_in_dim3A_324 : f32 to vector<16xf32>
      %swap3A_326 = arith.index_cast %scan3A_318 : i32 to index
      %swap3A_327 = arith.constant 16 : index
      %swap3A_328 = tpu.vector_load %arg24[%swap3A_326, %swap3A_327] {strides = array<i32>} : memref<40x144xf32, #tpu.memory_space<vmem>>, vector<1x16xf32>,
      %swap3A_329 = vector.shape_cast %swap3A_328 : vector<1x16xf32> to vector<16xf32>
      %swap3A_330 = vector.shape_cast %broadcast_in_dim3A_325 : vector<16xf32> to vector<1x16xf32>
      tpu.vector_store %arg24[%swap3A_326, %swap3A_327], %swap3A_330 {strides = array<i32>} : memref<40x144xf32, #tpu.memory_space<vmem>>, vector<1x16xf32>,
      %broadcast_in_dim3A_331 = arith.constant 0.000000e+00 : f32
      %broadcast_in_dim3A_332 = vector.broadcast %broadcast_in_dim3A_331 : f32 to vector<16xf32>
      %swap3A_333 = arith.index_cast %scan3A_318 : i32 to index
      %swap3A_334 = arith.constant 32 : index
      %swap3A_335 = tpu.vector_load %arg24[%swap3A_333, %swap3A_334] {strides = array<i32>} : memref<40x144xf32, #tpu.memory_space<vmem>>, vector<1x16xf32>,
      %swap3A_336 = vector.shape_cast %swap3A_335 : vector<1x16xf32> to vector<16xf32>
      %swap3A_337 = vector.shape_cast %broadcast_in_dim3A_332 : vector<16xf32> to vector<1x16xf32>
      tpu.vector_store %arg24[%swap3A_333, %swap3A_334], %swap3A_337 {strides = array<i32>} : memref<40x144xf32, #tpu.memory_space<vmem>>, vector<1x16xf32>,
      %broadcast_in_dim3A_338 = arith.constant 0.000000e+00 : f32
      %broadcast_in_dim3A_339 = vector.broadcast %broadcast_in_dim3A_338 : f32 to vector<16xf32>
      %swap3A_340 = arith.index_cast %scan3A_318 : i32 to index
      %swap3A_341 = arith.constant 48 : index
      %swap3A_342 = tpu.vector_load %arg24[%swap3A_340, %swap3A_341] {strides = array<i32>} : memref<40x144xf32, #tpu.memory_space<vmem>>, vector<1x16xf32>,
      %swap3A_343 = vector.shape_cast %swap3A_342 : vector<1x16xf32> to vector<16xf32>
      %swap3A_344 = vector.shape_cast %broadcast_in_dim3A_339 : vector<16xf32> to vector<1x16xf32>
      tpu.vector_store %arg24[%swap3A_340, %swap3A_341], %swap3A_344 {strides = array<i32>} : memref<40x144xf32, #tpu.memory_space<vmem>>, vector<1x16xf32>,
      %broadcast_in_dim3A_345 = arith.constant 0.000000e+00 : f32
      %broadcast_in_dim3A_346 = vector.broadcast %broadcast_in_dim3A_345 : f32 to vector<16xf32>
      %swap3A_347 = arith.index_cast %scan3A_318 : i32 to index
      %swap3A_348 = arith.constant 64 : index
      %swap3A_349 = tpu.vector_load %arg24[%swap3A_347, %swap3A_348] {strides = array<i32>} : memref<40x144xf32, #tpu.memory_space<vmem>>, vector<1x16xf32>,
      %swap3A_350 = vector.shape_cast %swap3A_349 : vector<1x16xf32> to vector<16xf32>
      %swap3A_351 = vector.shape_cast %broadcast_in_dim3A_346 : vector<16xf32> to vector<1x16xf32>
      tpu.vector_store %arg24[%swap3A_347, %swap3A_348], %swap3A_351 {strides = array<i32>} : memref<40x144xf32, #tpu.memory_space<vmem>>, vector<1x16xf32>,
      %broadcast_in_dim3A_352 = arith.constant 0.000000e+00 : f32
      %broadcast_in_dim3A_353 = vector.broadcast %broadcast_in_dim3A_352 : f32 to vector<16xf32>
      %swap3A_354 = arith.index_cast %scan3A_318 : i32 to index
      %swap3A_355 = arith.constant 80 : index
      %swap3A_356 = tpu.vector_load %arg24[%swap3A_354, %swap3A_355] {strides = array<i32>} : memref<40x144xf32, #tpu.memory_space<vmem>>, vector<1x16xf32>,
      %swap3A_357 = vector.shape_cast %swap3A_356 : vector<1x16xf32> to vector<16xf32>
      %swap3A_358 = vector.shape_cast %broadcast_in_dim3A_353 : vector<16xf32> to vector<1x16xf32>
      tpu.vector_store %arg24[%swap3A_354, %swap3A_355], %swap3A_358 {strides = array<i32>} : memref<40x144xf32, #tpu.memory_space<vmem>>, vector<1x16xf32>,
      %broadcast_in_dim3A_359 = arith.constant 0.000000e+00 : f32
      %broadcast_in_dim3A_360 = vector.broadcast %broadcast_in_dim3A_359 : f32 to vector<16xf32>
      %swap3A_361 = arith.index_cast %scan3A_318 : i32 to index
      %swap3A_362 = arith.constant 96 : index
      %swap3A_363 = tpu.vector_load %arg24[%swap3A_361, %swap3A_362] {strides = array<i32>} : memref<40x144xf32, #tpu.memory_space<vmem>>, vector<1x16xf32>,
      %swap3A_364 = vector.shape_cast %swap3A_363 : vector<1x16xf32> to vector<16xf32>
      %swap3A_365 = vector.shape_cast %broadcast_in_dim3A_360 : vector<16xf32> to vector<1x16xf32>
      tpu.vector_store %arg24[%swap3A_361, %swap3A_362], %swap3A_365 {strides = array<i32>} : memref<40x144xf32, #tpu.memory_space<vmem>>, vector<1x16xf32>,
      %broadcast_in_dim3A_366 = arith.constant 0.000000e+00 : f32
      %broadcast_in_dim3A_367 = vector.broadcast %broadcast_in_dim3A_366 : f32 to vector<16xf32>
      %swap3A_368 = arith.index_cast %scan3A_318 : i32 to index
      %swap3A_369 = arith.constant 112 : index
      %swap3A_370 = tpu.vector_load %arg24[%swap3A_368, %swap3A_369] {strides = array<i32>} : memref<40x144xf32, #tpu.memory_space<vmem>>, vector<1x16xf32>,
      %swap3A_371 = vector.shape_cast %swap3A_370 : vector<1x16xf32> to vector<16xf32>
      %swap3A_372 = vector.shape_cast %broadcast_in_dim3A_367 : vector<16xf32> to vector<1x16xf32>
      tpu.vector_store %arg24[%swap3A_368, %swap3A_369], %swap3A_372 {strides = array<i32>} : memref<40x144xf32, #tpu.memory_space<vmem>>, vector<1x16xf32>,
      %broadcast_in_dim3A_373 = arith.constant 0.000000e+00 : f32
      %broadcast_in_dim3A_374 = vector.broadcast %broadcast_in_dim3A_373 : f32 to vector<16xf32>
      %swap3A_375 = arith.index_cast %scan3A_318 : i32 to index
      %swap3A_376 = arith.constant 128 : index
      %swap3A_377 = tpu.vector_load %arg24[%swap3A_375, %swap3A_376] {strides = array<i32>} : memref<40x144xf32, #tpu.memory_space<vmem>>, vector<1x16xf32>,
      %swap3A_378 = vector.shape_cast %swap3A_377 : vector<1x16xf32> to vector<16xf32>
      %swap3A_379 = vector.shape_cast %broadcast_in_dim3A_374 : vector<16xf32> to vector<1x16xf32>
      tpu.vector_store %arg24[%swap3A_375, %swap3A_376], %swap3A_379 {strides = array<i32>} : memref<40x144xf32, #tpu.memory_space<vmem>>, vector<1x16xf32>,
    }
    %scan3A_5 = arith.constant 40 : i32
    %mul3A_6 = arith.constant 640 : i32
    %mul3A_7 = arith.muli %arg1, %mul3A_6 : i32
    %add3A_8 = arith.constant 0 : i32
    %add3A_9 = arith.addi %mul3A_7, %add3A_8 : i32
    "tpu.region"() ({
      %run_scoped3A = tpu.sem_alloc : memref<!tpu.dma_semaphore, #tpu.memory_space<semaphore_mem>>
      %dma_start3A_318 = arith.constant 0 : i32
      %dma_start3A_319 = tpu.memref_slice %arg25[%add3A_9, %dma_start3A_318] : memref<10240x144xf32, #tpu.memory_space<vmem_shared>> -> memref<40x144xf32, #tpu.memory_space<vmem_shared>>
      %dma_start3A_320 = arith.constant 0 : i32
      %dma_start3A_321 = tpu.memref_slice %arg25[%add3A_9, %dma_start3A_320] : memref<10240x144xf32, #tpu.memory_space<vmem_shared>> -> memref<40x144xf32, #tpu.memory_space<vmem_shared>>
      tpu.enqueue_dma source(%arg24 : memref<40x144xf32, #tpu.memory_space<vmem>>) target(%dma_start3A_321 : memref<40x144xf32, #tpu.memory_space<vmem_shared>>) target_semaphore(%run_scoped3A : memref<!tpu.dma_semaphore, #tpu.memory_space<semaphore_mem>>)
      %dma_wait3A_322 = arith.constant 0 : i32
      %dma_wait3A_323 = tpu.memref_slice %arg25[%add3A_9, %dma_wait3A_322] : memref<10240x144xf32, #tpu.memory_space<vmem_shared>> -> memref<40x144xf32, #tpu.memory_space<vmem_shared>>
      %dma_wait3A_324 = arith.constant 0 : i32
      %dma_wait3A_325 = tpu.memref_slice %arg25[%add3A_9, %dma_wait3A_324] : memref<10240x144xf32, #tpu.memory_space<vmem_shared>> -> memref<40x144xf32, #tpu.memory_space<vmem_shared>>
      tpu.wait_dma2 semaphore(%run_scoped3A : memref<!tpu.dma_semaphore, #tpu.memory_space<semaphore_mem>>) src(%arg24 : memref<40x144xf32, #tpu.memory_space<vmem>>) dst(%dma_wait3A_325 : memref<40x144xf32, #tpu.memory_space<vmem_shared>>)
      tpu.yield
    }) : () -> ()
    %mul3A_10 = arith.constant 640 : i32
    %mul3A_11 = arith.muli %arg1, %mul3A_10 : i32
    %add3A_12 = arith.constant 40 : i32
    %add3A_13 = arith.addi %mul3A_11, %add3A_12 : i32
    "tpu.region"() ({
      %run_scoped3A = tpu.sem_alloc : memref<!tpu.dma_semaphore, #tpu.memory_space<semaphore_mem>>
      %dma_start3A_318 = arith.constant 0 : i32
      %dma_start3A_319 = tpu.memref_slice %arg25[%add3A_13, %dma_start3A_318] : memref<10240x144xf32, #tpu.memory_space<vmem_shared>> -> memref<40x144xf32, #tpu.memory_space<vmem_shared>>
      %dma_start3A_320 = arith.constant 0 : i32
      %dma_start3A_321 = tpu.memref_slice %arg25[%add3A_13, %dma_start3A_320] : memref<10240x144xf32, #tpu.memory_space<vmem_shared>> -> memref<40x144xf32, #tpu.memory_space<vmem_shared>>
      tpu.enqueue_dma source(%arg24 : memref<40x144xf32, #tpu.memory_space<vmem>>) target(%dma_start3A_321 : memref<40x144xf32, #tpu.memory_space<vmem_shared>>) target_semaphore(%run_scoped3A : memref<!tpu.dma_semaphore, #tpu.memory_space<semaphore_mem>>)
      %dma_wait3A_322 = arith.constant 0 : i32
      %dma_wait3A_323 = tpu.memref_slice %arg25[%add3A_13, %dma_wait3A_322] : memref<10240x144xf32, #tpu.memory_space<vmem_shared>> -> memref<40x144xf32, #tpu.memory_space<vmem_shared>>
      %dma_wait3A_324 = arith.constant 0 : i32
      %dma_wait3A_325 = tpu.memref_slice %arg25[%add3A_13, %dma_wait3A_324] : memref<10240x144xf32, #tpu.memory_space<vmem_shared>> -> memref<40x144xf32, #tpu.memory_space<vmem_shared>>
      tpu.wait_dma2 semaphore(%run_scoped3A : memref<!tpu.dma_semaphore, #tpu.memory_space<semaphore_mem>>) src(%arg24 : memref<40x144xf32, #tpu.memory_space<vmem>>) dst(%dma_wait3A_325 : memref<40x144xf32, #tpu.memory_space<vmem_shared>>)
      tpu.yield
    }) : () -> ()
    %mul3A_14 = arith.constant 640 : i32
    %mul3A_15 = arith.muli %arg1, %mul3A_14 : i32
    %add3A_16 = arith.constant 80 : i32
    %add3A_17 = arith.addi %mul3A_15, %add3A_16 : i32
    "tpu.region"() ({
      %run_scoped3A = tpu.sem_alloc : memref<!tpu.dma_semaphore, #tpu.memory_space<semaphore_mem>>
      %dma_start3A_318 = arith.constant 0 : i32
      %dma_start3A_319 = tpu.memref_slice %arg25[%add3A_17, %dma_start3A_318] : memref<10240x144xf32, #tpu.memory_space<vmem_shared>> -> memref<40x144xf32, #tpu.memory_space<vmem_shared>>
      %dma_start3A_320 = arith.constant 0 : i32
      %dma_start3A_321 = tpu.memref_slice %arg25[%add3A_17, %dma_start3A_320] : memref<10240x144xf32, #tpu.memory_space<vmem_shared>> -> memref<40x144xf32, #tpu.memory_space<vmem_shared>>
      tpu.enqueue_dma source(%arg24 : memref<40x144xf32, #tpu.memory_space<vmem>>) target(%dma_start3A_321 : memref<40x144xf32, #tpu.memory_space<vmem_shared>>) target_semaphore(%run_scoped3A : memref<!tpu.dma_semaphore, #tpu.memory_space<semaphore_mem>>)
      %dma_wait3A_322 = arith.constant 0 : i32
      %dma_wait3A_323 = tpu.memref_slice %arg25[%add3A_17, %dma_wait3A_322] : memref<10240x144xf32, #tpu.memory_space<vmem_shared>> -> memref<40x144xf32, #tpu.memory_space<vmem_shared>>
      %dma_wait3A_324 = arith.constant 0 : i32
      %dma_wait3A_325 = tpu.memref_slice %arg25[%add3A_17, %dma_wait3A_324] : memref<10240x144xf32, #tpu.memory_space<vmem_shared>> -> memref<40x144xf32, #tpu.memory_space<vmem_shared>>
      tpu.wait_dma2 semaphore(%run_scoped3A : memref<!tpu.dma_semaphore, #tpu.memory_space<semaphore_mem>>) src(%arg24 : memref<40x144xf32, #tpu.memory_space<vmem>>) dst(%dma_wait3A_325 : memref<40x144xf32, #tpu.memory_space<vmem_shared>>)
      tpu.yield
    }) : () -> ()
    %mul3A_18 = arith.constant 640 : i32
    %mul3A_19 = arith.muli %arg1, %mul3A_18 : i32
    %add3A_20 = arith.constant 120 : i32
    %add3A_21 = arith.addi %mul3A_19, %add3A_20 : i32
    "tpu.region"() ({
      %run_scoped3A = tpu.sem_alloc : memref<!tpu.dma_semaphore, #tpu.memory_space<semaphore_mem>>
      %dma_start3A_318 = arith.constant 0 : i32
      %dma_start3A_319 = tpu.memref_slice %arg25[%add3A_21, %dma_start3A_318] : memref<10240x144xf32, #tpu.memory_space<vmem_shared>> -> memref<40x144xf32, #tpu.memory_space<vmem_shared>>
      %dma_start3A_320 = arith.constant 0 : i32
      %dma_start3A_321 = tpu.memref_slice %arg25[%add3A_21, %dma_start3A_320] : memref<10240x144xf32, #tpu.memory_space<vmem_shared>> -> memref<40x144xf32, #tpu.memory_space<vmem_shared>>
      tpu.enqueue_dma source(%arg24 : memref<40x144xf32, #tpu.memory_space<vmem>>) target(%dma_start3A_321 : memref<40x144xf32, #tpu.memory_space<vmem_shared>>) target_semaphore(%run_scoped3A : memref<!tpu.dma_semaphore, #tpu.memory_space<semaphore_mem>>)
      %dma_wait3A_322 = arith.constant 0 : i32
      %dma_wait3A_323 = tpu.memref_slice %arg25[%add3A_21, %dma_wait3A_322] : memref<10240x144xf32, #tpu.memory_space<vmem_shared>> -> memref<40x144xf32, #tpu.memory_space<vmem_shared>>
      %dma_wait3A_324 = arith.constant 0 : i32
      %dma_wait3A_325 = tpu.memref_slice %arg25[%add3A_21, %dma_wait3A_324] : memref<10240x144xf32, #tpu.memory_space<vmem_shared>> -> memref<40x144xf32, #tpu.memory_space<vmem_shared>>
      tpu.wait_dma2 semaphore(%run_scoped3A : memref<!tpu.dma_semaphore, #tpu.memory_space<semaphore_mem>>) src(%arg24 : memref<40x144xf32, #tpu.memory_space<vmem>>) dst(%dma_wait3A_325 : memref<40x144xf32, #tpu.memory_space<vmem_shared>>)
      tpu.yield
    }) : () -> ()
    %mul3A_22 = arith.constant 640 : i32
    %mul3A_23 = arith.muli %arg1, %mul3A_22 : i32
    %add3A_24 = arith.constant 160 : i32
    %add3A_25 = arith.addi %mul3A_23, %add3A_24 : i32
    "tpu.region"() ({
      %run_scoped3A = tpu.sem_alloc : memref<!tpu.dma_semaphore, #tpu.memory_space<semaphore_mem>>
      %dma_start3A_318 = arith.constant 0 : i32
      %dma_start3A_319 = tpu.memref_slice %arg25[%add3A_25, %dma_start3A_318] : memref<10240x144xf32, #tpu.memory_space<vmem_shared>> -> memref<40x144xf32, #tpu.memory_space<vmem_shared>>
      %dma_start3A_320 = arith.constant 0 : i32
      %dma_start3A_321 = tpu.memref_slice %arg25[%add3A_25, %dma_start3A_320] : memref<10240x144xf32, #tpu.memory_space<vmem_shared>> -> memref<40x144xf32, #tpu.memory_space<vmem_shared>>
      tpu.enqueue_dma source(%arg24 : memref<40x144xf32, #tpu.memory_space<vmem>>) target(%dma_start3A_321 : memref<40x144xf32, #tpu.memory_space<vmem_shared>>) target_semaphore(%run_scoped3A : memref<!tpu.dma_semaphore, #tpu.memory_space<semaphore_mem>>)
      %dma_wait3A_322 = arith.constant 0 : i32
      %dma_wait3A_323 = tpu.memref_slice %arg25[%add3A_25, %dma_wait3A_322] : memref<10240x144xf32, #tpu.memory_space<vmem_shared>> -> memref<40x144xf32, #tpu.memory_space<vmem_shared>>
      %dma_wait3A_324 = arith.constant 0 : i32
      %dma_wait3A_325 = tpu.memref_slice %arg25[%add3A_25, %dma_wait3A_324] : memref<10240x144xf32, #tpu.memory_space<vmem_shared>> -> memref<40x144xf32, #tpu.memory_space<vmem_shared>>
      tpu.wait_dma2 semaphore(%run_scoped3A : memref<!tpu.dma_semaphore, #tpu.memory_space<semaphore_mem>>) src(%arg24 : memref<40x144xf32, #tpu.memory_space<vmem>>) dst(%dma_wait3A_325 : memref<40x144xf32, #tpu.memory_space<vmem_shared>>)
      tpu.yield
    }) : () -> ()
    %mul3A_26 = arith.constant 640 : i32
    %mul3A_27 = arith.muli %arg1, %mul3A_26 : i32
    %add3A_28 = arith.constant 200 : i32
    %add3A_29 = arith.addi %mul3A_27, %add3A_28 : i32
    "tpu.region"() ({
      %run_scoped3A = tpu.sem_alloc : memref<!tpu.dma_semaphore, #tpu.memory_space<semaphore_mem>>
      %dma_start3A_318 = arith.constant 0 : i32
      %dma_start3A_319 = tpu.memref_slice %arg25[%add3A_29, %dma_start3A_318] : memref<10240x144xf32, #tpu.memory_space<vmem_shared>> -> memref<40x144xf32, #tpu.memory_space<vmem_shared>>
      %dma_start3A_320 = arith.constant 0 : i32
      %dma_start3A_321 = tpu.memref_slice %arg25[%add3A_29, %dma_start3A_320] : memref<10240x144xf32, #tpu.memory_space<vmem_shared>> -> memref<40x144xf32, #tpu.memory_space<vmem_shared>>
      tpu.enqueue_dma source(%arg24 : memref<40x144xf32, #tpu.memory_space<vmem>>) target(%dma_start3A_321 : memref<40x144xf32, #tpu.memory_space<vmem_shared>>) target_semaphore(%run_scoped3A : memref<!tpu.dma_semaphore, #tpu.memory_space<semaphore_mem>>)
      %dma_wait3A_322 = arith.constant 0 : i32
      %dma_wait3A_323 = tpu.memref_slice %arg25[%add3A_29, %dma_wait3A_322] : memref<10240x144xf32, #tpu.memory_space<vmem_shared>> -> memref<40x144xf32, #tpu.memory_space<vmem_shared>>
      %dma_wait3A_324 = arith.constant 0 : i32
      %dma_wait3A_325 = tpu.memref_slice %arg25[%add3A_29, %dma_wait3A_324] : memref<10240x144xf32, #tpu.memory_space<vmem_shared>> -> memref<40x144xf32, #tpu.memory_space<vmem_shared>>
      tpu.wait_dma2 semaphore(%run_scoped3A : memref<!tpu.dma_semaphore, #tpu.memory_space<semaphore_mem>>) src(%arg24 : memref<40x144xf32, #tpu.memory_space<vmem>>) dst(%dma_wait3A_325 : memref<40x144xf32, #tpu.memory_space<vmem_shared>>)
      tpu.yield
    }) : () -> ()
    %mul3A_30 = arith.constant 640 : i32
    %mul3A_31 = arith.muli %arg1, %mul3A_30 : i32
    %add3A_32 = arith.constant 240 : i32
    %add3A_33 = arith.addi %mul3A_31, %add3A_32 : i32
    "tpu.region"() ({
      %run_scoped3A = tpu.sem_alloc : memref<!tpu.dma_semaphore, #tpu.memory_space<semaphore_mem>>
      %dma_start3A_318 = arith.constant 0 : i32
      %dma_start3A_319 = tpu.memref_slice %arg25[%add3A_33, %dma_start3A_318] : memref<10240x144xf32, #tpu.memory_space<vmem_shared>> -> memref<40x144xf32, #tpu.memory_space<vmem_shared>>
      %dma_start3A_320 = arith.constant 0 : i32
      %dma_start3A_321 = tpu.memref_slice %arg25[%add3A_33, %dma_start3A_320] : memref<10240x144xf32, #tpu.memory_space<vmem_shared>> -> memref<40x144xf32, #tpu.memory_space<vmem_shared>>
      tpu.enqueue_dma source(%arg24 : memref<40x144xf32, #tpu.memory_space<vmem>>) target(%dma_start3A_321 : memref<40x144xf32, #tpu.memory_space<vmem_shared>>) target_semaphore(%run_scoped3A : memref<!tpu.dma_semaphore, #tpu.memory_space<semaphore_mem>>)
      %dma_wait3A_322 = arith.constant 0 : i32
      %dma_wait3A_323 = tpu.memref_slice %arg25[%add3A_33, %dma_wait3A_322] : memref<10240x144xf32, #tpu.memory_space<vmem_shared>> -> memref<40x144xf32, #tpu.memory_space<vmem_shared>>
      %dma_wait3A_324 = arith.constant 0 : i32
      %dma_wait3A_325 = tpu.memref_slice %arg25[%add3A_33, %dma_wait3A_324] : memref<10240x144xf32, #tpu.memory_space<vmem_shared>> -> memref<40x144xf32, #tpu.memory_space<vmem_shared>>
      tpu.wait_dma2 semaphore(%run_scoped3A : memref<!tpu.dma_semaphore, #tpu.memory_space<semaphore_mem>>) src(%arg24 : memref<40x144xf32, #tpu.memory_space<vmem>>) dst(%dma_wait3A_325 : memref<40x144xf32, #tpu.memory_space<vmem_shared>>)
      tpu.yield
    }) : () -> ()
    %mul3A_34 = arith.constant 640 : i32
    %mul3A_35 = arith.muli %arg1, %mul3A_34 : i32
    %add3A_36 = arith.constant 280 : i32
    %add3A_37 = arith.addi %mul3A_35, %add3A_36 : i32
    "tpu.region"() ({
      %run_scoped3A = tpu.sem_alloc : memref<!tpu.dma_semaphore, #tpu.memory_space<semaphore_mem>>
      %dma_start3A_318 = arith.constant 0 : i32
      %dma_start3A_319 = tpu.memref_slice %arg25[%add3A_37, %dma_start3A_318] : memref<10240x144xf32, #tpu.memory_space<vmem_shared>> -> memref<40x144xf32, #tpu.memory_space<vmem_shared>>
      %dma_start3A_320 = arith.constant 0 : i32
      %dma_start3A_321 = tpu.memref_slice %arg25[%add3A_37, %dma_start3A_320] : memref<10240x144xf32, #tpu.memory_space<vmem_shared>> -> memref<40x144xf32, #tpu.memory_space<vmem_shared>>
      tpu.enqueue_dma source(%arg24 : memref<40x144xf32, #tpu.memory_space<vmem>>) target(%dma_start3A_321 : memref<40x144xf32, #tpu.memory_space<vmem_shared>>) target_semaphore(%run_scoped3A : memref<!tpu.dma_semaphore, #tpu.memory_space<semaphore_mem>>)
      %dma_wait3A_322 = arith.constant 0 : i32
      %dma_wait3A_323 = tpu.memref_slice %arg25[%add3A_37, %dma_wait3A_322] : memref<10240x144xf32, #tpu.memory_space<vmem_shared>> -> memref<40x144xf32, #tpu.memory_space<vmem_shared>>
      %dma_wait3A_324 = arith.constant 0 : i32
      %dma_wait3A_325 = tpu.memref_slice %arg25[%add3A_37, %dma_wait3A_324] : memref<10240x144xf32, #tpu.memory_space<vmem_shared>> -> memref<40x144xf32, #tpu.memory_space<vmem_shared>>
      tpu.wait_dma2 semaphore(%run_scoped3A : memref<!tpu.dma_semaphore, #tpu.memory_space<semaphore_mem>>) src(%arg24 : memref<40x144xf32, #tpu.memory_space<vmem>>) dst(%dma_wait3A_325 : memref<40x144xf32, #tpu.memory_space<vmem_shared>>)
      tpu.yield
    }) : () -> ()
    %mul3A_38 = arith.constant 640 : i32
    %mul3A_39 = arith.muli %arg1, %mul3A_38 : i32
    %add3A_40 = arith.constant 320 : i32
    %add3A_41 = arith.addi %mul3A_39, %add3A_40 : i32
    "tpu.region"() ({
      %run_scoped3A = tpu.sem_alloc : memref<!tpu.dma_semaphore, #tpu.memory_space<semaphore_mem>>
      %dma_start3A_318 = arith.constant 0 : i32
      %dma_start3A_319 = tpu.memref_slice %arg25[%add3A_41, %dma_start3A_318] : memref<10240x144xf32, #tpu.memory_space<vmem_shared>> -> memref<40x144xf32, #tpu.memory_space<vmem_shared>>
      %dma_start3A_320 = arith.constant 0 : i32
      %dma_start3A_321 = tpu.memref_slice %arg25[%add3A_41, %dma_start3A_320] : memref<10240x144xf32, #tpu.memory_space<vmem_shared>> -> memref<40x144xf32, #tpu.memory_space<vmem_shared>>
      tpu.enqueue_dma source(%arg24 : memref<40x144xf32, #tpu.memory_space<vmem>>) target(%dma_start3A_321 : memref<40x144xf32, #tpu.memory_space<vmem_shared>>) target_semaphore(%run_scoped3A : memref<!tpu.dma_semaphore, #tpu.memory_space<semaphore_mem>>)
      %dma_wait3A_322 = arith.constant 0 : i32
      %dma_wait3A_323 = tpu.memref_slice %arg25[%add3A_41, %dma_wait3A_322] : memref<10240x144xf32, #tpu.memory_space<vmem_shared>> -> memref<40x144xf32, #tpu.memory_space<vmem_shared>>
      %dma_wait3A_324 = arith.constant 0 : i32
      %dma_wait3A_325 = tpu.memref_slice %arg25[%add3A_41, %dma_wait3A_324] : memref<10240x144xf32, #tpu.memory_space<vmem_shared>> -> memref<40x144xf32, #tpu.memory_space<vmem_shared>>
      tpu.wait_dma2 semaphore(%run_scoped3A : memref<!tpu.dma_semaphore, #tpu.memory_space<semaphore_mem>>) src(%arg24 : memref<40x144xf32, #tpu.memory_space<vmem>>) dst(%dma_wait3A_325 : memref<40x144xf32, #tpu.memory_space<vmem_shared>>)
      tpu.yield
    }) : () -> ()
    %mul3A_42 = arith.constant 640 : i32
    %mul3A_43 = arith.muli %arg1, %mul3A_42 : i32
    %add3A_44 = arith.constant 360 : i32
    %add3A_45 = arith.addi %mul3A_43, %add3A_44 : i32
    "tpu.region"() ({
      %run_scoped3A = tpu.sem_alloc : memref<!tpu.dma_semaphore, #tpu.memory_space<semaphore_mem>>
      %dma_start3A_318 = arith.constant 0 : i32
      %dma_start3A_319 = tpu.memref_slice %arg25[%add3A_45, %dma_start3A_318] : memref<10240x144xf32, #tpu.memory_space<vmem_shared>> -> memref<40x144xf32, #tpu.memory_space<vmem_shared>>
      %dma_start3A_320 = arith.constant 0 : i32
      %dma_start3A_321 = tpu.memref_slice %arg25[%add3A_45, %dma_start3A_320] : memref<10240x144xf32, #tpu.memory_space<vmem_shared>> -> memref<40x144xf32, #tpu.memory_space<vmem_shared>>
      tpu.enqueue_dma source(%arg24 : memref<40x144xf32, #tpu.memory_space<vmem>>) target(%dma_start3A_321 : memref<40x144xf32, #tpu.memory_space<vmem_shared>>) target_semaphore(%run_scoped3A : memref<!tpu.dma_semaphore, #tpu.memory_space<semaphore_mem>>)
      %dma_wait3A_322 = arith.constant 0 : i32
      %dma_wait3A_323 = tpu.memref_slice %arg25[%add3A_45, %dma_wait3A_322] : memref<10240x144xf32, #tpu.memory_space<vmem_shared>> -> memref<40x144xf32, #tpu.memory_space<vmem_shared>>
      %dma_wait3A_324 = arith.constant 0 : i32
      %dma_wait3A_325 = tpu.memref_slice %arg25[%add3A_45, %dma_wait3A_324] : memref<10240x144xf32, #tpu.memory_space<vmem_shared>> -> memref<40x144xf32, #tpu.memory_space<vmem_shared>>
      tpu.wait_dma2 semaphore(%run_scoped3A : memref<!tpu.dma_semaphore, #tpu.memory_space<semaphore_mem>>) src(%arg24 : memref<40x144xf32, #tpu.memory_space<vmem>>) dst(%dma_wait3A_325 : memref<40x144xf32, #tpu.memory_space<vmem_shared>>)
      tpu.yield
    }) : () -> ()
    %mul3A_46 = arith.constant 640 : i32
    %mul3A_47 = arith.muli %arg1, %mul3A_46 : i32
    %add3A_48 = arith.constant 400 : i32
    %add3A_49 = arith.addi %mul3A_47, %add3A_48 : i32
    "tpu.region"() ({
      %run_scoped3A = tpu.sem_alloc : memref<!tpu.dma_semaphore, #tpu.memory_space<semaphore_mem>>
      %dma_start3A_318 = arith.constant 0 : i32
      %dma_start3A_319 = tpu.memref_slice %arg25[%add3A_49, %dma_start3A_318] : memref<10240x144xf32, #tpu.memory_space<vmem_shared>> -> memref<40x144xf32, #tpu.memory_space<vmem_shared>>
      %dma_start3A_320 = arith.constant 0 : i32
      %dma_start3A_321 = tpu.memref_slice %arg25[%add3A_49, %dma_start3A_320] : memref<10240x144xf32, #tpu.memory_space<vmem_shared>> -> memref<40x144xf32, #tpu.memory_space<vmem_shared>>
      tpu.enqueue_dma source(%arg24 : memref<40x144xf32, #tpu.memory_space<vmem>>) target(%dma_start3A_321 : memref<40x144xf32, #tpu.memory_space<vmem_shared>>) target_semaphore(%run_scoped3A : memref<!tpu.dma_semaphore, #tpu.memory_space<semaphore_mem>>)
      %dma_wait3A_322 = arith.constant 0 : i32
      %dma_wait3A_323 = tpu.memref_slice %arg25[%add3A_49, %dma_wait3A_322] : memref<10240x144xf32, #tpu.memory_space<vmem_shared>> -> memref<40x144xf32, #tpu.memory_space<vmem_shared>>
      %dma_wait3A_324 = arith.constant 0 : i32
      %dma_wait3A_325 = tpu.memref_slice %arg25[%add3A_49, %dma_wait3A_324] : memref<10240x144xf32, #tpu.memory_space<vmem_shared>> -> memref<40x144xf32, #tpu.memory_space<vmem_shared>>
      tpu.wait_dma2 semaphore(%run_scoped3A : memref<!tpu.dma_semaphore, #tpu.memory_space<semaphore_mem>>) src(%arg24 : memref<40x144xf32, #tpu.memory_space<vmem>>) dst(%dma_wait3A_325 : memref<40x144xf32, #tpu.memory_space<vmem_shared>>)
      tpu.yield
    }) : () -> ()
    %mul3A_50 = arith.constant 640 : i32
    %mul3A_51 = arith.muli %arg1, %mul3A_50 : i32
    %add3A_52 = arith.constant 440 : i32
    %add3A_53 = arith.addi %mul3A_51, %add3A_52 : i32
    "tpu.region"() ({
      %run_scoped3A = tpu.sem_alloc : memref<!tpu.dma_semaphore, #tpu.memory_space<semaphore_mem>>
      %dma_start3A_318 = arith.constant 0 : i32
      %dma_start3A_319 = tpu.memref_slice %arg25[%add3A_53, %dma_start3A_318] : memref<10240x144xf32, #tpu.memory_space<vmem_shared>> -> memref<40x144xf32, #tpu.memory_space<vmem_shared>>
      %dma_start3A_320 = arith.constant 0 : i32
      %dma_start3A_321 = tpu.memref_slice %arg25[%add3A_53, %dma_start3A_320] : memref<10240x144xf32, #tpu.memory_space<vmem_shared>> -> memref<40x144xf32, #tpu.memory_space<vmem_shared>>
      tpu.enqueue_dma source(%arg24 : memref<40x144xf32, #tpu.memory_space<vmem>>) target(%dma_start3A_321 : memref<40x144xf32, #tpu.memory_space<vmem_shared>>) target_semaphore(%run_scoped3A : memref<!tpu.dma_semaphore, #tpu.memory_space<semaphore_mem>>)
      %dma_wait3A_322 = arith.constant 0 : i32
      %dma_wait3A_323 = tpu.memref_slice %arg25[%add3A_53, %dma_wait3A_322] : memref<10240x144xf32, #tpu.memory_space<vmem_shared>> -> memref<40x144xf32, #tpu.memory_space<vmem_shared>>
      %dma_wait3A_324 = arith.constant 0 : i32
      %dma_wait3A_325 = tpu.memref_slice %arg25[%add3A_53, %dma_wait3A_324] : memref<10240x144xf32, #tpu.memory_space<vmem_shared>> -> memref<40x144xf32, #tpu.memory_space<vmem_shared>>
      tpu.wait_dma2 semaphore(%run_scoped3A : memref<!tpu.dma_semaphore, #tpu.memory_space<semaphore_mem>>) src(%arg24 : memref<40x144xf32, #tpu.memory_space<vmem>>) dst(%dma_wait3A_325 : memref<40x144xf32, #tpu.memory_space<vmem_shared>>)
      tpu.yield
    }) : () -> ()
    %mul3A_54 = arith.constant 640 : i32
    %mul3A_55 = arith.muli %arg1, %mul3A_54 : i32
    %add3A_56 = arith.constant 480 : i32
    %add3A_57 = arith.addi %mul3A_55, %add3A_56 : i32
    "tpu.region"() ({
      %run_scoped3A = tpu.sem_alloc : memref<!tpu.dma_semaphore, #tpu.memory_space<semaphore_mem>>
      %dma_start3A_318 = arith.constant 0 : i32
      %dma_start3A_319 = tpu.memref_slice %arg25[%add3A_57, %dma_start3A_318] : memref<10240x144xf32, #tpu.memory_space<vmem_shared>> -> memref<40x144xf32, #tpu.memory_space<vmem_shared>>
      %dma_start3A_320 = arith.constant 0 : i32
      %dma_start3A_321 = tpu.memref_slice %arg25[%add3A_57, %dma_start3A_320] : memref<10240x144xf32, #tpu.memory_space<vmem_shared>> -> memref<40x144xf32, #tpu.memory_space<vmem_shared>>
      tpu.enqueue_dma source(%arg24 : memref<40x144xf32, #tpu.memory_space<vmem>>) target(%dma_start3A_321 : memref<40x144xf32, #tpu.memory_space<vmem_shared>>) target_semaphore(%run_scoped3A : memref<!tpu.dma_semaphore, #tpu.memory_space<semaphore_mem>>)
      %dma_wait3A_322 = arith.constant 0 : i32
      %dma_wait3A_323 = tpu.memref_slice %arg25[%add3A_57, %dma_wait3A_322] : memref<10240x144xf32, #tpu.memory_space<vmem_shared>> -> memref<40x144xf32, #tpu.memory_space<vmem_shared>>
      %dma_wait3A_324 = arith.constant 0 : i32
      %dma_wait3A_325 = tpu.memref_slice %arg25[%add3A_57, %dma_wait3A_324] : memref<10240x144xf32, #tpu.memory_space<vmem_shared>> -> memref<40x144xf32, #tpu.memory_space<vmem_shared>>
      tpu.wait_dma2 semaphore(%run_scoped3A : memref<!tpu.dma_semaphore, #tpu.memory_space<semaphore_mem>>) src(%arg24 : memref<40x144xf32, #tpu.memory_space<vmem>>) dst(%dma_wait3A_325 : memref<40x144xf32, #tpu.memory_space<vmem_shared>>)
      tpu.yield
    }) : () -> ()
    %mul3A_58 = arith.constant 640 : i32
    %mul3A_59 = arith.muli %arg1, %mul3A_58 : i32
    %add3A_60 = arith.constant 520 : i32
    %add3A_61 = arith.addi %mul3A_59, %add3A_60 : i32
    "tpu.region"() ({
      %run_scoped3A = tpu.sem_alloc : memref<!tpu.dma_semaphore, #tpu.memory_space<semaphore_mem>>
      %dma_start3A_318 = arith.constant 0 : i32
      %dma_start3A_319 = tpu.memref_slice %arg25[%add3A_61, %dma_start3A_318] : memref<10240x144xf32, #tpu.memory_space<vmem_shared>> -> memref<40x144xf32, #tpu.memory_space<vmem_shared>>
      %dma_start3A_320 = arith.constant 0 : i32
      %dma_start3A_321 = tpu.memref_slice %arg25[%add3A_61, %dma_start3A_320] : memref<10240x144xf32, #tpu.memory_space<vmem_shared>> -> memref<40x144xf32, #tpu.memory_space<vmem_shared>>
      tpu.enqueue_dma source(%arg24 : memref<40x144xf32, #tpu.memory_space<vmem>>) target(%dma_start3A_321 : memref<40x144xf32, #tpu.memory_space<vmem_shared>>) target_semaphore(%run_scoped3A : memref<!tpu.dma_semaphore, #tpu.memory_space<semaphore_mem>>)
      %dma_wait3A_322 = arith.constant 0 : i32
      %dma_wait3A_323 = tpu.memref_slice %arg25[%add3A_61, %dma_wait3A_322] : memref<10240x144xf32, #tpu.memory_space<vmem_shared>> -> memref<40x144xf32, #tpu.memory_space<vmem_shared>>
      %dma_wait3A_324 = arith.constant 0 : i32
      %dma_wait3A_325 = tpu.memref_slice %arg25[%add3A_61, %dma_wait3A_324] : memref<10240x144xf32, #tpu.memory_space<vmem_shared>> -> memref<40x144xf32, #tpu.memory_space<vmem_shared>>
      tpu.wait_dma2 semaphore(%run_scoped3A : memref<!tpu.dma_semaphore, #tpu.memory_space<semaphore_mem>>) src(%arg24 : memref<40x144xf32, #tpu.memory_space<vmem>>) dst(%dma_wait3A_325 : memref<40x144xf32, #tpu.memory_space<vmem_shared>>)
      tpu.yield
    }) : () -> ()
    %mul3A_62 = arith.constant 640 : i32
    %mul3A_63 = arith.muli %arg1, %mul3A_62 : i32
    %add3A_64 = arith.constant 560 : i32
    %add3A_65 = arith.addi %mul3A_63, %add3A_64 : i32
    "tpu.region"() ({
      %run_scoped3A = tpu.sem_alloc : memref<!tpu.dma_semaphore, #tpu.memory_space<semaphore_mem>>
      %dma_start3A_318 = arith.constant 0 : i32
      %dma_start3A_319 = tpu.memref_slice %arg25[%add3A_65, %dma_start3A_318] : memref<10240x144xf32, #tpu.memory_space<vmem_shared>> -> memref<40x144xf32, #tpu.memory_space<vmem_shared>>
      %dma_start3A_320 = arith.constant 0 : i32
      %dma_start3A_321 = tpu.memref_slice %arg25[%add3A_65, %dma_start3A_320] : memref<10240x144xf32, #tpu.memory_space<vmem_shared>> -> memref<40x144xf32, #tpu.memory_space<vmem_shared>>
      tpu.enqueue_dma source(%arg24 : memref<40x144xf32, #tpu.memory_space<vmem>>) target(%dma_start3A_321 : memref<40x144xf32, #tpu.memory_space<vmem_shared>>) target_semaphore(%run_scoped3A : memref<!tpu.dma_semaphore, #tpu.memory_space<semaphore_mem>>)
      %dma_wait3A_322 = arith.constant 0 : i32
      %dma_wait3A_323 = tpu.memref_slice %arg25[%add3A_65, %dma_wait3A_322] : memref<10240x144xf32, #tpu.memory_space<vmem_shared>> -> memref<40x144xf32, #tpu.memory_space<vmem_shared>>
      %dma_wait3A_324 = arith.constant 0 : i32
      %dma_wait3A_325 = tpu.memref_slice %arg25[%add3A_65, %dma_wait3A_324] : memref<10240x144xf32, #tpu.memory_space<vmem_shared>> -> memref<40x144xf32, #tpu.memory_space<vmem_shared>>
      tpu.wait_dma2 semaphore(%run_scoped3A : memref<!tpu.dma_semaphore, #tpu.memory_space<semaphore_mem>>) src(%arg24 : memref<40x144xf32, #tpu.memory_space<vmem>>) dst(%dma_wait3A_325 : memref<40x144xf32, #tpu.memory_space<vmem_shared>>)
      tpu.yield
    }) : () -> ()
    %mul3A_66 = arith.constant 640 : i32
    %mul3A_67 = arith.muli %arg1, %mul3A_66 : i32
    %add3A_68 = arith.constant 600 : i32
    %add3A_69 = arith.addi %mul3A_67, %add3A_68 : i32
    "tpu.region"() ({
      %run_scoped3A = tpu.sem_alloc : memref<!tpu.dma_semaphore, #tpu.memory_space<semaphore_mem>>
      %dma_start3A_318 = arith.constant 0 : i32
      %dma_start3A_319 = tpu.memref_slice %arg25[%add3A_69, %dma_start3A_318] : memref<10240x144xf32, #tpu.memory_space<vmem_shared>> -> memref<40x144xf32, #tpu.memory_space<vmem_shared>>
      %dma_start3A_320 = arith.constant 0 : i32
      %dma_start3A_321 = tpu.memref_slice %arg25[%add3A_69, %dma_start3A_320] : memref<10240x144xf32, #tpu.memory_space<vmem_shared>> -> memref<40x144xf32, #tpu.memory_space<vmem_shared>>
      tpu.enqueue_dma source(%arg24 : memref<40x144xf32, #tpu.memory_space<vmem>>) target(%dma_start3A_321 : memref<40x144xf32, #tpu.memory_space<vmem_shared>>) target_semaphore(%run_scoped3A : memref<!tpu.dma_semaphore, #tpu.memory_space<semaphore_mem>>)
      %dma_wait3A_322 = arith.constant 0 : i32
      %dma_wait3A_323 = tpu.memref_slice %arg25[%add3A_69, %dma_wait3A_322] : memref<10240x144xf32, #tpu.memory_space<vmem_shared>> -> memref<40x144xf32, #tpu.memory_space<vmem_shared>>
      %dma_wait3A_324 = arith.constant 0 : i32
      %dma_wait3A_325 = tpu.memref_slice %arg25[%add3A_69, %dma_wait3A_324] : memref<10240x144xf32, #tpu.memory_space<vmem_shared>> -> memref<40x144xf32, #tpu.memory_space<vmem_shared>>
      tpu.wait_dma2 semaphore(%run_scoped3A : memref<!tpu.dma_semaphore, #tpu.memory_space<semaphore_mem>>) src(%arg24 : memref<40x144xf32, #tpu.memory_space<vmem>>) dst(%dma_wait3A_325 : memref<40x144xf32, #tpu.memory_space<vmem_shared>>)
      tpu.yield
    }) : () -> ()
    %barrier3A = arith.constant 0 : index
    tpu.barrier barrier_id(%barrier3A)
    %mul3A_70 = arith.constant 10000 : i32
    %mul3A_71 = arith.muli %add3A, %mul3A_70 : i32
    %add3A_72 = arith.constant 0 : i32
    %add3A_73 = arith.addi %mul3A_71, %add3A_72 : i32
    %multiple_of3A = tpu.assume_multiple %add3A_73, 8 : i32
    %dma_start3A = tpu.memref_slice %arg2[%multiple_of3A] : memref<320000xi32, #tpu.memory_space<hbm>> -> memref<40xi32, #tpu.memory_space<hbm>>
    %dma_start3A_74 = tpu.memref_slice %arg2[%multiple_of3A] : memref<320000xi32, #tpu.memory_space<hbm>> -> memref<40xi32, #tpu.memory_space<hbm>>
    tpu.enqueue_dma source(%dma_start3A_74 : memref<40xi32, #tpu.memory_space<hbm>>) target(%arg10 : memref<40xi32, #tpu.memory_space<vmem>>) target_semaphore(%arg26 : memref<!tpu.dma_semaphore, #tpu.memory_space<semaphore_mem>>)
    %dma_start3A_75 = tpu.memref_slice %arg3[%multiple_of3A] : memref<320000xi32, #tpu.memory_space<hbm>> -> memref<40xi32, #tpu.memory_space<hbm>>
    %dma_start3A_76 = tpu.memref_slice %arg3[%multiple_of3A] : memref<320000xi32, #tpu.memory_space<hbm>> -> memref<40xi32, #tpu.memory_space<hbm>>
    tpu.enqueue_dma source(%dma_start3A_76 : memref<40xi32, #tpu.memory_space<hbm>>) target(%arg11 : memref<40xi32, #tpu.memory_space<vmem>>) target_semaphore(%arg26 : memref<!tpu.dma_semaphore, #tpu.memory_space<semaphore_mem>>)
    %dma_start3A_77 = arith.constant 0 : i32
    %dma_start3A_78 = tpu.memref_slice %arg6[%multiple_of3A, %dma_start3A_77] : memref<320000x16xf32, #tpu.memory_space<hbm>> -> memref<40x16xf32, #tpu.memory_space<hbm>>
    %dma_start3A_79 = arith.constant 0 : i32
    %dma_start3A_80 = tpu.memref_slice %arg6[%multiple_of3A, %dma_start3A_79] : memref<320000x16xf32, #tpu.memory_space<hbm>> -> memref<40x16xf32, #tpu.memory_space<hbm>>
    tpu.enqueue_dma source(%dma_start3A_80 : memref<40x16xf32, #tpu.memory_space<hbm>>) target(%arg14 : memref<40x16xf32, #tpu.memory_space<vmem>>) target_semaphore(%arg26 : memref<!tpu.dma_semaphore, #tpu.memory_space<semaphore_mem>>)
    %dma_start3A_81 = arith.constant 0 : i32
    %dma_start3A_82 = tpu.memref_slice %arg8[%multiple_of3A, %dma_start3A_81] : memref<320000x128xf32, #tpu.memory_space<hbm>> -> memref<40x128xf32, #tpu.memory_space<hbm>>
    %dma_start3A_83 = arith.constant 0 : i32
    %dma_start3A_84 = tpu.memref_slice %arg8[%multiple_of3A, %dma_start3A_83] : memref<320000x128xf32, #tpu.memory_space<hbm>> -> memref<40x128xf32, #tpu.memory_space<hbm>>
    tpu.enqueue_dma source(%dma_start3A_84 : memref<40x128xf32, #tpu.memory_space<hbm>>) target(%arg16 : memref<40x128xf32, #tpu.memory_space<vmem>>) target_semaphore(%arg26 : memref<!tpu.dma_semaphore, #tpu.memory_space<semaphore_mem>>)
    %mul3A_85 = arith.constant 10000 : i32
    %mul3A_86 = arith.muli %add3A, %mul3A_85 : i32
    %add3A_87 = arith.constant 0 : i32
    %add3A_88 = arith.addi %mul3A_86, %add3A_87 : i32
    %multiple_of3A_89 = tpu.assume_multiple %add3A_88, 8 : i32
    %dma_wait3A = tpu.memref_slice %arg2[%multiple_of3A_89] : memref<320000xi32, #tpu.memory_space<hbm>> -> memref<40xi32, #tpu.memory_space<hbm>>
    %dma_wait3A_90 = tpu.memref_slice %arg2[%multiple_of3A_89] : memref<320000xi32, #tpu.memory_space<hbm>> -> memref<40xi32, #tpu.memory_space<hbm>>
    tpu.wait_dma2 semaphore(%arg26 : memref<!tpu.dma_semaphore, #tpu.memory_space<semaphore_mem>>) src(%dma_wait3A_90 : memref<40xi32, #tpu.memory_space<hbm>>) dst(%arg10 : memref<40xi32, #tpu.memory_space<vmem>>)
    %dma_wait3A_91 = tpu.memref_slice %arg3[%multiple_of3A_89] : memref<320000xi32, #tpu.memory_space<hbm>> -> memref<40xi32, #tpu.memory_space<hbm>>
    %dma_wait3A_92 = tpu.memref_slice %arg3[%multiple_of3A_89] : memref<320000xi32, #tpu.memory_space<hbm>> -> memref<40xi32, #tpu.memory_space<hbm>>
    tpu.wait_dma2 semaphore(%arg26 : memref<!tpu.dma_semaphore, #tpu.memory_space<semaphore_mem>>) src(%dma_wait3A_92 : memref<40xi32, #tpu.memory_space<hbm>>) dst(%arg11 : memref<40xi32, #tpu.memory_space<vmem>>)
    %dma_wait3A_93 = arith.constant 0 : i32
    %dma_wait3A_94 = tpu.memref_slice %arg6[%multiple_of3A_89, %dma_wait3A_93] : memref<320000x16xf32, #tpu.memory_space<hbm>> -> memref<40x16xf32, #tpu.memory_space<hbm>>
    %dma_wait3A_95 = arith.constant 0 : i32
    %dma_wait3A_96 = tpu.memref_slice %arg6[%multiple_of3A_89, %dma_wait3A_95] : memref<320000x16xf32, #tpu.memory_space<hbm>> -> memref<40x16xf32, #tpu.memory_space<hbm>>
    tpu.wait_dma2 semaphore(%arg26 : memref<!tpu.dma_semaphore, #tpu.memory_space<semaphore_mem>>) src(%dma_wait3A_96 : memref<40x16xf32, #tpu.memory_space<hbm>>) dst(%arg14 : memref<40x16xf32, #tpu.memory_space<vmem>>)
    %dma_wait3A_97 = arith.constant 0 : i32
    %dma_wait3A_98 = tpu.memref_slice %arg8[%multiple_of3A_89, %dma_wait3A_97] : memref<320000x128xf32, #tpu.memory_space<hbm>> -> memref<40x128xf32, #tpu.memory_space<hbm>>
    %dma_wait3A_99 = arith.constant 0 : i32
    %dma_wait3A_100 = tpu.memref_slice %arg8[%multiple_of3A_89, %dma_wait3A_99] : memref<320000x128xf32, #tpu.memory_space<hbm>> -> memref<40x128xf32, #tpu.memory_space<hbm>>
    tpu.wait_dma2 semaphore(%arg26 : memref<!tpu.dma_semaphore, #tpu.memory_space<semaphore_mem>>) src(%dma_wait3A_100 : memref<40x128xf32, #tpu.memory_space<hbm>>) dst(%arg16 : memref<40x128xf32, #tpu.memory_space<vmem>>)
    %dma_start3A_101 = arith.constant 0 : i32
    %dma_start3A_102 = arith.constant 0 : i32
    %dma_start3A_103 = tpu.memref_slice %arg4[%dma_start3A_101, %dma_start3A_102] : memref<10000x16xf32, #tpu.memory_space<hbm>> -> memref<10000x16xf32, #tpu.memory_space<hbm>>
    tpu.enqueue_indirect_dma source(%dma_start3A_103 : memref<10000x16xf32, #tpu.memory_space<hbm>>) target(%arg12 : memref<40x16xf32, #tpu.memory_space<vmem>>) offsets(%arg10 : memref<40xi32, #tpu.memory_space<vmem>>) semaphore(%arg28 : memref<!tpu.dma_semaphore, #tpu.memory_space<semaphore_mem>>)
    %dma_start3A_104 = arith.constant 0 : i32
    %dma_start3A_105 = arith.constant 0 : i32
    %dma_start3A_106 = tpu.memref_slice %arg5[%dma_start3A_104, %dma_start3A_105] : memref<10000x16xf32, #tpu.memory_space<hbm>> -> memref<10000x16xf32, #tpu.memory_space<hbm>>
    tpu.enqueue_indirect_dma source(%dma_start3A_106 : memref<10000x16xf32, #tpu.memory_space<hbm>>) target(%arg13 : memref<40x16xf32, #tpu.memory_space<vmem>>) offsets(%arg11 : memref<40xi32, #tpu.memory_space<vmem>>) semaphore(%arg28 : memref<!tpu.dma_semaphore, #tpu.memory_space<semaphore_mem>>)
    %dma_start3A_107 = arith.constant 0 : i32
    %dma_start3A_108 = arith.constant 0 : i32
    %dma_start3A_109 = tpu.memref_slice %arg7[%dma_start3A_107, %dma_start3A_108] : memref<10000x128xf32, #tpu.memory_space<hbm>> -> memref<10000x128xf32, #tpu.memory_space<hbm>>
    tpu.enqueue_indirect_dma source(%dma_start3A_109 : memref<10000x128xf32, #tpu.memory_space<hbm>>) target(%arg15 : memref<40x128xf32, #tpu.memory_space<vmem>>) offsets(%arg10 : memref<40xi32, #tpu.memory_space<vmem>>) semaphore(%arg28 : memref<!tpu.dma_semaphore, #tpu.memory_space<semaphore_mem>>)
    %mul3A_110 = arith.constant 10000 : i32
    %mul3A_111 = arith.muli %add3A, %mul3A_110 : i32
    %add3A_112 = arith.constant 40 : i32
    %add3A_113 = arith.addi %mul3A_111, %add3A_112 : i32
    %multiple_of3A_114 = tpu.assume_multiple %add3A_113, 8 : i32
    %dma_start3A_115 = tpu.memref_slice %arg2[%multiple_of3A_114] : memref<320000xi32, #tpu.memory_space<hbm>> -> memref<40xi32, #tpu.memory_space<hbm>>
    %dma_start3A_116 = tpu.memref_slice %arg2[%multiple_of3A_114] : memref<320000xi32, #tpu.memory_space<hbm>> -> memref<40xi32, #tpu.memory_space<hbm>>
    tpu.enqueue_dma source(%dma_start3A_116 : memref<40xi32, #tpu.memory_space<hbm>>) target(%arg17 : memref<40xi32, #tpu.memory_space<vmem>>) target_semaphore(%arg27 : memref<!tpu.dma_semaphore, #tpu.memory_space<semaphore_mem>>)
    %dma_start3A_117 = tpu.memref_slice %arg3[%multiple_of3A_114] : memref<320000xi32, #tpu.memory_space<hbm>> -> memref<40xi32, #tpu.memory_space<hbm>>
    %dma_start3A_118 = tpu.memref_slice %arg3[%multiple_of3A_114] : memref<320000xi32, #tpu.memory_space<hbm>> -> memref<40xi32, #tpu.memory_space<hbm>>
    tpu.enqueue_dma source(%dma_start3A_118 : memref<40xi32, #tpu.memory_space<hbm>>) target(%arg18 : memref<40xi32, #tpu.memory_space<vmem>>) target_semaphore(%arg27 : memref<!tpu.dma_semaphore, #tpu.memory_space<semaphore_mem>>)
    %dma_start3A_119 = arith.constant 0 : i32
    %dma_start3A_120 = tpu.memref_slice %arg6[%multiple_of3A_114, %dma_start3A_119] : memref<320000x16xf32, #tpu.memory_space<hbm>> -> memref<40x16xf32, #tpu.memory_space<hbm>>
    %dma_start3A_121 = arith.constant 0 : i32
    %dma_start3A_122 = tpu.memref_slice %arg6[%multiple_of3A_114, %dma_start3A_121] : memref<320000x16xf32, #tpu.memory_space<hbm>> -> memref<40x16xf32, #tpu.memory_space<hbm>>
    tpu.enqueue_dma source(%dma_start3A_122 : memref<40x16xf32, #tpu.memory_space<hbm>>) target(%arg21 : memref<40x16xf32, #tpu.memory_space<vmem>>) target_semaphore(%arg27 : memref<!tpu.dma_semaphore, #tpu.memory_space<semaphore_mem>>)
    %dma_start3A_123 = arith.constant 0 : i32
    %dma_start3A_124 = tpu.memref_slice %arg8[%multiple_of3A_114, %dma_start3A_123] : memref<320000x128xf32, #tpu.memory_space<hbm>> -> memref<40x128xf32, #tpu.memory_space<hbm>>
    %dma_start3A_125 = arith.constant 0 : i32
    %dma_start3A_126 = tpu.memref_slice %arg8[%multiple_of3A_114, %dma_start3A_125] : memref<320000x128xf32, #tpu.memory_space<hbm>> -> memref<40x128xf32, #tpu.memory_space<hbm>>
    tpu.enqueue_dma source(%dma_start3A_126 : memref<40x128xf32, #tpu.memory_space<hbm>>) target(%arg23 : memref<40x128xf32, #tpu.memory_space<vmem>>) target_semaphore(%arg27 : memref<!tpu.dma_semaphore, #tpu.memory_space<semaphore_mem>>)
    %scan3A_127 = arith.constant 0 : i32
    %scan3A_128 = arith.constant 0 : i32
    %scan3A_129 = arith.constant 124 : i32
    %scan3A_130 = arith.addi %scan3A_128, %scan3A_129 : i32
    %scan3A_131 = arith.constant 1 : i32
    scf.for %scan3A_318 = %scan3A_128 to %scan3A_130 step %scan3A_131  : i32 {
      %mul3A_319 = arith.constant 2 : i32
      %mul3A_320 = arith.muli %mul3A_319, %scan3A_318 : i32
      %add3A_321 = arith.constant 1 : i32
      %add3A_322 = arith.addi %mul3A_320, %add3A_321 : i32
      %mul3A_323 = arith.constant 10000 : i32
      %mul3A_324 = arith.muli %add3A, %mul3A_323 : i32
      %mul3A_325 = arith.constant 40 : i32
      %mul3A_326 = arith.muli %add3A_322, %mul3A_325 : i32
      %add3A_327 = arith.addi %mul3A_324, %mul3A_326 : i32
      %multiple_of3A_328 = tpu.assume_multiple %add3A_327, 8 : i32
      %dma_wait3A_329 = tpu.memref_slice %arg2[%multiple_of3A_328] : memref<320000xi32, #tpu.memory_space<hbm>> -> memref<40xi32, #tpu.memory_space<hbm>>
      %dma_wait3A_330 = tpu.memref_slice %arg2[%multiple_of3A_328] : memref<320000xi32, #tpu.memory_space<hbm>> -> memref<40xi32, #tpu.memory_space<hbm>>
      tpu.wait_dma2 semaphore(%arg27 : memref<!tpu.dma_semaphore, #tpu.memory_space<semaphore_mem>>) src(%dma_wait3A_330 : memref<40xi32, #tpu.memory_space<hbm>>) dst(%arg17 : memref<40xi32, #tpu.memory_space<vmem>>)
      %dma_wait3A_331 = tpu.memref_slice %arg3[%multiple_of3A_328] : memref<320000xi32, #tpu.memory_space<hbm>> -> memref<40xi32, #tpu.memory_space<hbm>>
      %dma_wait3A_332 = tpu.memref_slice %arg3[%multiple_of3A_328] : memref<320000xi32, #tpu.memory_space<hbm>> -> memref<40xi32, #tpu.memory_space<hbm>>
      tpu.wait_dma2 semaphore(%arg27 : memref<!tpu.dma_semaphore, #tpu.memory_space<semaphore_mem>>) src(%dma_wait3A_332 : memref<40xi32, #tpu.memory_space<hbm>>) dst(%arg18 : memref<40xi32, #tpu.memory_space<vmem>>)
      %dma_wait3A_333 = arith.constant 0 : i32
      %dma_wait3A_334 = tpu.memref_slice %arg6[%multiple_of3A_328, %dma_wait3A_333] : memref<320000x16xf32, #tpu.memory_space<hbm>> -> memref<40x16xf32, #tpu.memory_space<hbm>>
      %dma_wait3A_335 = arith.constant 0 : i32
      %dma_wait3A_336 = tpu.memref_slice %arg6[%multiple_of3A_328, %dma_wait3A_335] : memref<320000x16xf32, #tpu.memory_space<hbm>> -> memref<40x16xf32, #tpu.memory_space<hbm>>
      tpu.wait_dma2 semaphore(%arg27 : memref<!tpu.dma_semaphore, #tpu.memory_space<semaphore_mem>>) src(%dma_wait3A_336 : memref<40x16xf32, #tpu.memory_space<hbm>>) dst(%arg21 : memref<40x16xf32, #tpu.memory_space<vmem>>)
      %dma_wait3A_337 = arith.constant 0 : i32
      %dma_wait3A_338 = tpu.memref_slice %arg8[%multiple_of3A_328, %dma_wait3A_337] : memref<320000x128xf32, #tpu.memory_space<hbm>> -> memref<40x128xf32, #tpu.memory_space<hbm>>
      %dma_wait3A_339 = arith.constant 0 : i32
      %dma_wait3A_340 = tpu.memref_slice %arg8[%multiple_of3A_328, %dma_wait3A_339] : memref<320000x128xf32, #tpu.memory_space<hbm>> -> memref<40x128xf32, #tpu.memory_space<hbm>>
      tpu.wait_dma2 semaphore(%arg27 : memref<!tpu.dma_semaphore, #tpu.memory_space<semaphore_mem>>) src(%dma_wait3A_340 : memref<40x128xf32, #tpu.memory_space<hbm>>) dst(%arg23 : memref<40x128xf32, #tpu.memory_space<vmem>>)
      %dma_start3A_341 = arith.constant 0 : i32
      %dma_start3A_342 = arith.constant 0 : i32
      %dma_start3A_343 = tpu.memref_slice %arg4[%dma_start3A_341, %dma_start3A_342] : memref<10000x16xf32, #tpu.memory_space<hbm>> -> memref<10000x16xf32, #tpu.memory_space<hbm>>
      tpu.enqueue_indirect_dma source(%dma_start3A_343 : memref<10000x16xf32, #tpu.memory_space<hbm>>) target(%arg19 : memref<40x16xf32, #tpu.memory_space<vmem>>) offsets(%arg17 : memref<40xi32, #tpu.memory_space<vmem>>) semaphore(%arg29 : memref<!tpu.dma_semaphore, #tpu.memory_space<semaphore_mem>>)
      %dma_start3A_344 = arith.constant 0 : i32
      %dma_start3A_345 = arith.constant 0 : i32
      %dma_start3A_346 = tpu.memref_slice %arg5[%dma_start3A_344, %dma_start3A_345] : memref<10000x16xf32, #tpu.memory_space<hbm>> -> memref<10000x16xf32, #tpu.memory_space<hbm>>
      tpu.enqueue_indirect_dma source(%dma_start3A_346 : memref<10000x16xf32, #tpu.memory_space<hbm>>) target(%arg20 : memref<40x16xf32, #tpu.memory_space<vmem>>) offsets(%arg18 : memref<40xi32, #tpu.memory_space<vmem>>) semaphore(%arg29 : memref<!tpu.dma_semaphore, #tpu.memory_space<semaphore_mem>>)
      %dma_start3A_347 = arith.constant 0 : i32
      %dma_start3A_348 = arith.constant 0 : i32
      %dma_start3A_349 = tpu.memref_slice %arg7[%dma_start3A_347, %dma_start3A_348] : memref<10000x128xf32, #tpu.memory_space<hbm>> -> memref<10000x128xf32, #tpu.memory_space<hbm>>
      tpu.enqueue_indirect_dma source(%dma_start3A_349 : memref<10000x128xf32, #tpu.memory_space<hbm>>) target(%arg22 : memref<40x128xf32, #tpu.memory_space<vmem>>) offsets(%arg17 : memref<40xi32, #tpu.memory_space<vmem>>) semaphore(%arg29 : memref<!tpu.dma_semaphore, #tpu.memory_space<semaphore_mem>>)
      %dma_wait3A_350 = arith.constant 0 : i32
      %dma_wait3A_351 = arith.constant 0 : i32
      %dma_wait3A_352 = tpu.memref_slice %arg4[%dma_wait3A_350, %dma_wait3A_351] : memref<10000x16xf32, #tpu.memory_space<hbm>> -> memref<10000x16xf32, #tpu.memory_space<hbm>>
      tpu.wait_indirect_dma semaphore(%arg28 : memref<!tpu.dma_semaphore, #tpu.memory_space<semaphore_mem>>) src(%dma_wait3A_352 : memref<10000x16xf32, #tpu.memory_space<hbm>>) dst(%arg12 : memref<40x16xf32, #tpu.memory_space<vmem>>)
      %dma_wait3A_353 = arith.constant 0 : i32
      %dma_wait3A_354 = arith.constant 0 : i32
      %dma_wait3A_355 = tpu.memref_slice %arg5[%dma_wait3A_353, %dma_wait3A_354] : memref<10000x16xf32, #tpu.memory_space<hbm>> -> memref<10000x16xf32, #tpu.memory_space<hbm>>
      tpu.wait_indirect_dma semaphore(%arg28 : memref<!tpu.dma_semaphore, #tpu.memory_space<semaphore_mem>>) src(%dma_wait3A_355 : memref<10000x16xf32, #tpu.memory_space<hbm>>) dst(%arg13 : memref<40x16xf32, #tpu.memory_space<vmem>>)
      %dma_wait3A_356 = arith.constant 0 : i32
      %dma_wait3A_357 = arith.constant 0 : i32
      %dma_wait3A_358 = tpu.memref_slice %arg7[%dma_wait3A_356, %dma_wait3A_357] : memref<10000x128xf32, #tpu.memory_space<hbm>> -> memref<10000x128xf32, #tpu.memory_space<hbm>>
      tpu.wait_indirect_dma semaphore(%arg28 : memref<!tpu.dma_semaphore, #tpu.memory_space<semaphore_mem>>) src(%dma_wait3A_358 : memref<10000x128xf32, #tpu.memory_space<hbm>>) dst(%arg15 : memref<40x128xf32, #tpu.memory_space<vmem>>)
      %scan3A_359 = arith.constant 0 : i32
      %scan3A_360 = arith.constant 0 : i32
      %scan3A_361 = arith.constant 40 : i32
      %scan3A_362 = arith.addi %scan3A_360, %scan3A_361 : i32
      %scan3A_363 = arith.constant 1 : i32
      scf.for %scan3A_449 = %scan3A_360 to %scan3A_362 step %scan3A_363  : i32 {
        %get3A = arith.index_cast %scan3A_449 : i32 to index
        %get3A_450 = arith.constant 0 : index
        %get3A_451 = tpu.vector_load %arg12[%get3A, %get3A_450] {strides = array<i32>} : memref<40x16xf32, #tpu.memory_space<vmem>>, vector<1x16xf32>,
        %get3A_452 = vector.shape_cast %get3A_451 : vector<1x16xf32> to vector<16xf32>
        %get3A_453 = arith.index_cast %scan3A_449 : i32 to index
        %get3A_454 = arith.constant 0 : index
        %get3A_455 = tpu.vector_load %arg13[%get3A_453, %get3A_454] {strides = array<i32>} : memref<40x16xf32, #tpu.memory_space<vmem>>, vector<1x16xf32>,
        %get3A_456 = vector.shape_cast %get3A_455 : vector<1x16xf32> to vector<16xf32>
        %add3A_457 = arith.addf %get3A_452, %get3A_456 : vector<16xf32>
        %get3A_458 = arith.index_cast %scan3A_449 : i32 to index
        %get3A_459 = arith.constant 0 : index
        %get3A_460 = tpu.vector_load %arg14[%get3A_458, %get3A_459] {strides = array<i32>} : memref<40x16xf32, #tpu.memory_space<vmem>>, vector<1x16xf32>,
        %get3A_461 = vector.shape_cast %get3A_460 : vector<1x16xf32> to vector<16xf32>
        %add3A_462 = arith.addf %add3A_457, %get3A_461 : vector<16xf32>
        %ge3A = arith.constant 0.000000e+00 : f32
        %ge3A_463 = vector.broadcast %ge3A : f32 to vector<16xf32>
        %ge3A_464 = arith.cmpf oge, %add3A_462, %ge3A_463 : vector<16xf32>
        %mul3A_465 = arith.constant 2.000000e-01 : f32
        %mul3A_466 = vector.broadcast %mul3A_465 : f32 to vector<16xf32>
        %mul3A_467 = arith.mulf %mul3A_466, %add3A_462 : vector<16xf32>
        %select_n3A = arith.select %ge3A_464, %add3A_462, %mul3A_467 : vector<16xi1>, vector<16xf32>
        %exp3A = math.exp %select_n3A : vector<16xf32>
        %swap3A = arith.index_cast %scan3A_449 : i32 to index
        %swap3A_468 = arith.constant 128 : index
        %swap3A_469 = tpu.vector_load %arg24[%swap3A, %swap3A_468] {strides = array<i32>} : memref<40x144xf32, #tpu.memory_space<vmem>>, vector<1x16xf32>,
        %swap3A_470 = vector.shape_cast %swap3A_469 : vector<1x16xf32> to vector<16xf32>
        %swap3A_471 = vector.shape_cast %exp3A : vector<16xf32> to vector<1x16xf32>
        tpu.vector_store %arg24[%swap3A, %swap3A_468], %swap3A_471 {strides = array<i32>} : memref<40x144xf32, #tpu.memory_space<vmem>>, vector<1x16xf32>,
        %slice3A = vector.extract_strided_slice %exp3A {offsets = [0], sizes = [1], strides = [1]} : vector<16xf32> to vector<1xf32>
        %squeeze3A = vector.extract %slice3A[0] : f32 from vector<1xf32>
        %get3A_472 = arith.index_cast %scan3A_449 : i32 to index
        %get3A_473 = arith.constant 0 : index
        %get3A_474 = tpu.vector_load %arg15[%get3A_472, %get3A_473] {strides = array<i32>} : memref<40x128xf32, #tpu.memory_space<vmem>>, vector<1x16xf32>,
        %get3A_475 = vector.shape_cast %get3A_474 : vector<1x16xf32> to vector<16xf32>
        %get3A_476 = arith.index_cast %scan3A_449 : i32 to index
        %get3A_477 = arith.constant 0 : index
        %get3A_478 = tpu.vector_load %arg16[%get3A_476, %get3A_477] {strides = array<i32>} : memref<40x128xf32, #tpu.memory_space<vmem>>, vector<1x16xf32>,
        %get3A_479 = vector.shape_cast %get3A_478 : vector<1x16xf32> to vector<16xf32>
        %add3A_480 = arith.addf %get3A_475, %get3A_479 : vector<16xf32>
        %mul3A_481 = vector.broadcast %squeeze3A : f32 to vector<16xf32>
        %mul3A_482 = arith.mulf %mul3A_481, %add3A_480 : vector<16xf32>
        %swap3A_483 = arith.index_cast %scan3A_449 : i32 to index
        %swap3A_484 = arith.constant 0 : index
        %swap3A_485 = tpu.vector_load %arg24[%swap3A_483, %swap3A_484] {strides = array<i32>} : memref<40x144xf32, #tpu.memory_space<vmem>>, vector<1x16xf32>,
        %swap3A_486 = vector.shape_cast %swap3A_485 : vector<1x16xf32> to vector<16xf32>
        %swap3A_487 = vector.shape_cast %mul3A_482 : vector<16xf32> to vector<1x16xf32>
        tpu.vector_store %arg24[%swap3A_483, %swap3A_484], %swap3A_487 {strides = array<i32>} : memref<40x144xf32, #tpu.memory_space<vmem>>, vector<1x16xf32>,
        %get3A_488 = arith.index_cast %scan3A_449 : i32 to index
        %get3A_489 = arith.constant 16 : index
        %get3A_490 = tpu.vector_load %arg15[%get3A_488, %get3A_489] {strides = array<i32>} : memref<40x128xf32, #tpu.memory_space<vmem>>, vector<1x16xf32>,
        %get3A_491 = vector.shape_cast %get3A_490 : vector<1x16xf32> to vector<16xf32>
        %get3A_492 = arith.index_cast %scan3A_449 : i32 to index
        %get3A_493 = arith.constant 16 : index
        %get3A_494 = tpu.vector_load %arg16[%get3A_492, %get3A_493] {strides = array<i32>} : memref<40x128xf32, #tpu.memory_space<vmem>>, vector<1x16xf32>,
        %get3A_495 = vector.shape_cast %get3A_494 : vector<1x16xf32> to vector<16xf32>
        %add3A_496 = arith.addf %get3A_491, %get3A_495 : vector<16xf32>
        %mul3A_497 = vector.broadcast %squeeze3A : f32 to vector<16xf32>
        %mul3A_498 = arith.mulf %mul3A_497, %add3A_496 : vector<16xf32>
        %swap3A_499 = arith.index_cast %scan3A_449 : i32 to index
        %swap3A_500 = arith.constant 16 : index
        %swap3A_501 = tpu.vector_load %arg24[%swap3A_499, %swap3A_500] {strides = array<i32>} : memref<40x144xf32, #tpu.memory_space<vmem>>, vector<1x16xf32>,
        %swap3A_502 = vector.shape_cast %swap3A_501 : vector<1x16xf32> to vector<16xf32>
        %swap3A_503 = vector.shape_cast %mul3A_498 : vector<16xf32> to vector<1x16xf32>
        tpu.vector_store %arg24[%swap3A_499, %swap3A_500], %swap3A_503 {strides = array<i32>} : memref<40x144xf32, #tpu.memory_space<vmem>>, vector<1x16xf32>,
        %slice3A_504 = vector.extract_strided_slice %exp3A {offsets = [1], sizes = [1], strides = [1]} : vector<16xf32> to vector<1xf32>
        %squeeze3A_505 = vector.extract %slice3A_504[0] : f32 from vector<1xf32>
        %get3A_506 = arith.index_cast %scan3A_449 : i32 to index
        %get3A_507 = arith.constant 32 : index
        %get3A_508 = tpu.vector_load %arg15[%get3A_506, %get3A_507] {strides = array<i32>} : memref<40x128xf32, #tpu.memory_space<vmem>>, vector<1x16xf32>,
        %get3A_509 = vector.shape_cast %get3A_508 : vector<1x16xf32> to vector<16xf32>
        %get3A_510 = arith.index_cast %scan3A_449 : i32 to index
        %get3A_511 = arith.constant 32 : index
        %get3A_512 = tpu.vector_load %arg16[%get3A_510, %get3A_511] {strides = array<i32>} : memref<40x128xf32, #tpu.memory_space<vmem>>, vector<1x16xf32>,
        %get3A_513 = vector.shape_cast %get3A_512 : vector<1x16xf32> to vector<16xf32>
        %add3A_514 = arith.addf %get3A_509, %get3A_513 : vector<16xf32>
        %mul3A_515 = vector.broadcast %squeeze3A_505 : f32 to vector<16xf32>
        %mul3A_516 = arith.mulf %mul3A_515, %add3A_514 : vector<16xf32>
        %swap3A_517 = arith.index_cast %scan3A_449 : i32 to index
        %swap3A_518 = arith.constant 32 : index
        %swap3A_519 = tpu.vector_load %arg24[%swap3A_517, %swap3A_518] {strides = array<i32>} : memref<40x144xf32, #tpu.memory_space<vmem>>, vector<1x16xf32>,
        %swap3A_520 = vector.shape_cast %swap3A_519 : vector<1x16xf32> to vector<16xf32>
        %swap3A_521 = vector.shape_cast %mul3A_516 : vector<16xf32> to vector<1x16xf32>
        tpu.vector_store %arg24[%swap3A_517, %swap3A_518], %swap3A_521 {strides = array<i32>} : memref<40x144xf32, #tpu.memory_space<vmem>>, vector<1x16xf32>,
        %get3A_522 = arith.index_cast %scan3A_449 : i32 to index
        %get3A_523 = arith.constant 48 : index
        %get3A_524 = tpu.vector_load %arg15[%get3A_522, %get3A_523] {strides = array<i32>} : memref<40x128xf32, #tpu.memory_space<vmem>>, vector<1x16xf32>,
        %get3A_525 = vector.shape_cast %get3A_524 : vector<1x16xf32> to vector<16xf32>
        %get3A_526 = arith.index_cast %scan3A_449 : i32 to index
        %get3A_527 = arith.constant 48 : index
        %get3A_528 = tpu.vector_load %arg16[%get3A_526, %get3A_527] {strides = array<i32>} : memref<40x128xf32, #tpu.memory_space<vmem>>, vector<1x16xf32>,
        %get3A_529 = vector.shape_cast %get3A_528 : vector<1x16xf32> to vector<16xf32>
        %add3A_530 = arith.addf %get3A_525, %get3A_529 : vector<16xf32>
        %mul3A_531 = vector.broadcast %squeeze3A_505 : f32 to vector<16xf32>
        %mul3A_532 = arith.mulf %mul3A_531, %add3A_530 : vector<16xf32>
        %swap3A_533 = arith.index_cast %scan3A_449 : i32 to index
        %swap3A_534 = arith.constant 48 : index
        %swap3A_535 = tpu.vector_load %arg24[%swap3A_533, %swap3A_534] {strides = array<i32>} : memref<40x144xf32, #tpu.memory_space<vmem>>, vector<1x16xf32>,
        %swap3A_536 = vector.shape_cast %swap3A_535 : vector<1x16xf32> to vector<16xf32>
        %swap3A_537 = vector.shape_cast %mul3A_532 : vector<16xf32> to vector<1x16xf32>
        tpu.vector_store %arg24[%swap3A_533, %swap3A_534], %swap3A_537 {strides = array<i32>} : memref<40x144xf32, #tpu.memory_space<vmem>>, vector<1x16xf32>,
        %slice3A_538 = vector.extract_strided_slice %exp3A {offsets = [2], sizes = [1], strides = [1]} : vector<16xf32> to vector<1xf32>
        %squeeze3A_539 = vector.extract %slice3A_538[0] : f32 from vector<1xf32>
        %get3A_540 = arith.index_cast %scan3A_449 : i32 to index
        %get3A_541 = arith.constant 64 : index
        %get3A_542 = tpu.vector_load %arg15[%get3A_540, %get3A_541] {strides = array<i32>} : memref<40x128xf32, #tpu.memory_space<vmem>>, vector<1x16xf32>,
        %get3A_543 = vector.shape_cast %get3A_542 : vector<1x16xf32> to vector<16xf32>
        %get3A_544 = arith.index_cast %scan3A_449 : i32 to index
        %get3A_545 = arith.constant 64 : index
        %get3A_546 = tpu.vector_load %arg16[%get3A_544, %get3A_545] {strides = array<i32>} : memref<40x128xf32, #tpu.memory_space<vmem>>, vector<1x16xf32>,
        %get3A_547 = vector.shape_cast %get3A_546 : vector<1x16xf32> to vector<16xf32>
        %add3A_548 = arith.addf %get3A_543, %get3A_547 : vector<16xf32>
        %mul3A_549 = vector.broadcast %squeeze3A_539 : f32 to vector<16xf32>
        %mul3A_550 = arith.mulf %mul3A_549, %add3A_548 : vector<16xf32>
        %swap3A_551 = arith.index_cast %scan3A_449 : i32 to index
        %swap3A_552 = arith.constant 64 : index
        %swap3A_553 = tpu.vector_load %arg24[%swap3A_551, %swap3A_552] {strides = array<i32>} : memref<40x144xf32, #tpu.memory_space<vmem>>, vector<1x16xf32>,
        %swap3A_554 = vector.shape_cast %swap3A_553 : vector<1x16xf32> to vector<16xf32>
        %swap3A_555 = vector.shape_cast %mul3A_550 : vector<16xf32> to vector<1x16xf32>
        tpu.vector_store %arg24[%swap3A_551, %swap3A_552], %swap3A_555 {strides = array<i32>} : memref<40x144xf32, #tpu.memory_space<vmem>>, vector<1x16xf32>,
        %get3A_556 = arith.index_cast %scan3A_449 : i32 to index
        %get3A_557 = arith.constant 80 : index
        %get3A_558 = tpu.vector_load %arg15[%get3A_556, %get3A_557] {strides = array<i32>} : memref<40x128xf32, #tpu.memory_space<vmem>>, vector<1x16xf32>,
        %get3A_559 = vector.shape_cast %get3A_558 : vector<1x16xf32> to vector<16xf32>
        %get3A_560 = arith.index_cast %scan3A_449 : i32 to index
        %get3A_561 = arith.constant 80 : index
        %get3A_562 = tpu.vector_load %arg16[%get3A_560, %get3A_561] {strides = array<i32>} : memref<40x128xf32, #tpu.memory_space<vmem>>, vector<1x16xf32>,
        %get3A_563 = vector.shape_cast %get3A_562 : vector<1x16xf32> to vector<16xf32>
        %add3A_564 = arith.addf %get3A_559, %get3A_563 : vector<16xf32>
        %mul3A_565 = vector.broadcast %squeeze3A_539 : f32 to vector<16xf32>
        %mul3A_566 = arith.mulf %mul3A_565, %add3A_564 : vector<16xf32>
        %swap3A_567 = arith.index_cast %scan3A_449 : i32 to index
        %swap3A_568 = arith.constant 80 : index
        %swap3A_569 = tpu.vector_load %arg24[%swap3A_567, %swap3A_568] {strides = array<i32>} : memref<40x144xf32, #tpu.memory_space<vmem>>, vector<1x16xf32>,
        %swap3A_570 = vector.shape_cast %swap3A_569 : vector<1x16xf32> to vector<16xf32>
        %swap3A_571 = vector.shape_cast %mul3A_566 : vector<16xf32> to vector<1x16xf32>
        tpu.vector_store %arg24[%swap3A_567, %swap3A_568], %swap3A_571 {strides = array<i32>} : memref<40x144xf32, #tpu.memory_space<vmem>>, vector<1x16xf32>,
        %slice3A_572 = vector.extract_strided_slice %exp3A {offsets = [3], sizes = [1], strides = [1]} : vector<16xf32> to vector<1xf32>
        %squeeze3A_573 = vector.extract %slice3A_572[0] : f32 from vector<1xf32>
        %get3A_574 = arith.index_cast %scan3A_449 : i32 to index
        %get3A_575 = arith.constant 96 : index
        %get3A_576 = tpu.vector_load %arg15[%get3A_574, %get3A_575] {strides = array<i32>} : memref<40x128xf32, #tpu.memory_space<vmem>>, vector<1x16xf32>,
        %get3A_577 = vector.shape_cast %get3A_576 : vector<1x16xf32> to vector<16xf32>
        %get3A_578 = arith.index_cast %scan3A_449 : i32 to index
        %get3A_579 = arith.constant 96 : index
        %get3A_580 = tpu.vector_load %arg16[%get3A_578, %get3A_579] {strides = array<i32>} : memref<40x128xf32, #tpu.memory_space<vmem>>, vector<1x16xf32>,
        %get3A_581 = vector.shape_cast %get3A_580 : vector<1x16xf32> to vector<16xf32>
        %add3A_582 = arith.addf %get3A_577, %get3A_581 : vector<16xf32>
        %mul3A_583 = vector.broadcast %squeeze3A_573 : f32 to vector<16xf32>
        %mul3A_584 = arith.mulf %mul3A_583, %add3A_582 : vector<16xf32>
        %swap3A_585 = arith.index_cast %scan3A_449 : i32 to index
        %swap3A_586 = arith.constant 96 : index
        %swap3A_587 = tpu.vector_load %arg24[%swap3A_585, %swap3A_586] {strides = array<i32>} : memref<40x144xf32, #tpu.memory_space<vmem>>, vector<1x16xf32>,
        %swap3A_588 = vector.shape_cast %swap3A_587 : vector<1x16xf32> to vector<16xf32>
        %swap3A_589 = vector.shape_cast %mul3A_584 : vector<16xf32> to vector<1x16xf32>
        tpu.vector_store %arg24[%swap3A_585, %swap3A_586], %swap3A_589 {strides = array<i32>} : memref<40x144xf32, #tpu.memory_space<vmem>>, vector<1x16xf32>,
        %get3A_590 = arith.index_cast %scan3A_449 : i32 to index
        %get3A_591 = arith.constant 112 : index
        %get3A_592 = tpu.vector_load %arg15[%get3A_590, %get3A_591] {strides = array<i32>} : memref<40x128xf32, #tpu.memory_space<vmem>>, vector<1x16xf32>,
        %get3A_593 = vector.shape_cast %get3A_592 : vector<1x16xf32> to vector<16xf32>
        %get3A_594 = arith.index_cast %scan3A_449 : i32 to index
        %get3A_595 = arith.constant 112 : index
        %get3A_596 = tpu.vector_load %arg16[%get3A_594, %get3A_595] {strides = array<i32>} : memref<40x128xf32, #tpu.memory_space<vmem>>, vector<1x16xf32>,
        %get3A_597 = vector.shape_cast %get3A_596 : vector<1x16xf32> to vector<16xf32>
        %add3A_598 = arith.addf %get3A_593, %get3A_597 : vector<16xf32>
        %mul3A_599 = vector.broadcast %squeeze3A_573 : f32 to vector<16xf32>
        %mul3A_600 = arith.mulf %mul3A_599, %add3A_598 : vector<16xf32>
        %swap3A_601 = arith.index_cast %scan3A_449 : i32 to index
        %swap3A_602 = arith.constant 112 : index
        %swap3A_603 = tpu.vector_load %arg24[%swap3A_601, %swap3A_602] {strides = array<i32>} : memref<40x144xf32, #tpu.memory_space<vmem>>, vector<1x16xf32>,
        %swap3A_604 = vector.shape_cast %swap3A_603 : vector<1x16xf32> to vector<16xf32>
        %swap3A_605 = vector.shape_cast %mul3A_600 : vector<16xf32> to vector<1x16xf32>
        tpu.vector_store %arg24[%swap3A_601, %swap3A_602], %swap3A_605 {strides = array<i32>} : memref<40x144xf32, #tpu.memory_space<vmem>>, vector<1x16xf32>,
      }
      %scan3A_364 = arith.constant 40 : i32
      "tpu.region"() ({
        %run_scoped3A = tpu.sem_alloc : memref<!tpu.dma_semaphore, #tpu.memory_space<semaphore_mem>>
        %dma_start3A_449 = arith.constant 0 : i32
        %dma_start3A_450 = arith.constant 0 : i32
        %dma_start3A_451 = tpu.memref_slice %arg25[%dma_start3A_449, %dma_start3A_450] : memref<10240x144xf32, #tpu.memory_space<vmem_shared>> -> memref<10240x144xf32, #tpu.memory_space<vmem_shared>>
        tpu.enqueue_indirect_dma source(%arg24 : memref<40x144xf32, #tpu.memory_space<vmem>>) target(%dma_start3A_451 : memref<10240x144xf32, #tpu.memory_space<vmem_shared>>) offsets(%arg11 : memref<40xi32, #tpu.memory_space<vmem>>) semaphore(%run_scoped3A : memref<!tpu.dma_semaphore, #tpu.memory_space<semaphore_mem>>) {add = true}
        %dma_wait3A_452 = arith.constant 0 : i32
        %dma_wait3A_453 = arith.constant 0 : i32
        %dma_wait3A_454 = tpu.memref_slice %arg25[%dma_wait3A_452, %dma_wait3A_453] : memref<10240x144xf32, #tpu.memory_space<vmem_shared>> -> memref<10240x144xf32, #tpu.memory_space<vmem_shared>>
        tpu.wait_indirect_dma semaphore(%run_scoped3A : memref<!tpu.dma_semaphore, #tpu.memory_space<semaphore_mem>>) src(%arg24 : memref<40x144xf32, #tpu.memory_space<vmem>>) dst(%dma_wait3A_454 : memref<10240x144xf32, #tpu.memory_space<vmem_shared>>)
        tpu.yield
      }) : () -> ()
      %add3A_365 = arith.constant 2 : i32
      %add3A_366 = arith.addi %mul3A_320, %add3A_365 : i32
      %mul3A_367 = arith.constant 10000 : i32
      %mul3A_368 = arith.muli %add3A, %mul3A_367 : i32
      %mul3A_369 = arith.constant 40 : i32
      %mul3A_370 = arith.muli %add3A_366, %mul3A_369 : i32
      %add3A_371 = arith.addi %mul3A_368, %mul3A_370 : i32
      %multiple_of3A_372 = tpu.assume_multiple %add3A_371, 8 : i32
      %dma_start3A_373 = tpu.memref_slice %arg2[%multiple_of3A_372] : memref<320000xi32, #tpu.memory_space<hbm>> -> memref<40xi32, #tpu.memory_space<hbm>>
      %dma_start3A_374 = tpu.memref_slice %arg2[%multiple_of3A_372] : memref<320000xi32, #tpu.memory_space<hbm>> -> memref<40xi32, #tpu.memory_space<hbm>>
      tpu.enqueue_dma source(%dma_start3A_374 : memref<40xi32, #tpu.memory_space<hbm>>) target(%arg10 : memref<40xi32, #tpu.memory_space<vmem>>) target_semaphore(%arg26 : memref<!tpu.dma_semaphore, #tpu.memory_space<semaphore_mem>>)
      %dma_start3A_375 = tpu.memref_slice %arg3[%multiple_of3A_372] : memref<320000xi32, #tpu.memory_space<hbm>> -> memref<40xi32, #tpu.memory_space<hbm>>
      %dma_start3A_376 = tpu.memref_slice %arg3[%multiple_of3A_372] : memref<320000xi32, #tpu.memory_space<hbm>> -> memref<40xi32, #tpu.memory_space<hbm>>
      tpu.enqueue_dma source(%dma_start3A_376 : memref<40xi32, #tpu.memory_space<hbm>>) target(%arg11 : memref<40xi32, #tpu.memory_space<vmem>>) target_semaphore(%arg26 : memref<!tpu.dma_semaphore, #tpu.memory_space<semaphore_mem>>)
      %dma_start3A_377 = arith.constant 0 : i32
      %dma_start3A_378 = tpu.memref_slice %arg6[%multiple_of3A_372, %dma_start3A_377] : memref<320000x16xf32, #tpu.memory_space<hbm>> -> memref<40x16xf32, #tpu.memory_space<hbm>>
      %dma_start3A_379 = arith.constant 0 : i32
      %dma_start3A_380 = tpu.memref_slice %arg6[%multiple_of3A_372, %dma_start3A_379] : memref<320000x16xf32, #tpu.memory_space<hbm>> -> memref<40x16xf32, #tpu.memory_space<hbm>>
      tpu.enqueue_dma source(%dma_start3A_380 : memref<40x16xf32, #tpu.memory_space<hbm>>) target(%arg14 : memref<40x16xf32, #tpu.memory_space<vmem>>) target_semaphore(%arg26 : memref<!tpu.dma_semaphore, #tpu.memory_space<semaphore_mem>>)
      %dma_start3A_381 = arith.constant 0 : i32
      %dma_start3A_382 = tpu.memref_slice %arg8[%multiple_of3A_372, %dma_start3A_381] : memref<320000x128xf32, #tpu.memory_space<hbm>> -> memref<40x128xf32, #tpu.memory_space<hbm>>
      %dma_start3A_383 = arith.constant 0 : i32
      %dma_start3A_384 = tpu.memref_slice %arg8[%multiple_of3A_372, %dma_start3A_383] : memref<320000x128xf32, #tpu.memory_space<hbm>> -> memref<40x128xf32, #tpu.memory_space<hbm>>
      tpu.enqueue_dma source(%dma_start3A_384 : memref<40x128xf32, #tpu.memory_space<hbm>>) target(%arg16 : memref<40x128xf32, #tpu.memory_space<vmem>>) target_semaphore(%arg26 : memref<!tpu.dma_semaphore, #tpu.memory_space<semaphore_mem>>)
      %dma_wait3A_385 = arith.constant 0 : i32
      %dma_wait3A_386 = arith.constant 0 : i32
      %dma_wait3A_387 = tpu.memref_slice %arg4[%dma_wait3A_385, %dma_wait3A_386] : memref<10000x16xf32, #tpu.memory_space<hbm>> -> memref<10000x16xf32, #tpu.memory_space<hbm>>
      tpu.wait_indirect_dma semaphore(%arg29 : memref<!tpu.dma_semaphore, #tpu.memory_space<semaphore_mem>>) src(%dma_wait3A_387 : memref<10000x16xf32, #tpu.memory_space<hbm>>) dst(%arg19 : memref<40x16xf32, #tpu.memory_space<vmem>>)
      %dma_wait3A_388 = arith.constant 0 : i32
      %dma_wait3A_389 = arith.constant 0 : i32
      %dma_wait3A_390 = tpu.memref_slice %arg5[%dma_wait3A_388, %dma_wait3A_389] : memref<10000x16xf32, #tpu.memory_space<hbm>> -> memref<10000x16xf32, #tpu.memory_space<hbm>>
      tpu.wait_indirect_dma semaphore(%arg29 : memref<!tpu.dma_semaphore, #tpu.memory_space<semaphore_mem>>) src(%dma_wait3A_390 : memref<10000x16xf32, #tpu.memory_space<hbm>>) dst(%arg20 : memref<40x16xf32, #tpu.memory_space<vmem>>)
      %dma_wait3A_391 = arith.constant 0 : i32
      %dma_wait3A_392 = arith.constant 0 : i32
      %dma_wait3A_393 = tpu.memref_slice %arg7[%dma_wait3A_391, %dma_wait3A_392] : memref<10000x128xf32, #tpu.memory_space<hbm>> -> memref<10000x128xf32, #tpu.memory_space<hbm>>
      tpu.wait_indirect_dma semaphore(%arg29 : memref<!tpu.dma_semaphore, #tpu.memory_space<semaphore_mem>>) src(%dma_wait3A_393 : memref<10000x128xf32, #tpu.memory_space<hbm>>) dst(%arg22 : memref<40x128xf32, #tpu.memory_space<vmem>>)
      %scan3A_394 = arith.constant 0 : i32
      %scan3A_395 = arith.constant 0 : i32
      %scan3A_396 = arith.constant 40 : i32
      %scan3A_397 = arith.addi %scan3A_395, %scan3A_396 : i32
      %scan3A_398 = arith.constant 1 : i32
      scf.for %scan3A_449 = %scan3A_395 to %scan3A_397 step %scan3A_398  : i32 {
        %get3A = arith.index_cast %scan3A_449 : i32 to index
        %get3A_450 = arith.constant 0 : index
        %get3A_451 = tpu.vector_load %arg19[%get3A, %get3A_450] {strides = array<i32>} : memref<40x16xf32, #tpu.memory_space<vmem>>, vector<1x16xf32>,
        %get3A_452 = vector.shape_cast %get3A_451 : vector<1x16xf32> to vector<16xf32>
        %get3A_453 = arith.index_cast %scan3A_449 : i32 to index
        %get3A_454 = arith.constant 0 : index
        %get3A_455 = tpu.vector_load %arg20[%get3A_453, %get3A_454] {strides = array<i32>} : memref<40x16xf32, #tpu.memory_space<vmem>>, vector<1x16xf32>,
        %get3A_456 = vector.shape_cast %get3A_455 : vector<1x16xf32> to vector<16xf32>
        %add3A_457 = arith.addf %get3A_452, %get3A_456 : vector<16xf32>
        %get3A_458 = arith.index_cast %scan3A_449 : i32 to index
        %get3A_459 = arith.constant 0 : index
        %get3A_460 = tpu.vector_load %arg21[%get3A_458, %get3A_459] {strides = array<i32>} : memref<40x16xf32, #tpu.memory_space<vmem>>, vector<1x16xf32>,
        %get3A_461 = vector.shape_cast %get3A_460 : vector<1x16xf32> to vector<16xf32>
        %add3A_462 = arith.addf %add3A_457, %get3A_461 : vector<16xf32>
        %ge3A = arith.constant 0.000000e+00 : f32
        %ge3A_463 = vector.broadcast %ge3A : f32 to vector<16xf32>
        %ge3A_464 = arith.cmpf oge, %add3A_462, %ge3A_463 : vector<16xf32>
        %mul3A_465 = arith.constant 2.000000e-01 : f32
        %mul3A_466 = vector.broadcast %mul3A_465 : f32 to vector<16xf32>
        %mul3A_467 = arith.mulf %mul3A_466, %add3A_462 : vector<16xf32>
        %select_n3A = arith.select %ge3A_464, %add3A_462, %mul3A_467 : vector<16xi1>, vector<16xf32>
        %exp3A = math.exp %select_n3A : vector<16xf32>
        %swap3A = arith.index_cast %scan3A_449 : i32 to index
        %swap3A_468 = arith.constant 128 : index
        %swap3A_469 = tpu.vector_load %arg24[%swap3A, %swap3A_468] {strides = array<i32>} : memref<40x144xf32, #tpu.memory_space<vmem>>, vector<1x16xf32>,
        %swap3A_470 = vector.shape_cast %swap3A_469 : vector<1x16xf32> to vector<16xf32>
        %swap3A_471 = vector.shape_cast %exp3A : vector<16xf32> to vector<1x16xf32>
        tpu.vector_store %arg24[%swap3A, %swap3A_468], %swap3A_471 {strides = array<i32>} : memref<40x144xf32, #tpu.memory_space<vmem>>, vector<1x16xf32>,
        %slice3A = vector.extract_strided_slice %exp3A {offsets = [0], sizes = [1], strides = [1]} : vector<16xf32> to vector<1xf32>
        %squeeze3A = vector.extract %slice3A[0] : f32 from vector<1xf32>
        %get3A_472 = arith.index_cast %scan3A_449 : i32 to index
        %get3A_473 = arith.constant 0 : index
        %get3A_474 = tpu.vector_load %arg22[%get3A_472, %get3A_473] {strides = array<i32>} : memref<40x128xf32, #tpu.memory_space<vmem>>, vector<1x16xf32>,
        %get3A_475 = vector.shape_cast %get3A_474 : vector<1x16xf32> to vector<16xf32>
        %get3A_476 = arith.index_cast %scan3A_449 : i32 to index
        %get3A_477 = arith.constant 0 : index
        %get3A_478 = tpu.vector_load %arg23[%get3A_476, %get3A_477] {strides = array<i32>} : memref<40x128xf32, #tpu.memory_space<vmem>>, vector<1x16xf32>,
        %get3A_479 = vector.shape_cast %get3A_478 : vector<1x16xf32> to vector<16xf32>
        %add3A_480 = arith.addf %get3A_475, %get3A_479 : vector<16xf32>
        %mul3A_481 = vector.broadcast %squeeze3A : f32 to vector<16xf32>
        %mul3A_482 = arith.mulf %mul3A_481, %add3A_480 : vector<16xf32>
        %swap3A_483 = arith.index_cast %scan3A_449 : i32 to index
        %swap3A_484 = arith.constant 0 : index
        %swap3A_485 = tpu.vector_load %arg24[%swap3A_483, %swap3A_484] {strides = array<i32>} : memref<40x144xf32, #tpu.memory_space<vmem>>, vector<1x16xf32>,
        %swap3A_486 = vector.shape_cast %swap3A_485 : vector<1x16xf32> to vector<16xf32>
        %swap3A_487 = vector.shape_cast %mul3A_482 : vector<16xf32> to vector<1x16xf32>
        tpu.vector_store %arg24[%swap3A_483, %swap3A_484], %swap3A_487 {strides = array<i32>} : memref<40x144xf32, #tpu.memory_space<vmem>>, vector<1x16xf32>,
        %get3A_488 = arith.index_cast %scan3A_449 : i32 to index
        %get3A_489 = arith.constant 16 : index
        %get3A_490 = tpu.vector_load %arg22[%get3A_488, %get3A_489] {strides = array<i32>} : memref<40x128xf32, #tpu.memory_space<vmem>>, vector<1x16xf32>,
        %get3A_491 = vector.shape_cast %get3A_490 : vector<1x16xf32> to vector<16xf32>
        %get3A_492 = arith.index_cast %scan3A_449 : i32 to index
        %get3A_493 = arith.constant 16 : index
        %get3A_494 = tpu.vector_load %arg23[%get3A_492, %get3A_493] {strides = array<i32>} : memref<40x128xf32, #tpu.memory_space<vmem>>, vector<1x16xf32>,
        %get3A_495 = vector.shape_cast %get3A_494 : vector<1x16xf32> to vector<16xf32>
        %add3A_496 = arith.addf %get3A_491, %get3A_495 : vector<16xf32>
        %mul3A_497 = vector.broadcast %squeeze3A : f32 to vector<16xf32>
        %mul3A_498 = arith.mulf %mul3A_497, %add3A_496 : vector<16xf32>
        %swap3A_499 = arith.index_cast %scan3A_449 : i32 to index
        %swap3A_500 = arith.constant 16 : index
        %swap3A_501 = tpu.vector_load %arg24[%swap3A_499, %swap3A_500] {strides = array<i32>} : memref<40x144xf32, #tpu.memory_space<vmem>>, vector<1x16xf32>,
        %swap3A_502 = vector.shape_cast %swap3A_501 : vector<1x16xf32> to vector<16xf32>
        %swap3A_503 = vector.shape_cast %mul3A_498 : vector<16xf32> to vector<1x16xf32>
        tpu.vector_store %arg24[%swap3A_499, %swap3A_500], %swap3A_503 {strides = array<i32>} : memref<40x144xf32, #tpu.memory_space<vmem>>, vector<1x16xf32>,
        %slice3A_504 = vector.extract_strided_slice %exp3A {offsets = [1], sizes = [1], strides = [1]} : vector<16xf32> to vector<1xf32>
        %squeeze3A_505 = vector.extract %slice3A_504[0] : f32 from vector<1xf32>
        %get3A_506 = arith.index_cast %scan3A_449 : i32 to index
        %get3A_507 = arith.constant 32 : index
        %get3A_508 = tpu.vector_load %arg22[%get3A_506, %get3A_507] {strides = array<i32>} : memref<40x128xf32, #tpu.memory_space<vmem>>, vector<1x16xf32>,
        %get3A_509 = vector.shape_cast %get3A_508 : vector<1x16xf32> to vector<16xf32>
        %get3A_510 = arith.index_cast %scan3A_449 : i32 to index
        %get3A_511 = arith.constant 32 : index
        %get3A_512 = tpu.vector_load %arg23[%get3A_510, %get3A_511] {strides = array<i32>} : memref<40x128xf32, #tpu.memory_space<vmem>>, vector<1x16xf32>,
        %get3A_513 = vector.shape_cast %get3A_512 : vector<1x16xf32> to vector<16xf32>
        %add3A_514 = arith.addf %get3A_509, %get3A_513 : vector<16xf32>
        %mul3A_515 = vector.broadcast %squeeze3A_505 : f32 to vector<16xf32>
        %mul3A_516 = arith.mulf %mul3A_515, %add3A_514 : vector<16xf32>
        %swap3A_517 = arith.index_cast %scan3A_449 : i32 to index
        %swap3A_518 = arith.constant 32 : index
        %swap3A_519 = tpu.vector_load %arg24[%swap3A_517, %swap3A_518] {strides = array<i32>} : memref<40x144xf32, #tpu.memory_space<vmem>>, vector<1x16xf32>,
        %swap3A_520 = vector.shape_cast %swap3A_519 : vector<1x16xf32> to vector<16xf32>
        %swap3A_521 = vector.shape_cast %mul3A_516 : vector<16xf32> to vector<1x16xf32>
        tpu.vector_store %arg24[%swap3A_517, %swap3A_518], %swap3A_521 {strides = array<i32>} : memref<40x144xf32, #tpu.memory_space<vmem>>, vector<1x16xf32>,
        %get3A_522 = arith.index_cast %scan3A_449 : i32 to index
        %get3A_523 = arith.constant 48 : index
        %get3A_524 = tpu.vector_load %arg22[%get3A_522, %get3A_523] {strides = array<i32>} : memref<40x128xf32, #tpu.memory_space<vmem>>, vector<1x16xf32>,
        %get3A_525 = vector.shape_cast %get3A_524 : vector<1x16xf32> to vector<16xf32>
        %get3A_526 = arith.index_cast %scan3A_449 : i32 to index
        %get3A_527 = arith.constant 48 : index
        %get3A_528 = tpu.vector_load %arg23[%get3A_526, %get3A_527] {strides = array<i32>} : memref<40x128xf32, #tpu.memory_space<vmem>>, vector<1x16xf32>,
        %get3A_529 = vector.shape_cast %get3A_528 : vector<1x16xf32> to vector<16xf32>
        %add3A_530 = arith.addf %get3A_525, %get3A_529 : vector<16xf32>
        %mul3A_531 = vector.broadcast %squeeze3A_505 : f32 to vector<16xf32>
        %mul3A_532 = arith.mulf %mul3A_531, %add3A_530 : vector<16xf32>
        %swap3A_533 = arith.index_cast %scan3A_449 : i32 to index
        %swap3A_534 = arith.constant 48 : index
        %swap3A_535 = tpu.vector_load %arg24[%swap3A_533, %swap3A_534] {strides = array<i32>} : memref<40x144xf32, #tpu.memory_space<vmem>>, vector<1x16xf32>,
        %swap3A_536 = vector.shape_cast %swap3A_535 : vector<1x16xf32> to vector<16xf32>
        %swap3A_537 = vector.shape_cast %mul3A_532 : vector<16xf32> to vector<1x16xf32>
        tpu.vector_store %arg24[%swap3A_533, %swap3A_534], %swap3A_537 {strides = array<i32>} : memref<40x144xf32, #tpu.memory_space<vmem>>, vector<1x16xf32>,
        %slice3A_538 = vector.extract_strided_slice %exp3A {offsets = [2], sizes = [1], strides = [1]} : vector<16xf32> to vector<1xf32>
        %squeeze3A_539 = vector.extract %slice3A_538[0] : f32 from vector<1xf32>
        %get3A_540 = arith.index_cast %scan3A_449 : i32 to index
        %get3A_541 = arith.constant 64 : index
        %get3A_542 = tpu.vector_load %arg22[%get3A_540, %get3A_541] {strides = array<i32>} : memref<40x128xf32, #tpu.memory_space<vmem>>, vector<1x16xf32>,
        %get3A_543 = vector.shape_cast %get3A_542 : vector<1x16xf32> to vector<16xf32>
        %get3A_544 = arith.index_cast %scan3A_449 : i32 to index
        %get3A_545 = arith.constant 64 : index
        %get3A_546 = tpu.vector_load %arg23[%get3A_544, %get3A_545] {strides = array<i32>} : memref<40x128xf32, #tpu.memory_space<vmem>>, vector<1x16xf32>,
        %get3A_547 = vector.shape_cast %get3A_546 : vector<1x16xf32> to vector<16xf32>
        %add3A_548 = arith.addf %get3A_543, %get3A_547 : vector<16xf32>
        %mul3A_549 = vector.broadcast %squeeze3A_539 : f32 to vector<16xf32>
        %mul3A_550 = arith.mulf %mul3A_549, %add3A_548 : vector<16xf32>
        %swap3A_551 = arith.index_cast %scan3A_449 : i32 to index
        %swap3A_552 = arith.constant 64 : index
        %swap3A_553 = tpu.vector_load %arg24[%swap3A_551, %swap3A_552] {strides = array<i32>} : memref<40x144xf32, #tpu.memory_space<vmem>>, vector<1x16xf32>,
        %swap3A_554 = vector.shape_cast %swap3A_553 : vector<1x16xf32> to vector<16xf32>
        %swap3A_555 = vector.shape_cast %mul3A_550 : vector<16xf32> to vector<1x16xf32>
        tpu.vector_store %arg24[%swap3A_551, %swap3A_552], %swap3A_555 {strides = array<i32>} : memref<40x144xf32, #tpu.memory_space<vmem>>, vector<1x16xf32>,
        %get3A_556 = arith.index_cast %scan3A_449 : i32 to index
        %get3A_557 = arith.constant 80 : index
        %get3A_558 = tpu.vector_load %arg22[%get3A_556, %get3A_557] {strides = array<i32>} : memref<40x128xf32, #tpu.memory_space<vmem>>, vector<1x16xf32>,
        %get3A_559 = vector.shape_cast %get3A_558 : vector<1x16xf32> to vector<16xf32>
        %get3A_560 = arith.index_cast %scan3A_449 : i32 to index
        %get3A_561 = arith.constant 80 : index
        %get3A_562 = tpu.vector_load %arg23[%get3A_560, %get3A_561] {strides = array<i32>} : memref<40x128xf32, #tpu.memory_space<vmem>>, vector<1x16xf32>,
        %get3A_563 = vector.shape_cast %get3A_562 : vector<1x16xf32> to vector<16xf32>
        %add3A_564 = arith.addf %get3A_559, %get3A_563 : vector<16xf32>
        %mul3A_565 = vector.broadcast %squeeze3A_539 : f32 to vector<16xf32>
        %mul3A_566 = arith.mulf %mul3A_565, %add3A_564 : vector<16xf32>
        %swap3A_567 = arith.index_cast %scan3A_449 : i32 to index
        %swap3A_568 = arith.constant 80 : index
        %swap3A_569 = tpu.vector_load %arg24[%swap3A_567, %swap3A_568] {strides = array<i32>} : memref<40x144xf32, #tpu.memory_space<vmem>>, vector<1x16xf32>,
        %swap3A_570 = vector.shape_cast %swap3A_569 : vector<1x16xf32> to vector<16xf32>
        %swap3A_571 = vector.shape_cast %mul3A_566 : vector<16xf32> to vector<1x16xf32>
        tpu.vector_store %arg24[%swap3A_567, %swap3A_568], %swap3A_571 {strides = array<i32>} : memref<40x144xf32, #tpu.memory_space<vmem>>, vector<1x16xf32>,
        %slice3A_572 = vector.extract_strided_slice %exp3A {offsets = [3], sizes = [1], strides = [1]} : vector<16xf32> to vector<1xf32>
        %squeeze3A_573 = vector.extract %slice3A_572[0] : f32 from vector<1xf32>
        %get3A_574 = arith.index_cast %scan3A_449 : i32 to index
        %get3A_575 = arith.constant 96 : index
        %get3A_576 = tpu.vector_load %arg22[%get3A_574, %get3A_575] {strides = array<i32>} : memref<40x128xf32, #tpu.memory_space<vmem>>, vector<1x16xf32>,
        %get3A_577 = vector.shape_cast %get3A_576 : vector<1x16xf32> to vector<16xf32>
        %get3A_578 = arith.index_cast %scan3A_449 : i32 to index
        %get3A_579 = arith.constant 96 : index
        %get3A_580 = tpu.vector_load %arg23[%get3A_578, %get3A_579] {strides = array<i32>} : memref<40x128xf32, #tpu.memory_space<vmem>>, vector<1x16xf32>,
        %get3A_581 = vector.shape_cast %get3A_580 : vector<1x16xf32> to vector<16xf32>
        %add3A_582 = arith.addf %get3A_577, %get3A_581 : vector<16xf32>
        %mul3A_583 = vector.broadcast %squeeze3A_573 : f32 to vector<16xf32>
        %mul3A_584 = arith.mulf %mul3A_583, %add3A_582 : vector<16xf32>
        %swap3A_585 = arith.index_cast %scan3A_449 : i32 to index
        %swap3A_586 = arith.constant 96 : index
        %swap3A_587 = tpu.vector_load %arg24[%swap3A_585, %swap3A_586] {strides = array<i32>} : memref<40x144xf32, #tpu.memory_space<vmem>>, vector<1x16xf32>,
        %swap3A_588 = vector.shape_cast %swap3A_587 : vector<1x16xf32> to vector<16xf32>
        %swap3A_589 = vector.shape_cast %mul3A_584 : vector<16xf32> to vector<1x16xf32>
        tpu.vector_store %arg24[%swap3A_585, %swap3A_586], %swap3A_589 {strides = array<i32>} : memref<40x144xf32, #tpu.memory_space<vmem>>, vector<1x16xf32>,
        %get3A_590 = arith.index_cast %scan3A_449 : i32 to index
        %get3A_591 = arith.constant 112 : index
        %get3A_592 = tpu.vector_load %arg22[%get3A_590, %get3A_591] {strides = array<i32>} : memref<40x128xf32, #tpu.memory_space<vmem>>, vector<1x16xf32>,
        %get3A_593 = vector.shape_cast %get3A_592 : vector<1x16xf32> to vector<16xf32>
        %get3A_594 = arith.index_cast %scan3A_449 : i32 to index
        %get3A_595 = arith.constant 112 : index
        %get3A_596 = tpu.vector_load %arg23[%get3A_594, %get3A_595] {strides = array<i32>} : memref<40x128xf32, #tpu.memory_space<vmem>>, vector<1x16xf32>,
        %get3A_597 = vector.shape_cast %get3A_596 : vector<1x16xf32> to vector<16xf32>
        %add3A_598 = arith.addf %get3A_593, %get3A_597 : vector<16xf32>
        %mul3A_599 = vector.broadcast %squeeze3A_573 : f32 to vector<16xf32>
        %mul3A_600 = arith.mulf %mul3A_599, %add3A_598 : vector<16xf32>
        %swap3A_601 = arith.index_cast %scan3A_449 : i32 to index
        %swap3A_602 = arith.constant 112 : index
        %swap3A_603 = tpu.vector_load %arg24[%swap3A_601, %swap3A_602] {strides = array<i32>} : memref<40x144xf32, #tpu.memory_space<vmem>>, vector<1x16xf32>,
        %swap3A_604 = vector.shape_cast %swap3A_603 : vector<1x16xf32> to vector<16xf32>
        %swap3A_605 = vector.shape_cast %mul3A_600 : vector<16xf32> to vector<1x16xf32>
        tpu.vector_store %arg24[%swap3A_601, %swap3A_602], %swap3A_605 {strides = array<i32>} : memref<40x144xf32, #tpu.memory_space<vmem>>, vector<1x16xf32>,
      }
      %scan3A_399 = arith.constant 40 : i32
      "tpu.region"() ({
        %run_scoped3A = tpu.sem_alloc : memref<!tpu.dma_semaphore, #tpu.memory_space<semaphore_mem>>
        %dma_start3A_449 = arith.constant 0 : i32
        %dma_start3A_450 = arith.constant 0 : i32
        %dma_start3A_451 = tpu.memref_slice %arg25[%dma_start3A_449, %dma_start3A_450] : memref<10240x144xf32, #tpu.memory_space<vmem_shared>> -> memref<10240x144xf32, #tpu.memory_space<vmem_shared>>
        tpu.enqueue_indirect_dma source(%arg24 : memref<40x144xf32, #tpu.memory_space<vmem>>) target(%dma_start3A_451 : memref<10240x144xf32, #tpu.memory_space<vmem_shared>>) offsets(%arg18 : memref<40xi32, #tpu.memory_space<vmem>>) semaphore(%run_scoped3A : memref<!tpu.dma_semaphore, #tpu.memory_space<semaphore_mem>>) {add = true}
        %dma_wait3A_452 = arith.constant 0 : i32
        %dma_wait3A_453 = arith.constant 0 : i32
        %dma_wait3A_454 = tpu.memref_slice %arg25[%dma_wait3A_452, %dma_wait3A_453] : memref<10240x144xf32, #tpu.memory_space<vmem_shared>> -> memref<10240x144xf32, #tpu.memory_space<vmem_shared>>
        tpu.wait_indirect_dma semaphore(%run_scoped3A : memref<!tpu.dma_semaphore, #tpu.memory_space<semaphore_mem>>) src(%arg24 : memref<40x144xf32, #tpu.memory_space<vmem>>) dst(%dma_wait3A_454 : memref<10240x144xf32, #tpu.memory_space<vmem_shared>>)
        tpu.yield
      }) : () -> ()
      %add3A_400 = arith.constant 2 : i32
      %add3A_401 = arith.addi %mul3A_320, %add3A_400 : i32
      %mul3A_402 = arith.constant 10000 : i32
      %mul3A_403 = arith.muli %add3A, %mul3A_402 : i32
      %mul3A_404 = arith.constant 40 : i32
      %mul3A_405 = arith.muli %add3A_401, %mul3A_404 : i32
      %add3A_406 = arith.addi %mul3A_403, %mul3A_405 : i32
      %multiple_of3A_407 = tpu.assume_multiple %add3A_406, 8 : i32
      %dma_wait3A_408 = tpu.memref_slice %arg2[%multiple_of3A_407] : memref<320000xi32, #tpu.memory_space<hbm>> -> memref<40xi32, #tpu.memory_space<hbm>>
      %dma_wait3A_409 = tpu.memref_slice %arg2[%multiple_of3A_407] : memref<320000xi32, #tpu.memory_space<hbm>> -> memref<40xi32, #tpu.memory_space<hbm>>
      tpu.wait_dma2 semaphore(%arg26 : memref<!tpu.dma_semaphore, #tpu.memory_space<semaphore_mem>>) src(%dma_wait3A_409 : memref<40xi32, #tpu.memory_space<hbm>>) dst(%arg10 : memref<40xi32, #tpu.memory_space<vmem>>)
      %dma_wait3A_410 = tpu.memref_slice %arg3[%multiple_of3A_407] : memref<320000xi32, #tpu.memory_space<hbm>> -> memref<40xi32, #tpu.memory_space<hbm>>
      %dma_wait3A_411 = tpu.memref_slice %arg3[%multiple_of3A_407] : memref<320000xi32, #tpu.memory_space<hbm>> -> memref<40xi32, #tpu.memory_space<hbm>>
      tpu.wait_dma2 semaphore(%arg26 : memref<!tpu.dma_semaphore, #tpu.memory_space<semaphore_mem>>) src(%dma_wait3A_411 : memref<40xi32, #tpu.memory_space<hbm>>) dst(%arg11 : memref<40xi32, #tpu.memory_space<vmem>>)
      %dma_wait3A_412 = arith.constant 0 : i32
      %dma_wait3A_413 = tpu.memref_slice %arg6[%multiple_of3A_407, %dma_wait3A_412] : memref<320000x16xf32, #tpu.memory_space<hbm>> -> memref<40x16xf32, #tpu.memory_space<hbm>>
      %dma_wait3A_414 = arith.constant 0 : i32
      %dma_wait3A_415 = tpu.memref_slice %arg6[%multiple_of3A_407, %dma_wait3A_414] : memref<320000x16xf32, #tpu.memory_space<hbm>> -> memref<40x16xf32, #tpu.memory_space<hbm>>
      tpu.wait_dma2 semaphore(%arg26 : memref<!tpu.dma_semaphore, #tpu.memory_space<semaphore_mem>>) src(%dma_wait3A_415 : memref<40x16xf32, #tpu.memory_space<hbm>>) dst(%arg14 : memref<40x16xf32, #tpu.memory_space<vmem>>)
      %dma_wait3A_416 = arith.constant 0 : i32
      %dma_wait3A_417 = tpu.memref_slice %arg8[%multiple_of3A_407, %dma_wait3A_416] : memref<320000x128xf32, #tpu.memory_space<hbm>> -> memref<40x128xf32, #tpu.memory_space<hbm>>
      %dma_wait3A_418 = arith.constant 0 : i32
      %dma_wait3A_419 = tpu.memref_slice %arg8[%multiple_of3A_407, %dma_wait3A_418] : memref<320000x128xf32, #tpu.memory_space<hbm>> -> memref<40x128xf32, #tpu.memory_space<hbm>>
      tpu.wait_dma2 semaphore(%arg26 : memref<!tpu.dma_semaphore, #tpu.memory_space<semaphore_mem>>) src(%dma_wait3A_419 : memref<40x128xf32, #tpu.memory_space<hbm>>) dst(%arg16 : memref<40x128xf32, #tpu.memory_space<vmem>>)
      %dma_start3A_420 = arith.constant 0 : i32
      %dma_start3A_421 = arith.constant 0 : i32
      %dma_start3A_422 = tpu.memref_slice %arg4[%dma_start3A_420, %dma_start3A_421] : memref<10000x16xf32, #tpu.memory_space<hbm>> -> memref<10000x16xf32, #tpu.memory_space<hbm>>
      tpu.enqueue_indirect_dma source(%dma_start3A_422 : memref<10000x16xf32, #tpu.memory_space<hbm>>) target(%arg12 : memref<40x16xf32, #tpu.memory_space<vmem>>) offsets(%arg10 : memref<40xi32, #tpu.memory_space<vmem>>) semaphore(%arg28 : memref<!tpu.dma_semaphore, #tpu.memory_space<semaphore_mem>>)
      %dma_start3A_423 = arith.constant 0 : i32
      %dma_start3A_424 = arith.constant 0 : i32
      %dma_start3A_425 = tpu.memref_slice %arg5[%dma_start3A_423, %dma_start3A_424] : memref<10000x16xf32, #tpu.memory_space<hbm>> -> memref<10000x16xf32, #tpu.memory_space<hbm>>
      tpu.enqueue_indirect_dma source(%dma_start3A_425 : memref<10000x16xf32, #tpu.memory_space<hbm>>) target(%arg13 : memref<40x16xf32, #tpu.memory_space<vmem>>) offsets(%arg11 : memref<40xi32, #tpu.memory_space<vmem>>) semaphore(%arg28 : memref<!tpu.dma_semaphore, #tpu.memory_space<semaphore_mem>>)
      %dma_start3A_426 = arith.constant 0 : i32
      %dma_start3A_427 = arith.constant 0 : i32
      %dma_start3A_428 = tpu.memref_slice %arg7[%dma_start3A_426, %dma_start3A_427] : memref<10000x128xf32, #tpu.memory_space<hbm>> -> memref<10000x128xf32, #tpu.memory_space<hbm>>
      tpu.enqueue_indirect_dma source(%dma_start3A_428 : memref<10000x128xf32, #tpu.memory_space<hbm>>) target(%arg15 : memref<40x128xf32, #tpu.memory_space<vmem>>) offsets(%arg10 : memref<40xi32, #tpu.memory_space<vmem>>) semaphore(%arg28 : memref<!tpu.dma_semaphore, #tpu.memory_space<semaphore_mem>>)
      %add3A_429 = arith.constant 2 : i32
      %add3A_430 = arith.addi %add3A_322, %add3A_429 : i32
      %mul3A_431 = arith.constant 10000 : i32
      %mul3A_432 = arith.muli %add3A, %mul3A_431 : i32
      %mul3A_433 = arith.constant 40 : i32
      %mul3A_434 = arith.muli %add3A_430, %mul3A_433 : i32
      %add3A_435 = arith.addi %mul3A_432, %mul3A_434 : i32
      %multiple_of3A_436 = tpu.assume_multiple %add3A_435, 8 : i32
      %dma_start3A_437 = tpu.memref_slice %arg2[%multiple_of3A_436] : memref<320000xi32, #tpu.memory_space<hbm>> -> memref<40xi32, #tpu.memory_space<hbm>>
      %dma_start3A_438 = tpu.memref_slice %arg2[%multiple_of3A_436] : memref<320000xi32, #tpu.memory_space<hbm>> -> memref<40xi32, #tpu.memory_space<hbm>>
      tpu.enqueue_dma source(%dma_start3A_438 : memref<40xi32, #tpu.memory_space<hbm>>) target(%arg17 : memref<40xi32, #tpu.memory_space<vmem>>) target_semaphore(%arg27 : memref<!tpu.dma_semaphore, #tpu.memory_space<semaphore_mem>>)
      %dma_start3A_439 = tpu.memref_slice %arg3[%multiple_of3A_436] : memref<320000xi32, #tpu.memory_space<hbm>> -> memref<40xi32, #tpu.memory_space<hbm>>
      %dma_start3A_440 = tpu.memref_slice %arg3[%multiple_of3A_436] : memref<320000xi32, #tpu.memory_space<hbm>> -> memref<40xi32, #tpu.memory_space<hbm>>
      tpu.enqueue_dma source(%dma_start3A_440 : memref<40xi32, #tpu.memory_space<hbm>>) target(%arg18 : memref<40xi32, #tpu.memory_space<vmem>>) target_semaphore(%arg27 : memref<!tpu.dma_semaphore, #tpu.memory_space<semaphore_mem>>)
      %dma_start3A_441 = arith.constant 0 : i32
      %dma_start3A_442 = tpu.memref_slice %arg6[%multiple_of3A_436, %dma_start3A_441] : memref<320000x16xf32, #tpu.memory_space<hbm>> -> memref<40x16xf32, #tpu.memory_space<hbm>>
      %dma_start3A_443 = arith.constant 0 : i32
      %dma_start3A_444 = tpu.memref_slice %arg6[%multiple_of3A_436, %dma_start3A_443] : memref<320000x16xf32, #tpu.memory_space<hbm>> -> memref<40x16xf32, #tpu.memory_space<hbm>>
      tpu.enqueue_dma source(%dma_start3A_444 : memref<40x16xf32, #tpu.memory_space<hbm>>) target(%arg21 : memref<40x16xf32, #tpu.memory_space<vmem>>) target_semaphore(%arg27 : memref<!tpu.dma_semaphore, #tpu.memory_space<semaphore_mem>>)
      %dma_start3A_445 = arith.constant 0 : i32
      %dma_start3A_446 = tpu.memref_slice %arg8[%multiple_of3A_436, %dma_start3A_445] : memref<320000x128xf32, #tpu.memory_space<hbm>> -> memref<40x128xf32, #tpu.memory_space<hbm>>
      %dma_start3A_447 = arith.constant 0 : i32
      %dma_start3A_448 = tpu.memref_slice %arg8[%multiple_of3A_436, %dma_start3A_447] : memref<320000x128xf32, #tpu.memory_space<hbm>> -> memref<40x128xf32, #tpu.memory_space<hbm>>
      tpu.enqueue_dma source(%dma_start3A_448 : memref<40x128xf32, #tpu.memory_space<hbm>>) target(%arg23 : memref<40x128xf32, #tpu.memory_space<vmem>>) target_semaphore(%arg27 : memref<!tpu.dma_semaphore, #tpu.memory_space<semaphore_mem>>)
    }
    %scan3A_132 = arith.constant 124 : i32
    %mul3A_133 = arith.constant 10000 : i32
    %mul3A_134 = arith.muli %add3A, %mul3A_133 : i32
    %add3A_135 = arith.constant 9960 : i32
    %add3A_136 = arith.addi %mul3A_134, %add3A_135 : i32
    %multiple_of3A_137 = tpu.assume_multiple %add3A_136, 8 : i32
    %dma_wait3A_138 = tpu.memref_slice %arg2[%multiple_of3A_137] : memref<320000xi32, #tpu.memory_space<hbm>> -> memref<40xi32, #tpu.memory_space<hbm>>
    %dma_wait3A_139 = tpu.memref_slice %arg2[%multiple_of3A_137] : memref<320000xi32, #tpu.memory_space<hbm>> -> memref<40xi32, #tpu.memory_space<hbm>>
    tpu.wait_dma2 semaphore(%arg27 : memref<!tpu.dma_semaphore, #tpu.memory_space<semaphore_mem>>) src(%dma_wait3A_139 : memref<40xi32, #tpu.memory_space<hbm>>) dst(%arg17 : memref<40xi32, #tpu.memory_space<vmem>>)
    %dma_wait3A_140 = tpu.memref_slice %arg3[%multiple_of3A_137] : memref<320000xi32, #tpu.memory_space<hbm>> -> memref<40xi32, #tpu.memory_space<hbm>>
    %dma_wait3A_141 = tpu.memref_slice %arg3[%multiple_of3A_137] : memref<320000xi32, #tpu.memory_space<hbm>> -> memref<40xi32, #tpu.memory_space<hbm>>
    tpu.wait_dma2 semaphore(%arg27 : memref<!tpu.dma_semaphore, #tpu.memory_space<semaphore_mem>>) src(%dma_wait3A_141 : memref<40xi32, #tpu.memory_space<hbm>>) dst(%arg18 : memref<40xi32, #tpu.memory_space<vmem>>)
    %dma_wait3A_142 = arith.constant 0 : i32
    %dma_wait3A_143 = tpu.memref_slice %arg6[%multiple_of3A_137, %dma_wait3A_142] : memref<320000x16xf32, #tpu.memory_space<hbm>> -> memref<40x16xf32, #tpu.memory_space<hbm>>
    %dma_wait3A_144 = arith.constant 0 : i32
    %dma_wait3A_145 = tpu.memref_slice %arg6[%multiple_of3A_137, %dma_wait3A_144] : memref<320000x16xf32, #tpu.memory_space<hbm>> -> memref<40x16xf32, #tpu.memory_space<hbm>>
    tpu.wait_dma2 semaphore(%arg27 : memref<!tpu.dma_semaphore, #tpu.memory_space<semaphore_mem>>) src(%dma_wait3A_145 : memref<40x16xf32, #tpu.memory_space<hbm>>) dst(%arg21 : memref<40x16xf32, #tpu.memory_space<vmem>>)
    %dma_wait3A_146 = arith.constant 0 : i32
    %dma_wait3A_147 = tpu.memref_slice %arg8[%multiple_of3A_137, %dma_wait3A_146] : memref<320000x128xf32, #tpu.memory_space<hbm>> -> memref<40x128xf32, #tpu.memory_space<hbm>>
    %dma_wait3A_148 = arith.constant 0 : i32
    %dma_wait3A_149 = tpu.memref_slice %arg8[%multiple_of3A_137, %dma_wait3A_148] : memref<320000x128xf32, #tpu.memory_space<hbm>> -> memref<40x128xf32, #tpu.memory_space<hbm>>
    tpu.wait_dma2 semaphore(%arg27 : memref<!tpu.dma_semaphore, #tpu.memory_space<semaphore_mem>>) src(%dma_wait3A_149 : memref<40x128xf32, #tpu.memory_space<hbm>>) dst(%arg23 : memref<40x128xf32, #tpu.memory_space<vmem>>)
    %dma_start3A_150 = arith.constant 0 : i32
    %dma_start3A_151 = arith.constant 0 : i32
    %dma_start3A_152 = tpu.memref_slice %arg4[%dma_start3A_150, %dma_start3A_151] : memref<10000x16xf32, #tpu.memory_space<hbm>> -> memref<10000x16xf32, #tpu.memory_space<hbm>>
    tpu.enqueue_indirect_dma source(%dma_start3A_152 : memref<10000x16xf32, #tpu.memory_space<hbm>>) target(%arg19 : memref<40x16xf32, #tpu.memory_space<vmem>>) offsets(%arg17 : memref<40xi32, #tpu.memory_space<vmem>>) semaphore(%arg29 : memref<!tpu.dma_semaphore, #tpu.memory_space<semaphore_mem>>)
    %dma_start3A_153 = arith.constant 0 : i32
    %dma_start3A_154 = arith.constant 0 : i32
    %dma_start3A_155 = tpu.memref_slice %arg5[%dma_start3A_153, %dma_start3A_154] : memref<10000x16xf32, #tpu.memory_space<hbm>> -> memref<10000x16xf32, #tpu.memory_space<hbm>>
    tpu.enqueue_indirect_dma source(%dma_start3A_155 : memref<10000x16xf32, #tpu.memory_space<hbm>>) target(%arg20 : memref<40x16xf32, #tpu.memory_space<vmem>>) offsets(%arg18 : memref<40xi32, #tpu.memory_space<vmem>>) semaphore(%arg29 : memref<!tpu.dma_semaphore, #tpu.memory_space<semaphore_mem>>)
    %dma_start3A_156 = arith.constant 0 : i32
    %dma_start3A_157 = arith.constant 0 : i32
    %dma_start3A_158 = tpu.memref_slice %arg7[%dma_start3A_156, %dma_start3A_157] : memref<10000x128xf32, #tpu.memory_space<hbm>> -> memref<10000x128xf32, #tpu.memory_space<hbm>>
    tpu.enqueue_indirect_dma source(%dma_start3A_158 : memref<10000x128xf32, #tpu.memory_space<hbm>>) target(%arg22 : memref<40x128xf32, #tpu.memory_space<vmem>>) offsets(%arg17 : memref<40xi32, #tpu.memory_space<vmem>>) semaphore(%arg29 : memref<!tpu.dma_semaphore, #tpu.memory_space<semaphore_mem>>)
    %dma_wait3A_159 = arith.constant 0 : i32
    %dma_wait3A_160 = arith.constant 0 : i32
    %dma_wait3A_161 = tpu.memref_slice %arg4[%dma_wait3A_159, %dma_wait3A_160] : memref<10000x16xf32, #tpu.memory_space<hbm>> -> memref<10000x16xf32, #tpu.memory_space<hbm>>
    tpu.wait_indirect_dma semaphore(%arg28 : memref<!tpu.dma_semaphore, #tpu.memory_space<semaphore_mem>>) src(%dma_wait3A_161 : memref<10000x16xf32, #tpu.memory_space<hbm>>) dst(%arg12 : memref<40x16xf32, #tpu.memory_space<vmem>>)
    %dma_wait3A_162 = arith.constant 0 : i32
    %dma_wait3A_163 = arith.constant 0 : i32
    %dma_wait3A_164 = tpu.memref_slice %arg5[%dma_wait3A_162, %dma_wait3A_163] : memref<10000x16xf32, #tpu.memory_space<hbm>> -> memref<10000x16xf32, #tpu.memory_space<hbm>>
    tpu.wait_indirect_dma semaphore(%arg28 : memref<!tpu.dma_semaphore, #tpu.memory_space<semaphore_mem>>) src(%dma_wait3A_164 : memref<10000x16xf32, #tpu.memory_space<hbm>>) dst(%arg13 : memref<40x16xf32, #tpu.memory_space<vmem>>)
    %dma_wait3A_165 = arith.constant 0 : i32
    %dma_wait3A_166 = arith.constant 0 : i32
    %dma_wait3A_167 = tpu.memref_slice %arg7[%dma_wait3A_165, %dma_wait3A_166] : memref<10000x128xf32, #tpu.memory_space<hbm>> -> memref<10000x128xf32, #tpu.memory_space<hbm>>
    tpu.wait_indirect_dma semaphore(%arg28 : memref<!tpu.dma_semaphore, #tpu.memory_space<semaphore_mem>>) src(%dma_wait3A_167 : memref<10000x128xf32, #tpu.memory_space<hbm>>) dst(%arg15 : memref<40x128xf32, #tpu.memory_space<vmem>>)
    %scan3A_168 = arith.constant 0 : i32
    %scan3A_169 = arith.constant 0 : i32
    %scan3A_170 = arith.constant 40 : i32
    %scan3A_171 = arith.addi %scan3A_169, %scan3A_170 : i32
    %scan3A_172 = arith.constant 1 : i32
    scf.for %scan3A_318 = %scan3A_169 to %scan3A_171 step %scan3A_172  : i32 {
      %get3A = arith.index_cast %scan3A_318 : i32 to index
      %get3A_319 = arith.constant 0 : index
      %get3A_320 = tpu.vector_load %arg12[%get3A, %get3A_319] {strides = array<i32>} : memref<40x16xf32, #tpu.memory_space<vmem>>, vector<1x16xf32>,
      %get3A_321 = vector.shape_cast %get3A_320 : vector<1x16xf32> to vector<16xf32>
      %get3A_322 = arith.index_cast %scan3A_318 : i32 to index
      %get3A_323 = arith.constant 0 : index
      %get3A_324 = tpu.vector_load %arg13[%get3A_322, %get3A_323] {strides = array<i32>} : memref<40x16xf32, #tpu.memory_space<vmem>>, vector<1x16xf32>,
      %get3A_325 = vector.shape_cast %get3A_324 : vector<1x16xf32> to vector<16xf32>
      %add3A_326 = arith.addf %get3A_321, %get3A_325 : vector<16xf32>
      %get3A_327 = arith.index_cast %scan3A_318 : i32 to index
      %get3A_328 = arith.constant 0 : index
      %get3A_329 = tpu.vector_load %arg14[%get3A_327, %get3A_328] {strides = array<i32>} : memref<40x16xf32, #tpu.memory_space<vmem>>, vector<1x16xf32>,
      %get3A_330 = vector.shape_cast %get3A_329 : vector<1x16xf32> to vector<16xf32>
      %add3A_331 = arith.addf %add3A_326, %get3A_330 : vector<16xf32>
      %ge3A = arith.constant 0.000000e+00 : f32
      %ge3A_332 = vector.broadcast %ge3A : f32 to vector<16xf32>
      %ge3A_333 = arith.cmpf oge, %add3A_331, %ge3A_332 : vector<16xf32>
      %mul3A_334 = arith.constant 2.000000e-01 : f32
      %mul3A_335 = vector.broadcast %mul3A_334 : f32 to vector<16xf32>
      %mul3A_336 = arith.mulf %mul3A_335, %add3A_331 : vector<16xf32>
      %select_n3A = arith.select %ge3A_333, %add3A_331, %mul3A_336 : vector<16xi1>, vector<16xf32>
      %exp3A = math.exp %select_n3A : vector<16xf32>
      %swap3A = arith.index_cast %scan3A_318 : i32 to index
      %swap3A_337 = arith.constant 128 : index
      %swap3A_338 = tpu.vector_load %arg24[%swap3A, %swap3A_337] {strides = array<i32>} : memref<40x144xf32, #tpu.memory_space<vmem>>, vector<1x16xf32>,
      %swap3A_339 = vector.shape_cast %swap3A_338 : vector<1x16xf32> to vector<16xf32>
      %swap3A_340 = vector.shape_cast %exp3A : vector<16xf32> to vector<1x16xf32>
      tpu.vector_store %arg24[%swap3A, %swap3A_337], %swap3A_340 {strides = array<i32>} : memref<40x144xf32, #tpu.memory_space<vmem>>, vector<1x16xf32>,
      %slice3A = vector.extract_strided_slice %exp3A {offsets = [0], sizes = [1], strides = [1]} : vector<16xf32> to vector<1xf32>
      %squeeze3A = vector.extract %slice3A[0] : f32 from vector<1xf32>
      %get3A_341 = arith.index_cast %scan3A_318 : i32 to index
      %get3A_342 = arith.constant 0 : index
      %get3A_343 = tpu.vector_load %arg15[%get3A_341, %get3A_342] {strides = array<i32>} : memref<40x128xf32, #tpu.memory_space<vmem>>, vector<1x16xf32>,
      %get3A_344 = vector.shape_cast %get3A_343 : vector<1x16xf32> to vector<16xf32>
      %get3A_345 = arith.index_cast %scan3A_318 : i32 to index
      %get3A_346 = arith.constant 0 : index
      %get3A_347 = tpu.vector_load %arg16[%get3A_345, %get3A_346] {strides = array<i32>} : memref<40x128xf32, #tpu.memory_space<vmem>>, vector<1x16xf32>,
      %get3A_348 = vector.shape_cast %get3A_347 : vector<1x16xf32> to vector<16xf32>
      %add3A_349 = arith.addf %get3A_344, %get3A_348 : vector<16xf32>
      %mul3A_350 = vector.broadcast %squeeze3A : f32 to vector<16xf32>
      %mul3A_351 = arith.mulf %mul3A_350, %add3A_349 : vector<16xf32>
      %swap3A_352 = arith.index_cast %scan3A_318 : i32 to index
      %swap3A_353 = arith.constant 0 : index
      %swap3A_354 = tpu.vector_load %arg24[%swap3A_352, %swap3A_353] {strides = array<i32>} : memref<40x144xf32, #tpu.memory_space<vmem>>, vector<1x16xf32>,
      %swap3A_355 = vector.shape_cast %swap3A_354 : vector<1x16xf32> to vector<16xf32>
      %swap3A_356 = vector.shape_cast %mul3A_351 : vector<16xf32> to vector<1x16xf32>
      tpu.vector_store %arg24[%swap3A_352, %swap3A_353], %swap3A_356 {strides = array<i32>} : memref<40x144xf32, #tpu.memory_space<vmem>>, vector<1x16xf32>,
      %get3A_357 = arith.index_cast %scan3A_318 : i32 to index
      %get3A_358 = arith.constant 16 : index
      %get3A_359 = tpu.vector_load %arg15[%get3A_357, %get3A_358] {strides = array<i32>} : memref<40x128xf32, #tpu.memory_space<vmem>>, vector<1x16xf32>,
      %get3A_360 = vector.shape_cast %get3A_359 : vector<1x16xf32> to vector<16xf32>
      %get3A_361 = arith.index_cast %scan3A_318 : i32 to index
      %get3A_362 = arith.constant 16 : index
      %get3A_363 = tpu.vector_load %arg16[%get3A_361, %get3A_362] {strides = array<i32>} : memref<40x128xf32, #tpu.memory_space<vmem>>, vector<1x16xf32>,
      %get3A_364 = vector.shape_cast %get3A_363 : vector<1x16xf32> to vector<16xf32>
      %add3A_365 = arith.addf %get3A_360, %get3A_364 : vector<16xf32>
      %mul3A_366 = vector.broadcast %squeeze3A : f32 to vector<16xf32>
      %mul3A_367 = arith.mulf %mul3A_366, %add3A_365 : vector<16xf32>
      %swap3A_368 = arith.index_cast %scan3A_318 : i32 to index
      %swap3A_369 = arith.constant 16 : index
      %swap3A_370 = tpu.vector_load %arg24[%swap3A_368, %swap3A_369] {strides = array<i32>} : memref<40x144xf32, #tpu.memory_space<vmem>>, vector<1x16xf32>,
      %swap3A_371 = vector.shape_cast %swap3A_370 : vector<1x16xf32> to vector<16xf32>
      %swap3A_372 = vector.shape_cast %mul3A_367 : vector<16xf32> to vector<1x16xf32>
      tpu.vector_store %arg24[%swap3A_368, %swap3A_369], %swap3A_372 {strides = array<i32>} : memref<40x144xf32, #tpu.memory_space<vmem>>, vector<1x16xf32>,
      %slice3A_373 = vector.extract_strided_slice %exp3A {offsets = [1], sizes = [1], strides = [1]} : vector<16xf32> to vector<1xf32>
      %squeeze3A_374 = vector.extract %slice3A_373[0] : f32 from vector<1xf32>
      %get3A_375 = arith.index_cast %scan3A_318 : i32 to index
      %get3A_376 = arith.constant 32 : index
      %get3A_377 = tpu.vector_load %arg15[%get3A_375, %get3A_376] {strides = array<i32>} : memref<40x128xf32, #tpu.memory_space<vmem>>, vector<1x16xf32>,
      %get3A_378 = vector.shape_cast %get3A_377 : vector<1x16xf32> to vector<16xf32>
      %get3A_379 = arith.index_cast %scan3A_318 : i32 to index
      %get3A_380 = arith.constant 32 : index
      %get3A_381 = tpu.vector_load %arg16[%get3A_379, %get3A_380] {strides = array<i32>} : memref<40x128xf32, #tpu.memory_space<vmem>>, vector<1x16xf32>,
      %get3A_382 = vector.shape_cast %get3A_381 : vector<1x16xf32> to vector<16xf32>
      %add3A_383 = arith.addf %get3A_378, %get3A_382 : vector<16xf32>
      %mul3A_384 = vector.broadcast %squeeze3A_374 : f32 to vector<16xf32>
      %mul3A_385 = arith.mulf %mul3A_384, %add3A_383 : vector<16xf32>
      %swap3A_386 = arith.index_cast %scan3A_318 : i32 to index
      %swap3A_387 = arith.constant 32 : index
      %swap3A_388 = tpu.vector_load %arg24[%swap3A_386, %swap3A_387] {strides = array<i32>} : memref<40x144xf32, #tpu.memory_space<vmem>>, vector<1x16xf32>,
      %swap3A_389 = vector.shape_cast %swap3A_388 : vector<1x16xf32> to vector<16xf32>
      %swap3A_390 = vector.shape_cast %mul3A_385 : vector<16xf32> to vector<1x16xf32>
      tpu.vector_store %arg24[%swap3A_386, %swap3A_387], %swap3A_390 {strides = array<i32>} : memref<40x144xf32, #tpu.memory_space<vmem>>, vector<1x16xf32>,
      %get3A_391 = arith.index_cast %scan3A_318 : i32 to index
      %get3A_392 = arith.constant 48 : index
      %get3A_393 = tpu.vector_load %arg15[%get3A_391, %get3A_392] {strides = array<i32>} : memref<40x128xf32, #tpu.memory_space<vmem>>, vector<1x16xf32>,
      %get3A_394 = vector.shape_cast %get3A_393 : vector<1x16xf32> to vector<16xf32>
      %get3A_395 = arith.index_cast %scan3A_318 : i32 to index
      %get3A_396 = arith.constant 48 : index
      %get3A_397 = tpu.vector_load %arg16[%get3A_395, %get3A_396] {strides = array<i32>} : memref<40x128xf32, #tpu.memory_space<vmem>>, vector<1x16xf32>,
      %get3A_398 = vector.shape_cast %get3A_397 : vector<1x16xf32> to vector<16xf32>
      %add3A_399 = arith.addf %get3A_394, %get3A_398 : vector<16xf32>
      %mul3A_400 = vector.broadcast %squeeze3A_374 : f32 to vector<16xf32>
      %mul3A_401 = arith.mulf %mul3A_400, %add3A_399 : vector<16xf32>
      %swap3A_402 = arith.index_cast %scan3A_318 : i32 to index
      %swap3A_403 = arith.constant 48 : index
      %swap3A_404 = tpu.vector_load %arg24[%swap3A_402, %swap3A_403] {strides = array<i32>} : memref<40x144xf32, #tpu.memory_space<vmem>>, vector<1x16xf32>,
      %swap3A_405 = vector.shape_cast %swap3A_404 : vector<1x16xf32> to vector<16xf32>
      %swap3A_406 = vector.shape_cast %mul3A_401 : vector<16xf32> to vector<1x16xf32>
      tpu.vector_store %arg24[%swap3A_402, %swap3A_403], %swap3A_406 {strides = array<i32>} : memref<40x144xf32, #tpu.memory_space<vmem>>, vector<1x16xf32>,
      %slice3A_407 = vector.extract_strided_slice %exp3A {offsets = [2], sizes = [1], strides = [1]} : vector<16xf32> to vector<1xf32>
      %squeeze3A_408 = vector.extract %slice3A_407[0] : f32 from vector<1xf32>
      %get3A_409 = arith.index_cast %scan3A_318 : i32 to index
      %get3A_410 = arith.constant 64 : index
      %get3A_411 = tpu.vector_load %arg15[%get3A_409, %get3A_410] {strides = array<i32>} : memref<40x128xf32, #tpu.memory_space<vmem>>, vector<1x16xf32>,
      %get3A_412 = vector.shape_cast %get3A_411 : vector<1x16xf32> to vector<16xf32>
      %get3A_413 = arith.index_cast %scan3A_318 : i32 to index
      %get3A_414 = arith.constant 64 : index
      %get3A_415 = tpu.vector_load %arg16[%get3A_413, %get3A_414] {strides = array<i32>} : memref<40x128xf32, #tpu.memory_space<vmem>>, vector<1x16xf32>,
      %get3A_416 = vector.shape_cast %get3A_415 : vector<1x16xf32> to vector<16xf32>
      %add3A_417 = arith.addf %get3A_412, %get3A_416 : vector<16xf32>
      %mul3A_418 = vector.broadcast %squeeze3A_408 : f32 to vector<16xf32>
      %mul3A_419 = arith.mulf %mul3A_418, %add3A_417 : vector<16xf32>
      %swap3A_420 = arith.index_cast %scan3A_318 : i32 to index
      %swap3A_421 = arith.constant 64 : index
      %swap3A_422 = tpu.vector_load %arg24[%swap3A_420, %swap3A_421] {strides = array<i32>} : memref<40x144xf32, #tpu.memory_space<vmem>>, vector<1x16xf32>,
      %swap3A_423 = vector.shape_cast %swap3A_422 : vector<1x16xf32> to vector<16xf32>
      %swap3A_424 = vector.shape_cast %mul3A_419 : vector<16xf32> to vector<1x16xf32>
      tpu.vector_store %arg24[%swap3A_420, %swap3A_421], %swap3A_424 {strides = array<i32>} : memref<40x144xf32, #tpu.memory_space<vmem>>, vector<1x16xf32>,
      %get3A_425 = arith.index_cast %scan3A_318 : i32 to index
      %get3A_426 = arith.constant 80 : index
      %get3A_427 = tpu.vector_load %arg15[%get3A_425, %get3A_426] {strides = array<i32>} : memref<40x128xf32, #tpu.memory_space<vmem>>, vector<1x16xf32>,
      %get3A_428 = vector.shape_cast %get3A_427 : vector<1x16xf32> to vector<16xf32>
      %get3A_429 = arith.index_cast %scan3A_318 : i32 to index
      %get3A_430 = arith.constant 80 : index
      %get3A_431 = tpu.vector_load %arg16[%get3A_429, %get3A_430] {strides = array<i32>} : memref<40x128xf32, #tpu.memory_space<vmem>>, vector<1x16xf32>,
      %get3A_432 = vector.shape_cast %get3A_431 : vector<1x16xf32> to vector<16xf32>
      %add3A_433 = arith.addf %get3A_428, %get3A_432 : vector<16xf32>
      %mul3A_434 = vector.broadcast %squeeze3A_408 : f32 to vector<16xf32>
      %mul3A_435 = arith.mulf %mul3A_434, %add3A_433 : vector<16xf32>
      %swap3A_436 = arith.index_cast %scan3A_318 : i32 to index
      %swap3A_437 = arith.constant 80 : index
      %swap3A_438 = tpu.vector_load %arg24[%swap3A_436, %swap3A_437] {strides = array<i32>} : memref<40x144xf32, #tpu.memory_space<vmem>>, vector<1x16xf32>,
      %swap3A_439 = vector.shape_cast %swap3A_438 : vector<1x16xf32> to vector<16xf32>
      %swap3A_440 = vector.shape_cast %mul3A_435 : vector<16xf32> to vector<1x16xf32>
      tpu.vector_store %arg24[%swap3A_436, %swap3A_437], %swap3A_440 {strides = array<i32>} : memref<40x144xf32, #tpu.memory_space<vmem>>, vector<1x16xf32>,
      %slice3A_441 = vector.extract_strided_slice %exp3A {offsets = [3], sizes = [1], strides = [1]} : vector<16xf32> to vector<1xf32>
      %squeeze3A_442 = vector.extract %slice3A_441[0] : f32 from vector<1xf32>
      %get3A_443 = arith.index_cast %scan3A_318 : i32 to index
      %get3A_444 = arith.constant 96 : index
      %get3A_445 = tpu.vector_load %arg15[%get3A_443, %get3A_444] {strides = array<i32>} : memref<40x128xf32, #tpu.memory_space<vmem>>, vector<1x16xf32>,
      %get3A_446 = vector.shape_cast %get3A_445 : vector<1x16xf32> to vector<16xf32>
      %get3A_447 = arith.index_cast %scan3A_318 : i32 to index
      %get3A_448 = arith.constant 96 : index
      %get3A_449 = tpu.vector_load %arg16[%get3A_447, %get3A_448] {strides = array<i32>} : memref<40x128xf32, #tpu.memory_space<vmem>>, vector<1x16xf32>,
      %get3A_450 = vector.shape_cast %get3A_449 : vector<1x16xf32> to vector<16xf32>
      %add3A_451 = arith.addf %get3A_446, %get3A_450 : vector<16xf32>
      %mul3A_452 = vector.broadcast %squeeze3A_442 : f32 to vector<16xf32>
      %mul3A_453 = arith.mulf %mul3A_452, %add3A_451 : vector<16xf32>
      %swap3A_454 = arith.index_cast %scan3A_318 : i32 to index
      %swap3A_455 = arith.constant 96 : index
      %swap3A_456 = tpu.vector_load %arg24[%swap3A_454, %swap3A_455] {strides = array<i32>} : memref<40x144xf32, #tpu.memory_space<vmem>>, vector<1x16xf32>,
      %swap3A_457 = vector.shape_cast %swap3A_456 : vector<1x16xf32> to vector<16xf32>
      %swap3A_458 = vector.shape_cast %mul3A_453 : vector<16xf32> to vector<1x16xf32>
      tpu.vector_store %arg24[%swap3A_454, %swap3A_455], %swap3A_458 {strides = array<i32>} : memref<40x144xf32, #tpu.memory_space<vmem>>, vector<1x16xf32>,
      %get3A_459 = arith.index_cast %scan3A_318 : i32 to index
      %get3A_460 = arith.constant 112 : index
      %get3A_461 = tpu.vector_load %arg15[%get3A_459, %get3A_460] {strides = array<i32>} : memref<40x128xf32, #tpu.memory_space<vmem>>, vector<1x16xf32>,
      %get3A_462 = vector.shape_cast %get3A_461 : vector<1x16xf32> to vector<16xf32>
      %get3A_463 = arith.index_cast %scan3A_318 : i32 to index
      %get3A_464 = arith.constant 112 : index
      %get3A_465 = tpu.vector_load %arg16[%get3A_463, %get3A_464] {strides = array<i32>} : memref<40x128xf32, #tpu.memory_space<vmem>>, vector<1x16xf32>,
      %get3A_466 = vector.shape_cast %get3A_465 : vector<1x16xf32> to vector<16xf32>
      %add3A_467 = arith.addf %get3A_462, %get3A_466 : vector<16xf32>
      %mul3A_468 = vector.broadcast %squeeze3A_442 : f32 to vector<16xf32>
      %mul3A_469 = arith.mulf %mul3A_468, %add3A_467 : vector<16xf32>
      %swap3A_470 = arith.index_cast %scan3A_318 : i32 to index
      %swap3A_471 = arith.constant 112 : index
      %swap3A_472 = tpu.vector_load %arg24[%swap3A_470, %swap3A_471] {strides = array<i32>} : memref<40x144xf32, #tpu.memory_space<vmem>>, vector<1x16xf32>,
      %swap3A_473 = vector.shape_cast %swap3A_472 : vector<1x16xf32> to vector<16xf32>
      %swap3A_474 = vector.shape_cast %mul3A_469 : vector<16xf32> to vector<1x16xf32>
      tpu.vector_store %arg24[%swap3A_470, %swap3A_471], %swap3A_474 {strides = array<i32>} : memref<40x144xf32, #tpu.memory_space<vmem>>, vector<1x16xf32>,
    }
    %scan3A_173 = arith.constant 40 : i32
    "tpu.region"() ({
      %run_scoped3A = tpu.sem_alloc : memref<!tpu.dma_semaphore, #tpu.memory_space<semaphore_mem>>
      %dma_start3A_318 = arith.constant 0 : i32
      %dma_start3A_319 = arith.constant 0 : i32
      %dma_start3A_320 = tpu.memref_slice %arg25[%dma_start3A_318, %dma_start3A_319] : memref<10240x144xf32, #tpu.memory_space<vmem_shared>> -> memref<10240x144xf32, #tpu.memory_space<vmem_shared>>
      tpu.enqueue_indirect_dma source(%arg24 : memref<40x144xf32, #tpu.memory_space<vmem>>) target(%dma_start3A_320 : memref<10240x144xf32, #tpu.memory_space<vmem_shared>>) offsets(%arg11 : memref<40xi32, #tpu.memory_space<vmem>>) semaphore(%run_scoped3A : memref<!tpu.dma_semaphore, #tpu.memory_space<semaphore_mem>>) {add = true}
      %dma_wait3A_321 = arith.constant 0 : i32
      %dma_wait3A_322 = arith.constant 0 : i32
      %dma_wait3A_323 = tpu.memref_slice %arg25[%dma_wait3A_321, %dma_wait3A_322] : memref<10240x144xf32, #tpu.memory_space<vmem_shared>> -> memref<10240x144xf32, #tpu.memory_space<vmem_shared>>
      tpu.wait_indirect_dma semaphore(%run_scoped3A : memref<!tpu.dma_semaphore, #tpu.memory_space<semaphore_mem>>) src(%arg24 : memref<40x144xf32, #tpu.memory_space<vmem>>) dst(%dma_wait3A_323 : memref<10240x144xf32, #tpu.memory_space<vmem_shared>>)
      tpu.yield
    }) : () -> ()
    %dma_wait3A_174 = arith.constant 0 : i32
    %dma_wait3A_175 = arith.constant 0 : i32
    %dma_wait3A_176 = tpu.memref_slice %arg4[%dma_wait3A_174, %dma_wait3A_175] : memref<10000x16xf32, #tpu.memory_space<hbm>> -> memref<10000x16xf32, #tpu.memory_space<hbm>>
    tpu.wait_indirect_dma semaphore(%arg29 : memref<!tpu.dma_semaphore, #tpu.memory_space<semaphore_mem>>) src(%dma_wait3A_176 : memref<10000x16xf32, #tpu.memory_space<hbm>>) dst(%arg19 : memref<40x16xf32, #tpu.memory_space<vmem>>)
    %dma_wait3A_177 = arith.constant 0 : i32
    %dma_wait3A_178 = arith.constant 0 : i32
    %dma_wait3A_179 = tpu.memref_slice %arg5[%dma_wait3A_177, %dma_wait3A_178] : memref<10000x16xf32, #tpu.memory_space<hbm>> -> memref<10000x16xf32, #tpu.memory_space<hbm>>
    tpu.wait_indirect_dma semaphore(%arg29 : memref<!tpu.dma_semaphore, #tpu.memory_space<semaphore_mem>>) src(%dma_wait3A_179 : memref<10000x16xf32, #tpu.memory_space<hbm>>) dst(%arg20 : memref<40x16xf32, #tpu.memory_space<vmem>>)
    %dma_wait3A_180 = arith.constant 0 : i32
    %dma_wait3A_181 = arith.constant 0 : i32
    %dma_wait3A_182 = tpu.memref_slice %arg7[%dma_wait3A_180, %dma_wait3A_181] : memref<10000x128xf32, #tpu.memory_space<hbm>> -> memref<10000x128xf32, #tpu.memory_space<hbm>>
    tpu.wait_indirect_dma semaphore(%arg29 : memref<!tpu.dma_semaphore, #tpu.memory_space<semaphore_mem>>) src(%dma_wait3A_182 : memref<10000x128xf32, #tpu.memory_space<hbm>>) dst(%arg22 : memref<40x128xf32, #tpu.memory_space<vmem>>)
    %scan3A_183 = arith.constant 0 : i32
    %scan3A_184 = arith.constant 0 : i32
    %scan3A_185 = arith.constant 40 : i32
    %scan3A_186 = arith.addi %scan3A_184, %scan3A_185 : i32
    %scan3A_187 = arith.constant 1 : i32
    scf.for %scan3A_318 = %scan3A_184 to %scan3A_186 step %scan3A_187  : i32 {
      %get3A = arith.index_cast %scan3A_318 : i32 to index
      %get3A_319 = arith.constant 0 : index
      %get3A_320 = tpu.vector_load %arg19[%get3A, %get3A_319] {strides = array<i32>} : memref<40x16xf32, #tpu.memory_space<vmem>>, vector<1x16xf32>,
      %get3A_321 = vector.shape_cast %get3A_320 : vector<1x16xf32> to vector<16xf32>
      %get3A_322 = arith.index_cast %scan3A_318 : i32 to index
      %get3A_323 = arith.constant 0 : index
      %get3A_324 = tpu.vector_load %arg20[%get3A_322, %get3A_323] {strides = array<i32>} : memref<40x16xf32, #tpu.memory_space<vmem>>, vector<1x16xf32>,
      %get3A_325 = vector.shape_cast %get3A_324 : vector<1x16xf32> to vector<16xf32>
      %add3A_326 = arith.addf %get3A_321, %get3A_325 : vector<16xf32>
      %get3A_327 = arith.index_cast %scan3A_318 : i32 to index
      %get3A_328 = arith.constant 0 : index
      %get3A_329 = tpu.vector_load %arg21[%get3A_327, %get3A_328] {strides = array<i32>} : memref<40x16xf32, #tpu.memory_space<vmem>>, vector<1x16xf32>,
      %get3A_330 = vector.shape_cast %get3A_329 : vector<1x16xf32> to vector<16xf32>
      %add3A_331 = arith.addf %add3A_326, %get3A_330 : vector<16xf32>
      %ge3A = arith.constant 0.000000e+00 : f32
      %ge3A_332 = vector.broadcast %ge3A : f32 to vector<16xf32>
      %ge3A_333 = arith.cmpf oge, %add3A_331, %ge3A_332 : vector<16xf32>
      %mul3A_334 = arith.constant 2.000000e-01 : f32
      %mul3A_335 = vector.broadcast %mul3A_334 : f32 to vector<16xf32>
      %mul3A_336 = arith.mulf %mul3A_335, %add3A_331 : vector<16xf32>
      %select_n3A = arith.select %ge3A_333, %add3A_331, %mul3A_336 : vector<16xi1>, vector<16xf32>
      %exp3A = math.exp %select_n3A : vector<16xf32>
      %swap3A = arith.index_cast %scan3A_318 : i32 to index
      %swap3A_337 = arith.constant 128 : index
      %swap3A_338 = tpu.vector_load %arg24[%swap3A, %swap3A_337] {strides = array<i32>} : memref<40x144xf32, #tpu.memory_space<vmem>>, vector<1x16xf32>,
      %swap3A_339 = vector.shape_cast %swap3A_338 : vector<1x16xf32> to vector<16xf32>
      %swap3A_340 = vector.shape_cast %exp3A : vector<16xf32> to vector<1x16xf32>
      tpu.vector_store %arg24[%swap3A, %swap3A_337], %swap3A_340 {strides = array<i32>} : memref<40x144xf32, #tpu.memory_space<vmem>>, vector<1x16xf32>,
      %slice3A = vector.extract_strided_slice %exp3A {offsets = [0], sizes = [1], strides = [1]} : vector<16xf32> to vector<1xf32>
      %squeeze3A = vector.extract %slice3A[0] : f32 from vector<1xf32>
      %get3A_341 = arith.index_cast %scan3A_318 : i32 to index
      %get3A_342 = arith.constant 0 : index
      %get3A_343 = tpu.vector_load %arg22[%get3A_341, %get3A_342] {strides = array<i32>} : memref<40x128xf32, #tpu.memory_space<vmem>>, vector<1x16xf32>,
      %get3A_344 = vector.shape_cast %get3A_343 : vector<1x16xf32> to vector<16xf32>
      %get3A_345 = arith.index_cast %scan3A_318 : i32 to index
      %get3A_346 = arith.constant 0 : index
      %get3A_347 = tpu.vector_load %arg23[%get3A_345, %get3A_346] {strides = array<i32>} : memref<40x128xf32, #tpu.memory_space<vmem>>, vector<1x16xf32>,
      %get3A_348 = vector.shape_cast %get3A_347 : vector<1x16xf32> to vector<16xf32>
      %add3A_349 = arith.addf %get3A_344, %get3A_348 : vector<16xf32>
      %mul3A_350 = vector.broadcast %squeeze3A : f32 to vector<16xf32>
      %mul3A_351 = arith.mulf %mul3A_350, %add3A_349 : vector<16xf32>
      %swap3A_352 = arith.index_cast %scan3A_318 : i32 to index
      %swap3A_353 = arith.constant 0 : index
      %swap3A_354 = tpu.vector_load %arg24[%swap3A_352, %swap3A_353] {strides = array<i32>} : memref<40x144xf32, #tpu.memory_space<vmem>>, vector<1x16xf32>,
      %swap3A_355 = vector.shape_cast %swap3A_354 : vector<1x16xf32> to vector<16xf32>
      %swap3A_356 = vector.shape_cast %mul3A_351 : vector<16xf32> to vector<1x16xf32>
      tpu.vector_store %arg24[%swap3A_352, %swap3A_353], %swap3A_356 {strides = array<i32>} : memref<40x144xf32, #tpu.memory_space<vmem>>, vector<1x16xf32>,
      %get3A_357 = arith.index_cast %scan3A_318 : i32 to index
      %get3A_358 = arith.constant 16 : index
      %get3A_359 = tpu.vector_load %arg22[%get3A_357, %get3A_358] {strides = array<i32>} : memref<40x128xf32, #tpu.memory_space<vmem>>, vector<1x16xf32>,
      %get3A_360 = vector.shape_cast %get3A_359 : vector<1x16xf32> to vector<16xf32>
      %get3A_361 = arith.index_cast %scan3A_318 : i32 to index
      %get3A_362 = arith.constant 16 : index
      %get3A_363 = tpu.vector_load %arg23[%get3A_361, %get3A_362] {strides = array<i32>} : memref<40x128xf32, #tpu.memory_space<vmem>>, vector<1x16xf32>,
      %get3A_364 = vector.shape_cast %get3A_363 : vector<1x16xf32> to vector<16xf32>
      %add3A_365 = arith.addf %get3A_360, %get3A_364 : vector<16xf32>
      %mul3A_366 = vector.broadcast %squeeze3A : f32 to vector<16xf32>
      %mul3A_367 = arith.mulf %mul3A_366, %add3A_365 : vector<16xf32>
      %swap3A_368 = arith.index_cast %scan3A_318 : i32 to index
      %swap3A_369 = arith.constant 16 : index
      %swap3A_370 = tpu.vector_load %arg24[%swap3A_368, %swap3A_369] {strides = array<i32>} : memref<40x144xf32, #tpu.memory_space<vmem>>, vector<1x16xf32>,
      %swap3A_371 = vector.shape_cast %swap3A_370 : vector<1x16xf32> to vector<16xf32>
      %swap3A_372 = vector.shape_cast %mul3A_367 : vector<16xf32> to vector<1x16xf32>
      tpu.vector_store %arg24[%swap3A_368, %swap3A_369], %swap3A_372 {strides = array<i32>} : memref<40x144xf32, #tpu.memory_space<vmem>>, vector<1x16xf32>,
      %slice3A_373 = vector.extract_strided_slice %exp3A {offsets = [1], sizes = [1], strides = [1]} : vector<16xf32> to vector<1xf32>
      %squeeze3A_374 = vector.extract %slice3A_373[0] : f32 from vector<1xf32>
      %get3A_375 = arith.index_cast %scan3A_318 : i32 to index
      %get3A_376 = arith.constant 32 : index
      %get3A_377 = tpu.vector_load %arg22[%get3A_375, %get3A_376] {strides = array<i32>} : memref<40x128xf32, #tpu.memory_space<vmem>>, vector<1x16xf32>,
      %get3A_378 = vector.shape_cast %get3A_377 : vector<1x16xf32> to vector<16xf32>
      %get3A_379 = arith.index_cast %scan3A_318 : i32 to index
      %get3A_380 = arith.constant 32 : index
      %get3A_381 = tpu.vector_load %arg23[%get3A_379, %get3A_380] {strides = array<i32>} : memref<40x128xf32, #tpu.memory_space<vmem>>, vector<1x16xf32>,
      %get3A_382 = vector.shape_cast %get3A_381 : vector<1x16xf32> to vector<16xf32>
      %add3A_383 = arith.addf %get3A_378, %get3A_382 : vector<16xf32>
      %mul3A_384 = vector.broadcast %squeeze3A_374 : f32 to vector<16xf32>
      %mul3A_385 = arith.mulf %mul3A_384, %add3A_383 : vector<16xf32>
      %swap3A_386 = arith.index_cast %scan3A_318 : i32 to index
      %swap3A_387 = arith.constant 32 : index
      %swap3A_388 = tpu.vector_load %arg24[%swap3A_386, %swap3A_387] {strides = array<i32>} : memref<40x144xf32, #tpu.memory_space<vmem>>, vector<1x16xf32>,
      %swap3A_389 = vector.shape_cast %swap3A_388 : vector<1x16xf32> to vector<16xf32>
      %swap3A_390 = vector.shape_cast %mul3A_385 : vector<16xf32> to vector<1x16xf32>
      tpu.vector_store %arg24[%swap3A_386, %swap3A_387], %swap3A_390 {strides = array<i32>} : memref<40x144xf32, #tpu.memory_space<vmem>>, vector<1x16xf32>,
      %get3A_391 = arith.index_cast %scan3A_318 : i32 to index
      %get3A_392 = arith.constant 48 : index
      %get3A_393 = tpu.vector_load %arg22[%get3A_391, %get3A_392] {strides = array<i32>} : memref<40x128xf32, #tpu.memory_space<vmem>>, vector<1x16xf32>,
      %get3A_394 = vector.shape_cast %get3A_393 : vector<1x16xf32> to vector<16xf32>
      %get3A_395 = arith.index_cast %scan3A_318 : i32 to index
      %get3A_396 = arith.constant 48 : index
      %get3A_397 = tpu.vector_load %arg23[%get3A_395, %get3A_396] {strides = array<i32>} : memref<40x128xf32, #tpu.memory_space<vmem>>, vector<1x16xf32>,
      %get3A_398 = vector.shape_cast %get3A_397 : vector<1x16xf32> to vector<16xf32>
      %add3A_399 = arith.addf %get3A_394, %get3A_398 : vector<16xf32>
      %mul3A_400 = vector.broadcast %squeeze3A_374 : f32 to vector<16xf32>
      %mul3A_401 = arith.mulf %mul3A_400, %add3A_399 : vector<16xf32>
      %swap3A_402 = arith.index_cast %scan3A_318 : i32 to index
      %swap3A_403 = arith.constant 48 : index
      %swap3A_404 = tpu.vector_load %arg24[%swap3A_402, %swap3A_403] {strides = array<i32>} : memref<40x144xf32, #tpu.memory_space<vmem>>, vector<1x16xf32>,
      %swap3A_405 = vector.shape_cast %swap3A_404 : vector<1x16xf32> to vector<16xf32>
      %swap3A_406 = vector.shape_cast %mul3A_401 : vector<16xf32> to vector<1x16xf32>
      tpu.vector_store %arg24[%swap3A_402, %swap3A_403], %swap3A_406 {strides = array<i32>} : memref<40x144xf32, #tpu.memory_space<vmem>>, vector<1x16xf32>,
      %slice3A_407 = vector.extract_strided_slice %exp3A {offsets = [2], sizes = [1], strides = [1]} : vector<16xf32> to vector<1xf32>
      %squeeze3A_408 = vector.extract %slice3A_407[0] : f32 from vector<1xf32>
      %get3A_409 = arith.index_cast %scan3A_318 : i32 to index
      %get3A_410 = arith.constant 64 : index
      %get3A_411 = tpu.vector_load %arg22[%get3A_409, %get3A_410] {strides = array<i32>} : memref<40x128xf32, #tpu.memory_space<vmem>>, vector<1x16xf32>,
      %get3A_412 = vector.shape_cast %get3A_411 : vector<1x16xf32> to vector<16xf32>
      %get3A_413 = arith.index_cast %scan3A_318 : i32 to index
      %get3A_414 = arith.constant 64 : index
      %get3A_415 = tpu.vector_load %arg23[%get3A_413, %get3A_414] {strides = array<i32>} : memref<40x128xf32, #tpu.memory_space<vmem>>, vector<1x16xf32>,
      %get3A_416 = vector.shape_cast %get3A_415 : vector<1x16xf32> to vector<16xf32>
      %add3A_417 = arith.addf %get3A_412, %get3A_416 : vector<16xf32>
      %mul3A_418 = vector.broadcast %squeeze3A_408 : f32 to vector<16xf32>
      %mul3A_419 = arith.mulf %mul3A_418, %add3A_417 : vector<16xf32>
      %swap3A_420 = arith.index_cast %scan3A_318 : i32 to index
      %swap3A_421 = arith.constant 64 : index
      %swap3A_422 = tpu.vector_load %arg24[%swap3A_420, %swap3A_421] {strides = array<i32>} : memref<40x144xf32, #tpu.memory_space<vmem>>, vector<1x16xf32>,
      %swap3A_423 = vector.shape_cast %swap3A_422 : vector<1x16xf32> to vector<16xf32>
      %swap3A_424 = vector.shape_cast %mul3A_419 : vector<16xf32> to vector<1x16xf32>
      tpu.vector_store %arg24[%swap3A_420, %swap3A_421], %swap3A_424 {strides = array<i32>} : memref<40x144xf32, #tpu.memory_space<vmem>>, vector<1x16xf32>,
      %get3A_425 = arith.index_cast %scan3A_318 : i32 to index
      %get3A_426 = arith.constant 80 : index
      %get3A_427 = tpu.vector_load %arg22[%get3A_425, %get3A_426] {strides = array<i32>} : memref<40x128xf32, #tpu.memory_space<vmem>>, vector<1x16xf32>,
      %get3A_428 = vector.shape_cast %get3A_427 : vector<1x16xf32> to vector<16xf32>
      %get3A_429 = arith.index_cast %scan3A_318 : i32 to index
      %get3A_430 = arith.constant 80 : index
      %get3A_431 = tpu.vector_load %arg23[%get3A_429, %get3A_430] {strides = array<i32>} : memref<40x128xf32, #tpu.memory_space<vmem>>, vector<1x16xf32>,
      %get3A_432 = vector.shape_cast %get3A_431 : vector<1x16xf32> to vector<16xf32>
      %add3A_433 = arith.addf %get3A_428, %get3A_432 : vector<16xf32>
      %mul3A_434 = vector.broadcast %squeeze3A_408 : f32 to vector<16xf32>
      %mul3A_435 = arith.mulf %mul3A_434, %add3A_433 : vector<16xf32>
      %swap3A_436 = arith.index_cast %scan3A_318 : i32 to index
      %swap3A_437 = arith.constant 80 : index
      %swap3A_438 = tpu.vector_load %arg24[%swap3A_436, %swap3A_437] {strides = array<i32>} : memref<40x144xf32, #tpu.memory_space<vmem>>, vector<1x16xf32>,
      %swap3A_439 = vector.shape_cast %swap3A_438 : vector<1x16xf32> to vector<16xf32>
      %swap3A_440 = vector.shape_cast %mul3A_435 : vector<16xf32> to vector<1x16xf32>
      tpu.vector_store %arg24[%swap3A_436, %swap3A_437], %swap3A_440 {strides = array<i32>} : memref<40x144xf32, #tpu.memory_space<vmem>>, vector<1x16xf32>,
      %slice3A_441 = vector.extract_strided_slice %exp3A {offsets = [3], sizes = [1], strides = [1]} : vector<16xf32> to vector<1xf32>
      %squeeze3A_442 = vector.extract %slice3A_441[0] : f32 from vector<1xf32>
      %get3A_443 = arith.index_cast %scan3A_318 : i32 to index
      %get3A_444 = arith.constant 96 : index
      %get3A_445 = tpu.vector_load %arg22[%get3A_443, %get3A_444] {strides = array<i32>} : memref<40x128xf32, #tpu.memory_space<vmem>>, vector<1x16xf32>,
      %get3A_446 = vector.shape_cast %get3A_445 : vector<1x16xf32> to vector<16xf32>
      %get3A_447 = arith.index_cast %scan3A_318 : i32 to index
      %get3A_448 = arith.constant 96 : index
      %get3A_449 = tpu.vector_load %arg23[%get3A_447, %get3A_448] {strides = array<i32>} : memref<40x128xf32, #tpu.memory_space<vmem>>, vector<1x16xf32>,
      %get3A_450 = vector.shape_cast %get3A_449 : vector<1x16xf32> to vector<16xf32>
      %add3A_451 = arith.addf %get3A_446, %get3A_450 : vector<16xf32>
      %mul3A_452 = vector.broadcast %squeeze3A_442 : f32 to vector<16xf32>
      %mul3A_453 = arith.mulf %mul3A_452, %add3A_451 : vector<16xf32>
      %swap3A_454 = arith.index_cast %scan3A_318 : i32 to index
      %swap3A_455 = arith.constant 96 : index
      %swap3A_456 = tpu.vector_load %arg24[%swap3A_454, %swap3A_455] {strides = array<i32>} : memref<40x144xf32, #tpu.memory_space<vmem>>, vector<1x16xf32>,
      %swap3A_457 = vector.shape_cast %swap3A_456 : vector<1x16xf32> to vector<16xf32>
      %swap3A_458 = vector.shape_cast %mul3A_453 : vector<16xf32> to vector<1x16xf32>
      tpu.vector_store %arg24[%swap3A_454, %swap3A_455], %swap3A_458 {strides = array<i32>} : memref<40x144xf32, #tpu.memory_space<vmem>>, vector<1x16xf32>,
      %get3A_459 = arith.index_cast %scan3A_318 : i32 to index
      %get3A_460 = arith.constant 112 : index
      %get3A_461 = tpu.vector_load %arg22[%get3A_459, %get3A_460] {strides = array<i32>} : memref<40x128xf32, #tpu.memory_space<vmem>>, vector<1x16xf32>,
      %get3A_462 = vector.shape_cast %get3A_461 : vector<1x16xf32> to vector<16xf32>
      %get3A_463 = arith.index_cast %scan3A_318 : i32 to index
      %get3A_464 = arith.constant 112 : index
      %get3A_465 = tpu.vector_load %arg23[%get3A_463, %get3A_464] {strides = array<i32>} : memref<40x128xf32, #tpu.memory_space<vmem>>, vector<1x16xf32>,
      %get3A_466 = vector.shape_cast %get3A_465 : vector<1x16xf32> to vector<16xf32>
      %add3A_467 = arith.addf %get3A_462, %get3A_466 : vector<16xf32>
      %mul3A_468 = vector.broadcast %squeeze3A_442 : f32 to vector<16xf32>
      %mul3A_469 = arith.mulf %mul3A_468, %add3A_467 : vector<16xf32>
      %swap3A_470 = arith.index_cast %scan3A_318 : i32 to index
      %swap3A_471 = arith.constant 112 : index
      %swap3A_472 = tpu.vector_load %arg24[%swap3A_470, %swap3A_471] {strides = array<i32>} : memref<40x144xf32, #tpu.memory_space<vmem>>, vector<1x16xf32>,
      %swap3A_473 = vector.shape_cast %swap3A_472 : vector<1x16xf32> to vector<16xf32>
      %swap3A_474 = vector.shape_cast %mul3A_469 : vector<16xf32> to vector<1x16xf32>
      tpu.vector_store %arg24[%swap3A_470, %swap3A_471], %swap3A_474 {strides = array<i32>} : memref<40x144xf32, #tpu.memory_space<vmem>>, vector<1x16xf32>,
    }
    %scan3A_188 = arith.constant 40 : i32
    "tpu.region"() ({
      %run_scoped3A = tpu.sem_alloc : memref<!tpu.dma_semaphore, #tpu.memory_space<semaphore_mem>>
      %dma_start3A_318 = arith.constant 0 : i32
      %dma_start3A_319 = arith.constant 0 : i32
      %dma_start3A_320 = tpu.memref_slice %arg25[%dma_start3A_318, %dma_start3A_319] : memref<10240x144xf32, #tpu.memory_space<vmem_shared>> -> memref<10240x144xf32, #tpu.memory_space<vmem_shared>>
      tpu.enqueue_indirect_dma source(%arg24 : memref<40x144xf32, #tpu.memory_space<vmem>>) target(%dma_start3A_320 : memref<10240x144xf32, #tpu.memory_space<vmem_shared>>) offsets(%arg18 : memref<40xi32, #tpu.memory_space<vmem>>) semaphore(%run_scoped3A : memref<!tpu.dma_semaphore, #tpu.memory_space<semaphore_mem>>) {add = true}
      %dma_wait3A_321 = arith.constant 0 : i32
      %dma_wait3A_322 = arith.constant 0 : i32
      %dma_wait3A_323 = tpu.memref_slice %arg25[%dma_wait3A_321, %dma_wait3A_322] : memref<10240x144xf32, #tpu.memory_space<vmem_shared>> -> memref<10240x144xf32, #tpu.memory_space<vmem_shared>>
      tpu.wait_indirect_dma semaphore(%run_scoped3A : memref<!tpu.dma_semaphore, #tpu.memory_space<semaphore_mem>>) src(%arg24 : memref<40x144xf32, #tpu.memory_space<vmem>>) dst(%dma_wait3A_323 : memref<10240x144xf32, #tpu.memory_space<vmem_shared>>)
      tpu.yield
    }) : () -> ()
    %barrier3A_189 = arith.constant 0 : index
    tpu.barrier barrier_id(%barrier3A_189)
    %mul3A_190 = arith.constant 640 : i32
    %mul3A_191 = arith.muli %arg1, %mul3A_190 : i32
    %add3A_192 = arith.constant 0 : i32
    %add3A_193 = arith.addi %mul3A_191, %add3A_192 : i32
    "tpu.region"() ({
      %run_scoped3A = tpu.sem_alloc : memref<!tpu.dma_semaphore, #tpu.memory_space<semaphore_mem>>
      %dma_start3A_318 = arith.constant 0 : i32
      %dma_start3A_319 = tpu.memref_slice %arg25[%add3A_193, %dma_start3A_318] : memref<10240x144xf32, #tpu.memory_space<vmem_shared>> -> memref<40x144xf32, #tpu.memory_space<vmem_shared>>
      %dma_start3A_320 = arith.constant 0 : i32
      %dma_start3A_321 = tpu.memref_slice %arg25[%add3A_193, %dma_start3A_320] : memref<10240x144xf32, #tpu.memory_space<vmem_shared>> -> memref<40x144xf32, #tpu.memory_space<vmem_shared>>
      tpu.enqueue_dma source(%dma_start3A_321 : memref<40x144xf32, #tpu.memory_space<vmem_shared>>) target(%arg24 : memref<40x144xf32, #tpu.memory_space<vmem>>) target_semaphore(%run_scoped3A : memref<!tpu.dma_semaphore, #tpu.memory_space<semaphore_mem>>)
      %dma_wait3A_322 = arith.constant 0 : i32
      %dma_wait3A_323 = tpu.memref_slice %arg25[%add3A_193, %dma_wait3A_322] : memref<10240x144xf32, #tpu.memory_space<vmem_shared>> -> memref<40x144xf32, #tpu.memory_space<vmem_shared>>
      %dma_wait3A_324 = arith.constant 0 : i32
      %dma_wait3A_325 = tpu.memref_slice %arg25[%add3A_193, %dma_wait3A_324] : memref<10240x144xf32, #tpu.memory_space<vmem_shared>> -> memref<40x144xf32, #tpu.memory_space<vmem_shared>>
      tpu.wait_dma2 semaphore(%run_scoped3A : memref<!tpu.dma_semaphore, #tpu.memory_space<semaphore_mem>>) src(%dma_wait3A_325 : memref<40x144xf32, #tpu.memory_space<vmem_shared>>) dst(%arg24 : memref<40x144xf32, #tpu.memory_space<vmem>>)
      tpu.yield
    }) : () -> ()
    %mul3A_194 = arith.constant 640 : i32
    %mul3A_195 = arith.muli %arg1, %mul3A_194 : i32
    %add3A_196 = arith.constant 0 : i32
    %add3A_197 = arith.addi %mul3A_195, %add3A_196 : i32
    "tpu.region"() ({
      %run_scoped3A = tpu.sem_alloc : memref<!tpu.dma_semaphore, #tpu.memory_space<semaphore_mem>>
      %dma_start3A_318 = arith.constant 0 : i32
      %dma_start3A_319 = tpu.memref_slice %arg9[%arg0, %add3A_197, %dma_start3A_318] : memref<2x10240x144xf32, #tpu.memory_space<hbm>> -> memref<1x40x144xf32, #tpu.memory_space<hbm>>
      %dma_start3A_320 = tpu.memref_squeeze %dma_start3A_319 : memref<1x40x144xf32, #tpu.memory_space<hbm>> -> memref<40x144xf32, #tpu.memory_space<hbm>>
      %dma_start3A_321 = arith.constant 0 : i32
      %dma_start3A_322 = tpu.memref_slice %arg9[%arg0, %add3A_197, %dma_start3A_321] : memref<2x10240x144xf32, #tpu.memory_space<hbm>> -> memref<1x40x144xf32, #tpu.memory_space<hbm>>
      %dma_start3A_323 = tpu.memref_squeeze %dma_start3A_322 : memref<1x40x144xf32, #tpu.memory_space<hbm>> -> memref<40x144xf32, #tpu.memory_space<hbm>>
      tpu.enqueue_dma source(%arg24 : memref<40x144xf32, #tpu.memory_space<vmem>>) target(%dma_start3A_323 : memref<40x144xf32, #tpu.memory_space<hbm>>) target_semaphore(%run_scoped3A : memref<!tpu.dma_semaphore, #tpu.memory_space<semaphore_mem>>)
      %dma_wait3A_324 = arith.constant 0 : i32
      %dma_wait3A_325 = tpu.memref_slice %arg9[%arg0, %add3A_197, %dma_wait3A_324] : memref<2x10240x144xf32, #tpu.memory_space<hbm>> -> memref<1x40x144xf32, #tpu.memory_space<hbm>>
      %dma_wait3A_326 = tpu.memref_squeeze %dma_wait3A_325 : memref<1x40x144xf32, #tpu.memory_space<hbm>> -> memref<40x144xf32, #tpu.memory_space<hbm>>
      %dma_wait3A_327 = arith.constant 0 : i32
      %dma_wait3A_328 = tpu.memref_slice %arg9[%arg0, %add3A_197, %dma_wait3A_327] : memref<2x10240x144xf32, #tpu.memory_space<hbm>> -> memref<1x40x144xf32, #tpu.memory_space<hbm>>
      %dma_wait3A_329 = tpu.memref_squeeze %dma_wait3A_328 : memref<1x40x144xf32, #tpu.memory_space<hbm>> -> memref<40x144xf32, #tpu.memory_space<hbm>>
      tpu.wait_dma2 semaphore(%run_scoped3A : memref<!tpu.dma_semaphore, #tpu.memory_space<semaphore_mem>>) src(%arg24 : memref<40x144xf32, #tpu.memory_space<vmem>>) dst(%dma_wait3A_329 : memref<40x144xf32, #tpu.memory_space<hbm>>)
      tpu.yield
    }) : () -> ()
    %mul3A_198 = arith.constant 640 : i32
    %mul3A_199 = arith.muli %arg1, %mul3A_198 : i32
    %add3A_200 = arith.constant 40 : i32
    %add3A_201 = arith.addi %mul3A_199, %add3A_200 : i32
    "tpu.region"() ({
      %run_scoped3A = tpu.sem_alloc : memref<!tpu.dma_semaphore, #tpu.memory_space<semaphore_mem>>
      %dma_start3A_318 = arith.constant 0 : i32
      %dma_start3A_319 = tpu.memref_slice %arg25[%add3A_201, %dma_start3A_318] : memref<10240x144xf32, #tpu.memory_space<vmem_shared>> -> memref<40x144xf32, #tpu.memory_space<vmem_shared>>
      %dma_start3A_320 = arith.constant 0 : i32
      %dma_start3A_321 = tpu.memref_slice %arg25[%add3A_201, %dma_start3A_320] : memref<10240x144xf32, #tpu.memory_space<vmem_shared>> -> memref<40x144xf32, #tpu.memory_space<vmem_shared>>
      tpu.enqueue_dma source(%dma_start3A_321 : memref<40x144xf32, #tpu.memory_space<vmem_shared>>) target(%arg24 : memref<40x144xf32, #tpu.memory_space<vmem>>) target_semaphore(%run_scoped3A : memref<!tpu.dma_semaphore, #tpu.memory_space<semaphore_mem>>)
      %dma_wait3A_322 = arith.constant 0 : i32
      %dma_wait3A_323 = tpu.memref_slice %arg25[%add3A_201, %dma_wait3A_322] : memref<10240x144xf32, #tpu.memory_space<vmem_shared>> -> memref<40x144xf32, #tpu.memory_space<vmem_shared>>
      %dma_wait3A_324 = arith.constant 0 : i32
      %dma_wait3A_325 = tpu.memref_slice %arg25[%add3A_201, %dma_wait3A_324] : memref<10240x144xf32, #tpu.memory_space<vmem_shared>> -> memref<40x144xf32, #tpu.memory_space<vmem_shared>>
      tpu.wait_dma2 semaphore(%run_scoped3A : memref<!tpu.dma_semaphore, #tpu.memory_space<semaphore_mem>>) src(%dma_wait3A_325 : memref<40x144xf32, #tpu.memory_space<vmem_shared>>) dst(%arg24 : memref<40x144xf32, #tpu.memory_space<vmem>>)
      tpu.yield
    }) : () -> ()
    %mul3A_202 = arith.constant 640 : i32
    %mul3A_203 = arith.muli %arg1, %mul3A_202 : i32
    %add3A_204 = arith.constant 40 : i32
    %add3A_205 = arith.addi %mul3A_203, %add3A_204 : i32
    "tpu.region"() ({
      %run_scoped3A = tpu.sem_alloc : memref<!tpu.dma_semaphore, #tpu.memory_space<semaphore_mem>>
      %dma_start3A_318 = arith.constant 0 : i32
      %dma_start3A_319 = tpu.memref_slice %arg9[%arg0, %add3A_205, %dma_start3A_318] : memref<2x10240x144xf32, #tpu.memory_space<hbm>> -> memref<1x40x144xf32, #tpu.memory_space<hbm>>
      %dma_start3A_320 = tpu.memref_squeeze %dma_start3A_319 : memref<1x40x144xf32, #tpu.memory_space<hbm>> -> memref<40x144xf32, #tpu.memory_space<hbm>>
      %dma_start3A_321 = arith.constant 0 : i32
      %dma_start3A_322 = tpu.memref_slice %arg9[%arg0, %add3A_205, %dma_start3A_321] : memref<2x10240x144xf32, #tpu.memory_space<hbm>> -> memref<1x40x144xf32, #tpu.memory_space<hbm>>
      %dma_start3A_323 = tpu.memref_squeeze %dma_start3A_322 : memref<1x40x144xf32, #tpu.memory_space<hbm>> -> memref<40x144xf32, #tpu.memory_space<hbm>>
      tpu.enqueue_dma source(%arg24 : memref<40x144xf32, #tpu.memory_space<vmem>>) target(%dma_start3A_323 : memref<40x144xf32, #tpu.memory_space<hbm>>) target_semaphore(%run_scoped3A : memref<!tpu.dma_semaphore, #tpu.memory_space<semaphore_mem>>)
      %dma_wait3A_324 = arith.constant 0 : i32
      %dma_wait3A_325 = tpu.memref_slice %arg9[%arg0, %add3A_205, %dma_wait3A_324] : memref<2x10240x144xf32, #tpu.memory_space<hbm>> -> memref<1x40x144xf32, #tpu.memory_space<hbm>>
      %dma_wait3A_326 = tpu.memref_squeeze %dma_wait3A_325 : memref<1x40x144xf32, #tpu.memory_space<hbm>> -> memref<40x144xf32, #tpu.memory_space<hbm>>
      %dma_wait3A_327 = arith.constant 0 : i32
      %dma_wait3A_328 = tpu.memref_slice %arg9[%arg0, %add3A_205, %dma_wait3A_327] : memref<2x10240x144xf32, #tpu.memory_space<hbm>> -> memref<1x40x144xf32, #tpu.memory_space<hbm>>
      %dma_wait3A_329 = tpu.memref_squeeze %dma_wait3A_328 : memref<1x40x144xf32, #tpu.memory_space<hbm>> -> memref<40x144xf32, #tpu.memory_space<hbm>>
      tpu.wait_dma2 semaphore(%run_scoped3A : memref<!tpu.dma_semaphore, #tpu.memory_space<semaphore_mem>>) src(%arg24 : memref<40x144xf32, #tpu.memory_space<vmem>>) dst(%dma_wait3A_329 : memref<40x144xf32, #tpu.memory_space<hbm>>)
      tpu.yield
    }) : () -> ()
    %mul3A_206 = arith.constant 640 : i32
    %mul3A_207 = arith.muli %arg1, %mul3A_206 : i32
    %add3A_208 = arith.constant 80 : i32
    %add3A_209 = arith.addi %mul3A_207, %add3A_208 : i32
    "tpu.region"() ({
      %run_scoped3A = tpu.sem_alloc : memref<!tpu.dma_semaphore, #tpu.memory_space<semaphore_mem>>
      %dma_start3A_318 = arith.constant 0 : i32
      %dma_start3A_319 = tpu.memref_slice %arg25[%add3A_209, %dma_start3A_318] : memref<10240x144xf32, #tpu.memory_space<vmem_shared>> -> memref<40x144xf32, #tpu.memory_space<vmem_shared>>
      %dma_start3A_320 = arith.constant 0 : i32
      %dma_start3A_321 = tpu.memref_slice %arg25[%add3A_209, %dma_start3A_320] : memref<10240x144xf32, #tpu.memory_space<vmem_shared>> -> memref<40x144xf32, #tpu.memory_space<vmem_shared>>
      tpu.enqueue_dma source(%dma_start3A_321 : memref<40x144xf32, #tpu.memory_space<vmem_shared>>) target(%arg24 : memref<40x144xf32, #tpu.memory_space<vmem>>) target_semaphore(%run_scoped3A : memref<!tpu.dma_semaphore, #tpu.memory_space<semaphore_mem>>)
      %dma_wait3A_322 = arith.constant 0 : i32
      %dma_wait3A_323 = tpu.memref_slice %arg25[%add3A_209, %dma_wait3A_322] : memref<10240x144xf32, #tpu.memory_space<vmem_shared>> -> memref<40x144xf32, #tpu.memory_space<vmem_shared>>
      %dma_wait3A_324 = arith.constant 0 : i32
      %dma_wait3A_325 = tpu.memref_slice %arg25[%add3A_209, %dma_wait3A_324] : memref<10240x144xf32, #tpu.memory_space<vmem_shared>> -> memref<40x144xf32, #tpu.memory_space<vmem_shared>>
      tpu.wait_dma2 semaphore(%run_scoped3A : memref<!tpu.dma_semaphore, #tpu.memory_space<semaphore_mem>>) src(%dma_wait3A_325 : memref<40x144xf32, #tpu.memory_space<vmem_shared>>) dst(%arg24 : memref<40x144xf32, #tpu.memory_space<vmem>>)
      tpu.yield
    }) : () -> ()
    %mul3A_210 = arith.constant 640 : i32
    %mul3A_211 = arith.muli %arg1, %mul3A_210 : i32
    %add3A_212 = arith.constant 80 : i32
    %add3A_213 = arith.addi %mul3A_211, %add3A_212 : i32
    "tpu.region"() ({
      %run_scoped3A = tpu.sem_alloc : memref<!tpu.dma_semaphore, #tpu.memory_space<semaphore_mem>>
      %dma_start3A_318 = arith.constant 0 : i32
      %dma_start3A_319 = tpu.memref_slice %arg9[%arg0, %add3A_213, %dma_start3A_318] : memref<2x10240x144xf32, #tpu.memory_space<hbm>> -> memref<1x40x144xf32, #tpu.memory_space<hbm>>
      %dma_start3A_320 = tpu.memref_squeeze %dma_start3A_319 : memref<1x40x144xf32, #tpu.memory_space<hbm>> -> memref<40x144xf32, #tpu.memory_space<hbm>>
      %dma_start3A_321 = arith.constant 0 : i32
      %dma_start3A_322 = tpu.memref_slice %arg9[%arg0, %add3A_213, %dma_start3A_321] : memref<2x10240x144xf32, #tpu.memory_space<hbm>> -> memref<1x40x144xf32, #tpu.memory_space<hbm>>
      %dma_start3A_323 = tpu.memref_squeeze %dma_start3A_322 : memref<1x40x144xf32, #tpu.memory_space<hbm>> -> memref<40x144xf32, #tpu.memory_space<hbm>>
      tpu.enqueue_dma source(%arg24 : memref<40x144xf32, #tpu.memory_space<vmem>>) target(%dma_start3A_323 : memref<40x144xf32, #tpu.memory_space<hbm>>) target_semaphore(%run_scoped3A : memref<!tpu.dma_semaphore, #tpu.memory_space<semaphore_mem>>)
      %dma_wait3A_324 = arith.constant 0 : i32
      %dma_wait3A_325 = tpu.memref_slice %arg9[%arg0, %add3A_213, %dma_wait3A_324] : memref<2x10240x144xf32, #tpu.memory_space<hbm>> -> memref<1x40x144xf32, #tpu.memory_space<hbm>>
      %dma_wait3A_326 = tpu.memref_squeeze %dma_wait3A_325 : memref<1x40x144xf32, #tpu.memory_space<hbm>> -> memref<40x144xf32, #tpu.memory_space<hbm>>
      %dma_wait3A_327 = arith.constant 0 : i32
      %dma_wait3A_328 = tpu.memref_slice %arg9[%arg0, %add3A_213, %dma_wait3A_327] : memref<2x10240x144xf32, #tpu.memory_space<hbm>> -> memref<1x40x144xf32, #tpu.memory_space<hbm>>
      %dma_wait3A_329 = tpu.memref_squeeze %dma_wait3A_328 : memref<1x40x144xf32, #tpu.memory_space<hbm>> -> memref<40x144xf32, #tpu.memory_space<hbm>>
      tpu.wait_dma2 semaphore(%run_scoped3A : memref<!tpu.dma_semaphore, #tpu.memory_space<semaphore_mem>>) src(%arg24 : memref<40x144xf32, #tpu.memory_space<vmem>>) dst(%dma_wait3A_329 : memref<40x144xf32, #tpu.memory_space<hbm>>)
      tpu.yield
    }) : () -> ()
    %mul3A_214 = arith.constant 640 : i32
    %mul3A_215 = arith.muli %arg1, %mul3A_214 : i32
    %add3A_216 = arith.constant 120 : i32
    %add3A_217 = arith.addi %mul3A_215, %add3A_216 : i32
    "tpu.region"() ({
      %run_scoped3A = tpu.sem_alloc : memref<!tpu.dma_semaphore, #tpu.memory_space<semaphore_mem>>
      %dma_start3A_318 = arith.constant 0 : i32
      %dma_start3A_319 = tpu.memref_slice %arg25[%add3A_217, %dma_start3A_318] : memref<10240x144xf32, #tpu.memory_space<vmem_shared>> -> memref<40x144xf32, #tpu.memory_space<vmem_shared>>
      %dma_start3A_320 = arith.constant 0 : i32
      %dma_start3A_321 = tpu.memref_slice %arg25[%add3A_217, %dma_start3A_320] : memref<10240x144xf32, #tpu.memory_space<vmem_shared>> -> memref<40x144xf32, #tpu.memory_space<vmem_shared>>
      tpu.enqueue_dma source(%dma_start3A_321 : memref<40x144xf32, #tpu.memory_space<vmem_shared>>) target(%arg24 : memref<40x144xf32, #tpu.memory_space<vmem>>) target_semaphore(%run_scoped3A : memref<!tpu.dma_semaphore, #tpu.memory_space<semaphore_mem>>)
      %dma_wait3A_322 = arith.constant 0 : i32
      %dma_wait3A_323 = tpu.memref_slice %arg25[%add3A_217, %dma_wait3A_322] : memref<10240x144xf32, #tpu.memory_space<vmem_shared>> -> memref<40x144xf32, #tpu.memory_space<vmem_shared>>
      %dma_wait3A_324 = arith.constant 0 : i32
      %dma_wait3A_325 = tpu.memref_slice %arg25[%add3A_217, %dma_wait3A_324] : memref<10240x144xf32, #tpu.memory_space<vmem_shared>> -> memref<40x144xf32, #tpu.memory_space<vmem_shared>>
      tpu.wait_dma2 semaphore(%run_scoped3A : memref<!tpu.dma_semaphore, #tpu.memory_space<semaphore_mem>>) src(%dma_wait3A_325 : memref<40x144xf32, #tpu.memory_space<vmem_shared>>) dst(%arg24 : memref<40x144xf32, #tpu.memory_space<vmem>>)
      tpu.yield
    }) : () -> ()
    %mul3A_218 = arith.constant 640 : i32
    %mul3A_219 = arith.muli %arg1, %mul3A_218 : i32
    %add3A_220 = arith.constant 120 : i32
    %add3A_221 = arith.addi %mul3A_219, %add3A_220 : i32
    "tpu.region"() ({
      %run_scoped3A = tpu.sem_alloc : memref<!tpu.dma_semaphore, #tpu.memory_space<semaphore_mem>>
      %dma_start3A_318 = arith.constant 0 : i32
      %dma_start3A_319 = tpu.memref_slice %arg9[%arg0, %add3A_221, %dma_start3A_318] : memref<2x10240x144xf32, #tpu.memory_space<hbm>> -> memref<1x40x144xf32, #tpu.memory_space<hbm>>
      %dma_start3A_320 = tpu.memref_squeeze %dma_start3A_319 : memref<1x40x144xf32, #tpu.memory_space<hbm>> -> memref<40x144xf32, #tpu.memory_space<hbm>>
      %dma_start3A_321 = arith.constant 0 : i32
      %dma_start3A_322 = tpu.memref_slice %arg9[%arg0, %add3A_221, %dma_start3A_321] : memref<2x10240x144xf32, #tpu.memory_space<hbm>> -> memref<1x40x144xf32, #tpu.memory_space<hbm>>
      %dma_start3A_323 = tpu.memref_squeeze %dma_start3A_322 : memref<1x40x144xf32, #tpu.memory_space<hbm>> -> memref<40x144xf32, #tpu.memory_space<hbm>>
      tpu.enqueue_dma source(%arg24 : memref<40x144xf32, #tpu.memory_space<vmem>>) target(%dma_start3A_323 : memref<40x144xf32, #tpu.memory_space<hbm>>) target_semaphore(%run_scoped3A : memref<!tpu.dma_semaphore, #tpu.memory_space<semaphore_mem>>)
      %dma_wait3A_324 = arith.constant 0 : i32
      %dma_wait3A_325 = tpu.memref_slice %arg9[%arg0, %add3A_221, %dma_wait3A_324] : memref<2x10240x144xf32, #tpu.memory_space<hbm>> -> memref<1x40x144xf32, #tpu.memory_space<hbm>>
      %dma_wait3A_326 = tpu.memref_squeeze %dma_wait3A_325 : memref<1x40x144xf32, #tpu.memory_space<hbm>> -> memref<40x144xf32, #tpu.memory_space<hbm>>
      %dma_wait3A_327 = arith.constant 0 : i32
      %dma_wait3A_328 = tpu.memref_slice %arg9[%arg0, %add3A_221, %dma_wait3A_327] : memref<2x10240x144xf32, #tpu.memory_space<hbm>> -> memref<1x40x144xf32, #tpu.memory_space<hbm>>
      %dma_wait3A_329 = tpu.memref_squeeze %dma_wait3A_328 : memref<1x40x144xf32, #tpu.memory_space<hbm>> -> memref<40x144xf32, #tpu.memory_space<hbm>>
      tpu.wait_dma2 semaphore(%run_scoped3A : memref<!tpu.dma_semaphore, #tpu.memory_space<semaphore_mem>>) src(%arg24 : memref<40x144xf32, #tpu.memory_space<vmem>>) dst(%dma_wait3A_329 : memref<40x144xf32, #tpu.memory_space<hbm>>)
      tpu.yield
    }) : () -> ()
    %mul3A_222 = arith.constant 640 : i32
    %mul3A_223 = arith.muli %arg1, %mul3A_222 : i32
    %add3A_224 = arith.constant 160 : i32
    %add3A_225 = arith.addi %mul3A_223, %add3A_224 : i32
    "tpu.region"() ({
      %run_scoped3A = tpu.sem_alloc : memref<!tpu.dma_semaphore, #tpu.memory_space<semaphore_mem>>
      %dma_start3A_318 = arith.constant 0 : i32
      %dma_start3A_319 = tpu.memref_slice %arg25[%add3A_225, %dma_start3A_318] : memref<10240x144xf32, #tpu.memory_space<vmem_shared>> -> memref<40x144xf32, #tpu.memory_space<vmem_shared>>
      %dma_start3A_320 = arith.constant 0 : i32
      %dma_start3A_321 = tpu.memref_slice %arg25[%add3A_225, %dma_start3A_320] : memref<10240x144xf32, #tpu.memory_space<vmem_shared>> -> memref<40x144xf32, #tpu.memory_space<vmem_shared>>
      tpu.enqueue_dma source(%dma_start3A_321 : memref<40x144xf32, #tpu.memory_space<vmem_shared>>) target(%arg24 : memref<40x144xf32, #tpu.memory_space<vmem>>) target_semaphore(%run_scoped3A : memref<!tpu.dma_semaphore, #tpu.memory_space<semaphore_mem>>)
      %dma_wait3A_322 = arith.constant 0 : i32
      %dma_wait3A_323 = tpu.memref_slice %arg25[%add3A_225, %dma_wait3A_322] : memref<10240x144xf32, #tpu.memory_space<vmem_shared>> -> memref<40x144xf32, #tpu.memory_space<vmem_shared>>
      %dma_wait3A_324 = arith.constant 0 : i32
      %dma_wait3A_325 = tpu.memref_slice %arg25[%add3A_225, %dma_wait3A_324] : memref<10240x144xf32, #tpu.memory_space<vmem_shared>> -> memref<40x144xf32, #tpu.memory_space<vmem_shared>>
      tpu.wait_dma2 semaphore(%run_scoped3A : memref<!tpu.dma_semaphore, #tpu.memory_space<semaphore_mem>>) src(%dma_wait3A_325 : memref<40x144xf32, #tpu.memory_space<vmem_shared>>) dst(%arg24 : memref<40x144xf32, #tpu.memory_space<vmem>>)
      tpu.yield
    }) : () -> ()
    %mul3A_226 = arith.constant 640 : i32
    %mul3A_227 = arith.muli %arg1, %mul3A_226 : i32
    %add3A_228 = arith.constant 160 : i32
    %add3A_229 = arith.addi %mul3A_227, %add3A_228 : i32
    "tpu.region"() ({
      %run_scoped3A = tpu.sem_alloc : memref<!tpu.dma_semaphore, #tpu.memory_space<semaphore_mem>>
      %dma_start3A_318 = arith.constant 0 : i32
      %dma_start3A_319 = tpu.memref_slice %arg9[%arg0, %add3A_229, %dma_start3A_318] : memref<2x10240x144xf32, #tpu.memory_space<hbm>> -> memref<1x40x144xf32, #tpu.memory_space<hbm>>
      %dma_start3A_320 = tpu.memref_squeeze %dma_start3A_319 : memref<1x40x144xf32, #tpu.memory_space<hbm>> -> memref<40x144xf32, #tpu.memory_space<hbm>>
      %dma_start3A_321 = arith.constant 0 : i32
      %dma_start3A_322 = tpu.memref_slice %arg9[%arg0, %add3A_229, %dma_start3A_321] : memref<2x10240x144xf32, #tpu.memory_space<hbm>> -> memref<1x40x144xf32, #tpu.memory_space<hbm>>
      %dma_start3A_323 = tpu.memref_squeeze %dma_start3A_322 : memref<1x40x144xf32, #tpu.memory_space<hbm>> -> memref<40x144xf32, #tpu.memory_space<hbm>>
      tpu.enqueue_dma source(%arg24 : memref<40x144xf32, #tpu.memory_space<vmem>>) target(%dma_start3A_323 : memref<40x144xf32, #tpu.memory_space<hbm>>) target_semaphore(%run_scoped3A : memref<!tpu.dma_semaphore, #tpu.memory_space<semaphore_mem>>)
      %dma_wait3A_324 = arith.constant 0 : i32
      %dma_wait3A_325 = tpu.memref_slice %arg9[%arg0, %add3A_229, %dma_wait3A_324] : memref<2x10240x144xf32, #tpu.memory_space<hbm>> -> memref<1x40x144xf32, #tpu.memory_space<hbm>>
      %dma_wait3A_326 = tpu.memref_squeeze %dma_wait3A_325 : memref<1x40x144xf32, #tpu.memory_space<hbm>> -> memref<40x144xf32, #tpu.memory_space<hbm>>
      %dma_wait3A_327 = arith.constant 0 : i32
      %dma_wait3A_328 = tpu.memref_slice %arg9[%arg0, %add3A_229, %dma_wait3A_327] : memref<2x10240x144xf32, #tpu.memory_space<hbm>> -> memref<1x40x144xf32, #tpu.memory_space<hbm>>
      %dma_wait3A_329 = tpu.memref_squeeze %dma_wait3A_328 : memref<1x40x144xf32, #tpu.memory_space<hbm>> -> memref<40x144xf32, #tpu.memory_space<hbm>>
      tpu.wait_dma2 semaphore(%run_scoped3A : memref<!tpu.dma_semaphore, #tpu.memory_space<semaphore_mem>>) src(%arg24 : memref<40x144xf32, #tpu.memory_space<vmem>>) dst(%dma_wait3A_329 : memref<40x144xf32, #tpu.memory_space<hbm>>)
      tpu.yield
    }) : () -> ()
    %mul3A_230 = arith.constant 640 : i32
    %mul3A_231 = arith.muli %arg1, %mul3A_230 : i32
    %add3A_232 = arith.constant 200 : i32
    %add3A_233 = arith.addi %mul3A_231, %add3A_232 : i32
    "tpu.region"() ({
      %run_scoped3A = tpu.sem_alloc : memref<!tpu.dma_semaphore, #tpu.memory_space<semaphore_mem>>
      %dma_start3A_318 = arith.constant 0 : i32
      %dma_start3A_319 = tpu.memref_slice %arg25[%add3A_233, %dma_start3A_318] : memref<10240x144xf32, #tpu.memory_space<vmem_shared>> -> memref<40x144xf32, #tpu.memory_space<vmem_shared>>
      %dma_start3A_320 = arith.constant 0 : i32
      %dma_start3A_321 = tpu.memref_slice %arg25[%add3A_233, %dma_start3A_320] : memref<10240x144xf32, #tpu.memory_space<vmem_shared>> -> memref<40x144xf32, #tpu.memory_space<vmem_shared>>
      tpu.enqueue_dma source(%dma_start3A_321 : memref<40x144xf32, #tpu.memory_space<vmem_shared>>) target(%arg24 : memref<40x144xf32, #tpu.memory_space<vmem>>) target_semaphore(%run_scoped3A : memref<!tpu.dma_semaphore, #tpu.memory_space<semaphore_mem>>)
      %dma_wait3A_322 = arith.constant 0 : i32
      %dma_wait3A_323 = tpu.memref_slice %arg25[%add3A_233, %dma_wait3A_322] : memref<10240x144xf32, #tpu.memory_space<vmem_shared>> -> memref<40x144xf32, #tpu.memory_space<vmem_shared>>
      %dma_wait3A_324 = arith.constant 0 : i32
      %dma_wait3A_325 = tpu.memref_slice %arg25[%add3A_233, %dma_wait3A_324] : memref<10240x144xf32, #tpu.memory_space<vmem_shared>> -> memref<40x144xf32, #tpu.memory_space<vmem_shared>>
      tpu.wait_dma2 semaphore(%run_scoped3A : memref<!tpu.dma_semaphore, #tpu.memory_space<semaphore_mem>>) src(%dma_wait3A_325 : memref<40x144xf32, #tpu.memory_space<vmem_shared>>) dst(%arg24 : memref<40x144xf32, #tpu.memory_space<vmem>>)
      tpu.yield
    }) : () -> ()
    %mul3A_234 = arith.constant 640 : i32
    %mul3A_235 = arith.muli %arg1, %mul3A_234 : i32
    %add3A_236 = arith.constant 200 : i32
    %add3A_237 = arith.addi %mul3A_235, %add3A_236 : i32
    "tpu.region"() ({
      %run_scoped3A = tpu.sem_alloc : memref<!tpu.dma_semaphore, #tpu.memory_space<semaphore_mem>>
      %dma_start3A_318 = arith.constant 0 : i32
      %dma_start3A_319 = tpu.memref_slice %arg9[%arg0, %add3A_237, %dma_start3A_318] : memref<2x10240x144xf32, #tpu.memory_space<hbm>> -> memref<1x40x144xf32, #tpu.memory_space<hbm>>
      %dma_start3A_320 = tpu.memref_squeeze %dma_start3A_319 : memref<1x40x144xf32, #tpu.memory_space<hbm>> -> memref<40x144xf32, #tpu.memory_space<hbm>>
      %dma_start3A_321 = arith.constant 0 : i32
      %dma_start3A_322 = tpu.memref_slice %arg9[%arg0, %add3A_237, %dma_start3A_321] : memref<2x10240x144xf32, #tpu.memory_space<hbm>> -> memref<1x40x144xf32, #tpu.memory_space<hbm>>
      %dma_start3A_323 = tpu.memref_squeeze %dma_start3A_322 : memref<1x40x144xf32, #tpu.memory_space<hbm>> -> memref<40x144xf32, #tpu.memory_space<hbm>>
      tpu.enqueue_dma source(%arg24 : memref<40x144xf32, #tpu.memory_space<vmem>>) target(%dma_start3A_323 : memref<40x144xf32, #tpu.memory_space<hbm>>) target_semaphore(%run_scoped3A : memref<!tpu.dma_semaphore, #tpu.memory_space<semaphore_mem>>)
      %dma_wait3A_324 = arith.constant 0 : i32
      %dma_wait3A_325 = tpu.memref_slice %arg9[%arg0, %add3A_237, %dma_wait3A_324] : memref<2x10240x144xf32, #tpu.memory_space<hbm>> -> memref<1x40x144xf32, #tpu.memory_space<hbm>>
      %dma_wait3A_326 = tpu.memref_squeeze %dma_wait3A_325 : memref<1x40x144xf32, #tpu.memory_space<hbm>> -> memref<40x144xf32, #tpu.memory_space<hbm>>
      %dma_wait3A_327 = arith.constant 0 : i32
      %dma_wait3A_328 = tpu.memref_slice %arg9[%arg0, %add3A_237, %dma_wait3A_327] : memref<2x10240x144xf32, #tpu.memory_space<hbm>> -> memref<1x40x144xf32, #tpu.memory_space<hbm>>
      %dma_wait3A_329 = tpu.memref_squeeze %dma_wait3A_328 : memref<1x40x144xf32, #tpu.memory_space<hbm>> -> memref<40x144xf32, #tpu.memory_space<hbm>>
      tpu.wait_dma2 semaphore(%run_scoped3A : memref<!tpu.dma_semaphore, #tpu.memory_space<semaphore_mem>>) src(%arg24 : memref<40x144xf32, #tpu.memory_space<vmem>>) dst(%dma_wait3A_329 : memref<40x144xf32, #tpu.memory_space<hbm>>)
      tpu.yield
    }) : () -> ()
    %mul3A_238 = arith.constant 640 : i32
    %mul3A_239 = arith.muli %arg1, %mul3A_238 : i32
    %add3A_240 = arith.constant 240 : i32
    %add3A_241 = arith.addi %mul3A_239, %add3A_240 : i32
    "tpu.region"() ({
      %run_scoped3A = tpu.sem_alloc : memref<!tpu.dma_semaphore, #tpu.memory_space<semaphore_mem>>
      %dma_start3A_318 = arith.constant 0 : i32
      %dma_start3A_319 = tpu.memref_slice %arg25[%add3A_241, %dma_start3A_318] : memref<10240x144xf32, #tpu.memory_space<vmem_shared>> -> memref<40x144xf32, #tpu.memory_space<vmem_shared>>
      %dma_start3A_320 = arith.constant 0 : i32
      %dma_start3A_321 = tpu.memref_slice %arg25[%add3A_241, %dma_start3A_320] : memref<10240x144xf32, #tpu.memory_space<vmem_shared>> -> memref<40x144xf32, #tpu.memory_space<vmem_shared>>
      tpu.enqueue_dma source(%dma_start3A_321 : memref<40x144xf32, #tpu.memory_space<vmem_shared>>) target(%arg24 : memref<40x144xf32, #tpu.memory_space<vmem>>) target_semaphore(%run_scoped3A : memref<!tpu.dma_semaphore, #tpu.memory_space<semaphore_mem>>)
      %dma_wait3A_322 = arith.constant 0 : i32
      %dma_wait3A_323 = tpu.memref_slice %arg25[%add3A_241, %dma_wait3A_322] : memref<10240x144xf32, #tpu.memory_space<vmem_shared>> -> memref<40x144xf32, #tpu.memory_space<vmem_shared>>
      %dma_wait3A_324 = arith.constant 0 : i32
      %dma_wait3A_325 = tpu.memref_slice %arg25[%add3A_241, %dma_wait3A_324] : memref<10240x144xf32, #tpu.memory_space<vmem_shared>> -> memref<40x144xf32, #tpu.memory_space<vmem_shared>>
      tpu.wait_dma2 semaphore(%run_scoped3A : memref<!tpu.dma_semaphore, #tpu.memory_space<semaphore_mem>>) src(%dma_wait3A_325 : memref<40x144xf32, #tpu.memory_space<vmem_shared>>) dst(%arg24 : memref<40x144xf32, #tpu.memory_space<vmem>>)
      tpu.yield
    }) : () -> ()
    %mul3A_242 = arith.constant 640 : i32
    %mul3A_243 = arith.muli %arg1, %mul3A_242 : i32
    %add3A_244 = arith.constant 240 : i32
    %add3A_245 = arith.addi %mul3A_243, %add3A_244 : i32
    "tpu.region"() ({
      %run_scoped3A = tpu.sem_alloc : memref<!tpu.dma_semaphore, #tpu.memory_space<semaphore_mem>>
      %dma_start3A_318 = arith.constant 0 : i32
      %dma_start3A_319 = tpu.memref_slice %arg9[%arg0, %add3A_245, %dma_start3A_318] : memref<2x10240x144xf32, #tpu.memory_space<hbm>> -> memref<1x40x144xf32, #tpu.memory_space<hbm>>
      %dma_start3A_320 = tpu.memref_squeeze %dma_start3A_319 : memref<1x40x144xf32, #tpu.memory_space<hbm>> -> memref<40x144xf32, #tpu.memory_space<hbm>>
      %dma_start3A_321 = arith.constant 0 : i32
      %dma_start3A_322 = tpu.memref_slice %arg9[%arg0, %add3A_245, %dma_start3A_321] : memref<2x10240x144xf32, #tpu.memory_space<hbm>> -> memref<1x40x144xf32, #tpu.memory_space<hbm>>
      %dma_start3A_323 = tpu.memref_squeeze %dma_start3A_322 : memref<1x40x144xf32, #tpu.memory_space<hbm>> -> memref<40x144xf32, #tpu.memory_space<hbm>>
      tpu.enqueue_dma source(%arg24 : memref<40x144xf32, #tpu.memory_space<vmem>>) target(%dma_start3A_323 : memref<40x144xf32, #tpu.memory_space<hbm>>) target_semaphore(%run_scoped3A : memref<!tpu.dma_semaphore, #tpu.memory_space<semaphore_mem>>)
      %dma_wait3A_324 = arith.constant 0 : i32
      %dma_wait3A_325 = tpu.memref_slice %arg9[%arg0, %add3A_245, %dma_wait3A_324] : memref<2x10240x144xf32, #tpu.memory_space<hbm>> -> memref<1x40x144xf32, #tpu.memory_space<hbm>>
      %dma_wait3A_326 = tpu.memref_squeeze %dma_wait3A_325 : memref<1x40x144xf32, #tpu.memory_space<hbm>> -> memref<40x144xf32, #tpu.memory_space<hbm>>
      %dma_wait3A_327 = arith.constant 0 : i32
      %dma_wait3A_328 = tpu.memref_slice %arg9[%arg0, %add3A_245, %dma_wait3A_327] : memref<2x10240x144xf32, #tpu.memory_space<hbm>> -> memref<1x40x144xf32, #tpu.memory_space<hbm>>
      %dma_wait3A_329 = tpu.memref_squeeze %dma_wait3A_328 : memref<1x40x144xf32, #tpu.memory_space<hbm>> -> memref<40x144xf32, #tpu.memory_space<hbm>>
      tpu.wait_dma2 semaphore(%run_scoped3A : memref<!tpu.dma_semaphore, #tpu.memory_space<semaphore_mem>>) src(%arg24 : memref<40x144xf32, #tpu.memory_space<vmem>>) dst(%dma_wait3A_329 : memref<40x144xf32, #tpu.memory_space<hbm>>)
      tpu.yield
    }) : () -> ()
    %mul3A_246 = arith.constant 640 : i32
    %mul3A_247 = arith.muli %arg1, %mul3A_246 : i32
    %add3A_248 = arith.constant 280 : i32
    %add3A_249 = arith.addi %mul3A_247, %add3A_248 : i32
    "tpu.region"() ({
      %run_scoped3A = tpu.sem_alloc : memref<!tpu.dma_semaphore, #tpu.memory_space<semaphore_mem>>
      %dma_start3A_318 = arith.constant 0 : i32
      %dma_start3A_319 = tpu.memref_slice %arg25[%add3A_249, %dma_start3A_318] : memref<10240x144xf32, #tpu.memory_space<vmem_shared>> -> memref<40x144xf32, #tpu.memory_space<vmem_shared>>
      %dma_start3A_320 = arith.constant 0 : i32
      %dma_start3A_321 = tpu.memref_slice %arg25[%add3A_249, %dma_start3A_320] : memref<10240x144xf32, #tpu.memory_space<vmem_shared>> -> memref<40x144xf32, #tpu.memory_space<vmem_shared>>
      tpu.enqueue_dma source(%dma_start3A_321 : memref<40x144xf32, #tpu.memory_space<vmem_shared>>) target(%arg24 : memref<40x144xf32, #tpu.memory_space<vmem>>) target_semaphore(%run_scoped3A : memref<!tpu.dma_semaphore, #tpu.memory_space<semaphore_mem>>)
      %dma_wait3A_322 = arith.constant 0 : i32
      %dma_wait3A_323 = tpu.memref_slice %arg25[%add3A_249, %dma_wait3A_322] : memref<10240x144xf32, #tpu.memory_space<vmem_shared>> -> memref<40x144xf32, #tpu.memory_space<vmem_shared>>
      %dma_wait3A_324 = arith.constant 0 : i32
      %dma_wait3A_325 = tpu.memref_slice %arg25[%add3A_249, %dma_wait3A_324] : memref<10240x144xf32, #tpu.memory_space<vmem_shared>> -> memref<40x144xf32, #tpu.memory_space<vmem_shared>>
      tpu.wait_dma2 semaphore(%run_scoped3A : memref<!tpu.dma_semaphore, #tpu.memory_space<semaphore_mem>>) src(%dma_wait3A_325 : memref<40x144xf32, #tpu.memory_space<vmem_shared>>) dst(%arg24 : memref<40x144xf32, #tpu.memory_space<vmem>>)
      tpu.yield
    }) : () -> ()
    %mul3A_250 = arith.constant 640 : i32
    %mul3A_251 = arith.muli %arg1, %mul3A_250 : i32
    %add3A_252 = arith.constant 280 : i32
    %add3A_253 = arith.addi %mul3A_251, %add3A_252 : i32
    "tpu.region"() ({
      %run_scoped3A = tpu.sem_alloc : memref<!tpu.dma_semaphore, #tpu.memory_space<semaphore_mem>>
      %dma_start3A_318 = arith.constant 0 : i32
      %dma_start3A_319 = tpu.memref_slice %arg9[%arg0, %add3A_253, %dma_start3A_318] : memref<2x10240x144xf32, #tpu.memory_space<hbm>> -> memref<1x40x144xf32, #tpu.memory_space<hbm>>
      %dma_start3A_320 = tpu.memref_squeeze %dma_start3A_319 : memref<1x40x144xf32, #tpu.memory_space<hbm>> -> memref<40x144xf32, #tpu.memory_space<hbm>>
      %dma_start3A_321 = arith.constant 0 : i32
      %dma_start3A_322 = tpu.memref_slice %arg9[%arg0, %add3A_253, %dma_start3A_321] : memref<2x10240x144xf32, #tpu.memory_space<hbm>> -> memref<1x40x144xf32, #tpu.memory_space<hbm>>
      %dma_start3A_323 = tpu.memref_squeeze %dma_start3A_322 : memref<1x40x144xf32, #tpu.memory_space<hbm>> -> memref<40x144xf32, #tpu.memory_space<hbm>>
      tpu.enqueue_dma source(%arg24 : memref<40x144xf32, #tpu.memory_space<vmem>>) target(%dma_start3A_323 : memref<40x144xf32, #tpu.memory_space<hbm>>) target_semaphore(%run_scoped3A : memref<!tpu.dma_semaphore, #tpu.memory_space<semaphore_mem>>)
      %dma_wait3A_324 = arith.constant 0 : i32
      %dma_wait3A_325 = tpu.memref_slice %arg9[%arg0, %add3A_253, %dma_wait3A_324] : memref<2x10240x144xf32, #tpu.memory_space<hbm>> -> memref<1x40x144xf32, #tpu.memory_space<hbm>>
      %dma_wait3A_326 = tpu.memref_squeeze %dma_wait3A_325 : memref<1x40x144xf32, #tpu.memory_space<hbm>> -> memref<40x144xf32, #tpu.memory_space<hbm>>
      %dma_wait3A_327 = arith.constant 0 : i32
      %dma_wait3A_328 = tpu.memref_slice %arg9[%arg0, %add3A_253, %dma_wait3A_327] : memref<2x10240x144xf32, #tpu.memory_space<hbm>> -> memref<1x40x144xf32, #tpu.memory_space<hbm>>
      %dma_wait3A_329 = tpu.memref_squeeze %dma_wait3A_328 : memref<1x40x144xf32, #tpu.memory_space<hbm>> -> memref<40x144xf32, #tpu.memory_space<hbm>>
      tpu.wait_dma2 semaphore(%run_scoped3A : memref<!tpu.dma_semaphore, #tpu.memory_space<semaphore_mem>>) src(%arg24 : memref<40x144xf32, #tpu.memory_space<vmem>>) dst(%dma_wait3A_329 : memref<40x144xf32, #tpu.memory_space<hbm>>)
      tpu.yield
    }) : () -> ()
    %mul3A_254 = arith.constant 640 : i32
    %mul3A_255 = arith.muli %arg1, %mul3A_254 : i32
    %add3A_256 = arith.constant 320 : i32
    %add3A_257 = arith.addi %mul3A_255, %add3A_256 : i32
    "tpu.region"() ({
      %run_scoped3A = tpu.sem_alloc : memref<!tpu.dma_semaphore, #tpu.memory_space<semaphore_mem>>
      %dma_start3A_318 = arith.constant 0 : i32
      %dma_start3A_319 = tpu.memref_slice %arg25[%add3A_257, %dma_start3A_318] : memref<10240x144xf32, #tpu.memory_space<vmem_shared>> -> memref<40x144xf32, #tpu.memory_space<vmem_shared>>
      %dma_start3A_320 = arith.constant 0 : i32
      %dma_start3A_321 = tpu.memref_slice %arg25[%add3A_257, %dma_start3A_320] : memref<10240x144xf32, #tpu.memory_space<vmem_shared>> -> memref<40x144xf32, #tpu.memory_space<vmem_shared>>
      tpu.enqueue_dma source(%dma_start3A_321 : memref<40x144xf32, #tpu.memory_space<vmem_shared>>) target(%arg24 : memref<40x144xf32, #tpu.memory_space<vmem>>) target_semaphore(%run_scoped3A : memref<!tpu.dma_semaphore, #tpu.memory_space<semaphore_mem>>)
      %dma_wait3A_322 = arith.constant 0 : i32
      %dma_wait3A_323 = tpu.memref_slice %arg25[%add3A_257, %dma_wait3A_322] : memref<10240x144xf32, #tpu.memory_space<vmem_shared>> -> memref<40x144xf32, #tpu.memory_space<vmem_shared>>
      %dma_wait3A_324 = arith.constant 0 : i32
      %dma_wait3A_325 = tpu.memref_slice %arg25[%add3A_257, %dma_wait3A_324] : memref<10240x144xf32, #tpu.memory_space<vmem_shared>> -> memref<40x144xf32, #tpu.memory_space<vmem_shared>>
      tpu.wait_dma2 semaphore(%run_scoped3A : memref<!tpu.dma_semaphore, #tpu.memory_space<semaphore_mem>>) src(%dma_wait3A_325 : memref<40x144xf32, #tpu.memory_space<vmem_shared>>) dst(%arg24 : memref<40x144xf32, #tpu.memory_space<vmem>>)
      tpu.yield
    }) : () -> ()
    %mul3A_258 = arith.constant 640 : i32
    %mul3A_259 = arith.muli %arg1, %mul3A_258 : i32
    %add3A_260 = arith.constant 320 : i32
    %add3A_261 = arith.addi %mul3A_259, %add3A_260 : i32
    "tpu.region"() ({
      %run_scoped3A = tpu.sem_alloc : memref<!tpu.dma_semaphore, #tpu.memory_space<semaphore_mem>>
      %dma_start3A_318 = arith.constant 0 : i32
      %dma_start3A_319 = tpu.memref_slice %arg9[%arg0, %add3A_261, %dma_start3A_318] : memref<2x10240x144xf32, #tpu.memory_space<hbm>> -> memref<1x40x144xf32, #tpu.memory_space<hbm>>
      %dma_start3A_320 = tpu.memref_squeeze %dma_start3A_319 : memref<1x40x144xf32, #tpu.memory_space<hbm>> -> memref<40x144xf32, #tpu.memory_space<hbm>>
      %dma_start3A_321 = arith.constant 0 : i32
      %dma_start3A_322 = tpu.memref_slice %arg9[%arg0, %add3A_261, %dma_start3A_321] : memref<2x10240x144xf32, #tpu.memory_space<hbm>> -> memref<1x40x144xf32, #tpu.memory_space<hbm>>
      %dma_start3A_323 = tpu.memref_squeeze %dma_start3A_322 : memref<1x40x144xf32, #tpu.memory_space<hbm>> -> memref<40x144xf32, #tpu.memory_space<hbm>>
      tpu.enqueue_dma source(%arg24 : memref<40x144xf32, #tpu.memory_space<vmem>>) target(%dma_start3A_323 : memref<40x144xf32, #tpu.memory_space<hbm>>) target_semaphore(%run_scoped3A : memref<!tpu.dma_semaphore, #tpu.memory_space<semaphore_mem>>)
      %dma_wait3A_324 = arith.constant 0 : i32
      %dma_wait3A_325 = tpu.memref_slice %arg9[%arg0, %add3A_261, %dma_wait3A_324] : memref<2x10240x144xf32, #tpu.memory_space<hbm>> -> memref<1x40x144xf32, #tpu.memory_space<hbm>>
      %dma_wait3A_326 = tpu.memref_squeeze %dma_wait3A_325 : memref<1x40x144xf32, #tpu.memory_space<hbm>> -> memref<40x144xf32, #tpu.memory_space<hbm>>
      %dma_wait3A_327 = arith.constant 0 : i32
      %dma_wait3A_328 = tpu.memref_slice %arg9[%arg0, %add3A_261, %dma_wait3A_327] : memref<2x10240x144xf32, #tpu.memory_space<hbm>> -> memref<1x40x144xf32, #tpu.memory_space<hbm>>
      %dma_wait3A_329 = tpu.memref_squeeze %dma_wait3A_328 : memref<1x40x144xf32, #tpu.memory_space<hbm>> -> memref<40x144xf32, #tpu.memory_space<hbm>>
      tpu.wait_dma2 semaphore(%run_scoped3A : memref<!tpu.dma_semaphore, #tpu.memory_space<semaphore_mem>>) src(%arg24 : memref<40x144xf32, #tpu.memory_space<vmem>>) dst(%dma_wait3A_329 : memref<40x144xf32, #tpu.memory_space<hbm>>)
      tpu.yield
    }) : () -> ()
    %mul3A_262 = arith.constant 640 : i32
    %mul3A_263 = arith.muli %arg1, %mul3A_262 : i32
    %add3A_264 = arith.constant 360 : i32
    %add3A_265 = arith.addi %mul3A_263, %add3A_264 : i32
    "tpu.region"() ({
      %run_scoped3A = tpu.sem_alloc : memref<!tpu.dma_semaphore, #tpu.memory_space<semaphore_mem>>
      %dma_start3A_318 = arith.constant 0 : i32
      %dma_start3A_319 = tpu.memref_slice %arg25[%add3A_265, %dma_start3A_318] : memref<10240x144xf32, #tpu.memory_space<vmem_shared>> -> memref<40x144xf32, #tpu.memory_space<vmem_shared>>
      %dma_start3A_320 = arith.constant 0 : i32
      %dma_start3A_321 = tpu.memref_slice %arg25[%add3A_265, %dma_start3A_320] : memref<10240x144xf32, #tpu.memory_space<vmem_shared>> -> memref<40x144xf32, #tpu.memory_space<vmem_shared>>
      tpu.enqueue_dma source(%dma_start3A_321 : memref<40x144xf32, #tpu.memory_space<vmem_shared>>) target(%arg24 : memref<40x144xf32, #tpu.memory_space<vmem>>) target_semaphore(%run_scoped3A : memref<!tpu.dma_semaphore, #tpu.memory_space<semaphore_mem>>)
      %dma_wait3A_322 = arith.constant 0 : i32
      %dma_wait3A_323 = tpu.memref_slice %arg25[%add3A_265, %dma_wait3A_322] : memref<10240x144xf32, #tpu.memory_space<vmem_shared>> -> memref<40x144xf32, #tpu.memory_space<vmem_shared>>
      %dma_wait3A_324 = arith.constant 0 : i32
      %dma_wait3A_325 = tpu.memref_slice %arg25[%add3A_265, %dma_wait3A_324] : memref<10240x144xf32, #tpu.memory_space<vmem_shared>> -> memref<40x144xf32, #tpu.memory_space<vmem_shared>>
      tpu.wait_dma2 semaphore(%run_scoped3A : memref<!tpu.dma_semaphore, #tpu.memory_space<semaphore_mem>>) src(%dma_wait3A_325 : memref<40x144xf32, #tpu.memory_space<vmem_shared>>) dst(%arg24 : memref<40x144xf32, #tpu.memory_space<vmem>>)
      tpu.yield
    }) : () -> ()
    %mul3A_266 = arith.constant 640 : i32
    %mul3A_267 = arith.muli %arg1, %mul3A_266 : i32
    %add3A_268 = arith.constant 360 : i32
    %add3A_269 = arith.addi %mul3A_267, %add3A_268 : i32
    "tpu.region"() ({
      %run_scoped3A = tpu.sem_alloc : memref<!tpu.dma_semaphore, #tpu.memory_space<semaphore_mem>>
      %dma_start3A_318 = arith.constant 0 : i32
      %dma_start3A_319 = tpu.memref_slice %arg9[%arg0, %add3A_269, %dma_start3A_318] : memref<2x10240x144xf32, #tpu.memory_space<hbm>> -> memref<1x40x144xf32, #tpu.memory_space<hbm>>
      %dma_start3A_320 = tpu.memref_squeeze %dma_start3A_319 : memref<1x40x144xf32, #tpu.memory_space<hbm>> -> memref<40x144xf32, #tpu.memory_space<hbm>>
      %dma_start3A_321 = arith.constant 0 : i32
      %dma_start3A_322 = tpu.memref_slice %arg9[%arg0, %add3A_269, %dma_start3A_321] : memref<2x10240x144xf32, #tpu.memory_space<hbm>> -> memref<1x40x144xf32, #tpu.memory_space<hbm>>
      %dma_start3A_323 = tpu.memref_squeeze %dma_start3A_322 : memref<1x40x144xf32, #tpu.memory_space<hbm>> -> memref<40x144xf32, #tpu.memory_space<hbm>>
      tpu.enqueue_dma source(%arg24 : memref<40x144xf32, #tpu.memory_space<vmem>>) target(%dma_start3A_323 : memref<40x144xf32, #tpu.memory_space<hbm>>) target_semaphore(%run_scoped3A : memref<!tpu.dma_semaphore, #tpu.memory_space<semaphore_mem>>)
      %dma_wait3A_324 = arith.constant 0 : i32
      %dma_wait3A_325 = tpu.memref_slice %arg9[%arg0, %add3A_269, %dma_wait3A_324] : memref<2x10240x144xf32, #tpu.memory_space<hbm>> -> memref<1x40x144xf32, #tpu.memory_space<hbm>>
      %dma_wait3A_326 = tpu.memref_squeeze %dma_wait3A_325 : memref<1x40x144xf32, #tpu.memory_space<hbm>> -> memref<40x144xf32, #tpu.memory_space<hbm>>
      %dma_wait3A_327 = arith.constant 0 : i32
      %dma_wait3A_328 = tpu.memref_slice %arg9[%arg0, %add3A_269, %dma_wait3A_327] : memref<2x10240x144xf32, #tpu.memory_space<hbm>> -> memref<1x40x144xf32, #tpu.memory_space<hbm>>
      %dma_wait3A_329 = tpu.memref_squeeze %dma_wait3A_328 : memref<1x40x144xf32, #tpu.memory_space<hbm>> -> memref<40x144xf32, #tpu.memory_space<hbm>>
      tpu.wait_dma2 semaphore(%run_scoped3A : memref<!tpu.dma_semaphore, #tpu.memory_space<semaphore_mem>>) src(%arg24 : memref<40x144xf32, #tpu.memory_space<vmem>>) dst(%dma_wait3A_329 : memref<40x144xf32, #tpu.memory_space<hbm>>)
      tpu.yield
    }) : () -> ()
    %mul3A_270 = arith.constant 640 : i32
    %mul3A_271 = arith.muli %arg1, %mul3A_270 : i32
    %add3A_272 = arith.constant 400 : i32
    %add3A_273 = arith.addi %mul3A_271, %add3A_272 : i32
    "tpu.region"() ({
      %run_scoped3A = tpu.sem_alloc : memref<!tpu.dma_semaphore, #tpu.memory_space<semaphore_mem>>
      %dma_start3A_318 = arith.constant 0 : i32
      %dma_start3A_319 = tpu.memref_slice %arg25[%add3A_273, %dma_start3A_318] : memref<10240x144xf32, #tpu.memory_space<vmem_shared>> -> memref<40x144xf32, #tpu.memory_space<vmem_shared>>
      %dma_start3A_320 = arith.constant 0 : i32
      %dma_start3A_321 = tpu.memref_slice %arg25[%add3A_273, %dma_start3A_320] : memref<10240x144xf32, #tpu.memory_space<vmem_shared>> -> memref<40x144xf32, #tpu.memory_space<vmem_shared>>
      tpu.enqueue_dma source(%dma_start3A_321 : memref<40x144xf32, #tpu.memory_space<vmem_shared>>) target(%arg24 : memref<40x144xf32, #tpu.memory_space<vmem>>) target_semaphore(%run_scoped3A : memref<!tpu.dma_semaphore, #tpu.memory_space<semaphore_mem>>)
      %dma_wait3A_322 = arith.constant 0 : i32
      %dma_wait3A_323 = tpu.memref_slice %arg25[%add3A_273, %dma_wait3A_322] : memref<10240x144xf32, #tpu.memory_space<vmem_shared>> -> memref<40x144xf32, #tpu.memory_space<vmem_shared>>
      %dma_wait3A_324 = arith.constant 0 : i32
      %dma_wait3A_325 = tpu.memref_slice %arg25[%add3A_273, %dma_wait3A_324] : memref<10240x144xf32, #tpu.memory_space<vmem_shared>> -> memref<40x144xf32, #tpu.memory_space<vmem_shared>>
      tpu.wait_dma2 semaphore(%run_scoped3A : memref<!tpu.dma_semaphore, #tpu.memory_space<semaphore_mem>>) src(%dma_wait3A_325 : memref<40x144xf32, #tpu.memory_space<vmem_shared>>) dst(%arg24 : memref<40x144xf32, #tpu.memory_space<vmem>>)
      tpu.yield
    }) : () -> ()
    %mul3A_274 = arith.constant 640 : i32
    %mul3A_275 = arith.muli %arg1, %mul3A_274 : i32
    %add3A_276 = arith.constant 400 : i32
    %add3A_277 = arith.addi %mul3A_275, %add3A_276 : i32
    "tpu.region"() ({
      %run_scoped3A = tpu.sem_alloc : memref<!tpu.dma_semaphore, #tpu.memory_space<semaphore_mem>>
      %dma_start3A_318 = arith.constant 0 : i32
      %dma_start3A_319 = tpu.memref_slice %arg9[%arg0, %add3A_277, %dma_start3A_318] : memref<2x10240x144xf32, #tpu.memory_space<hbm>> -> memref<1x40x144xf32, #tpu.memory_space<hbm>>
      %dma_start3A_320 = tpu.memref_squeeze %dma_start3A_319 : memref<1x40x144xf32, #tpu.memory_space<hbm>> -> memref<40x144xf32, #tpu.memory_space<hbm>>
      %dma_start3A_321 = arith.constant 0 : i32
      %dma_start3A_322 = tpu.memref_slice %arg9[%arg0, %add3A_277, %dma_start3A_321] : memref<2x10240x144xf32, #tpu.memory_space<hbm>> -> memref<1x40x144xf32, #tpu.memory_space<hbm>>
      %dma_start3A_323 = tpu.memref_squeeze %dma_start3A_322 : memref<1x40x144xf32, #tpu.memory_space<hbm>> -> memref<40x144xf32, #tpu.memory_space<hbm>>
      tpu.enqueue_dma source(%arg24 : memref<40x144xf32, #tpu.memory_space<vmem>>) target(%dma_start3A_323 : memref<40x144xf32, #tpu.memory_space<hbm>>) target_semaphore(%run_scoped3A : memref<!tpu.dma_semaphore, #tpu.memory_space<semaphore_mem>>)
      %dma_wait3A_324 = arith.constant 0 : i32
      %dma_wait3A_325 = tpu.memref_slice %arg9[%arg0, %add3A_277, %dma_wait3A_324] : memref<2x10240x144xf32, #tpu.memory_space<hbm>> -> memref<1x40x144xf32, #tpu.memory_space<hbm>>
      %dma_wait3A_326 = tpu.memref_squeeze %dma_wait3A_325 : memref<1x40x144xf32, #tpu.memory_space<hbm>> -> memref<40x144xf32, #tpu.memory_space<hbm>>
      %dma_wait3A_327 = arith.constant 0 : i32
      %dma_wait3A_328 = tpu.memref_slice %arg9[%arg0, %add3A_277, %dma_wait3A_327] : memref<2x10240x144xf32, #tpu.memory_space<hbm>> -> memref<1x40x144xf32, #tpu.memory_space<hbm>>
      %dma_wait3A_329 = tpu.memref_squeeze %dma_wait3A_328 : memref<1x40x144xf32, #tpu.memory_space<hbm>> -> memref<40x144xf32, #tpu.memory_space<hbm>>
      tpu.wait_dma2 semaphore(%run_scoped3A : memref<!tpu.dma_semaphore, #tpu.memory_space<semaphore_mem>>) src(%arg24 : memref<40x144xf32, #tpu.memory_space<vmem>>) dst(%dma_wait3A_329 : memref<40x144xf32, #tpu.memory_space<hbm>>)
      tpu.yield
    }) : () -> ()
    %mul3A_278 = arith.constant 640 : i32
    %mul3A_279 = arith.muli %arg1, %mul3A_278 : i32
    %add3A_280 = arith.constant 440 : i32
    %add3A_281 = arith.addi %mul3A_279, %add3A_280 : i32
    "tpu.region"() ({
      %run_scoped3A = tpu.sem_alloc : memref<!tpu.dma_semaphore, #tpu.memory_space<semaphore_mem>>
      %dma_start3A_318 = arith.constant 0 : i32
      %dma_start3A_319 = tpu.memref_slice %arg25[%add3A_281, %dma_start3A_318] : memref<10240x144xf32, #tpu.memory_space<vmem_shared>> -> memref<40x144xf32, #tpu.memory_space<vmem_shared>>
      %dma_start3A_320 = arith.constant 0 : i32
      %dma_start3A_321 = tpu.memref_slice %arg25[%add3A_281, %dma_start3A_320] : memref<10240x144xf32, #tpu.memory_space<vmem_shared>> -> memref<40x144xf32, #tpu.memory_space<vmem_shared>>
      tpu.enqueue_dma source(%dma_start3A_321 : memref<40x144xf32, #tpu.memory_space<vmem_shared>>) target(%arg24 : memref<40x144xf32, #tpu.memory_space<vmem>>) target_semaphore(%run_scoped3A : memref<!tpu.dma_semaphore, #tpu.memory_space<semaphore_mem>>)
      %dma_wait3A_322 = arith.constant 0 : i32
      %dma_wait3A_323 = tpu.memref_slice %arg25[%add3A_281, %dma_wait3A_322] : memref<10240x144xf32, #tpu.memory_space<vmem_shared>> -> memref<40x144xf32, #tpu.memory_space<vmem_shared>>
      %dma_wait3A_324 = arith.constant 0 : i32
      %dma_wait3A_325 = tpu.memref_slice %arg25[%add3A_281, %dma_wait3A_324] : memref<10240x144xf32, #tpu.memory_space<vmem_shared>> -> memref<40x144xf32, #tpu.memory_space<vmem_shared>>
      tpu.wait_dma2 semaphore(%run_scoped3A : memref<!tpu.dma_semaphore, #tpu.memory_space<semaphore_mem>>) src(%dma_wait3A_325 : memref<40x144xf32, #tpu.memory_space<vmem_shared>>) dst(%arg24 : memref<40x144xf32, #tpu.memory_space<vmem>>)
      tpu.yield
    }) : () -> ()
    %mul3A_282 = arith.constant 640 : i32
    %mul3A_283 = arith.muli %arg1, %mul3A_282 : i32
    %add3A_284 = arith.constant 440 : i32
    %add3A_285 = arith.addi %mul3A_283, %add3A_284 : i32
    "tpu.region"() ({
      %run_scoped3A = tpu.sem_alloc : memref<!tpu.dma_semaphore, #tpu.memory_space<semaphore_mem>>
      %dma_start3A_318 = arith.constant 0 : i32
      %dma_start3A_319 = tpu.memref_slice %arg9[%arg0, %add3A_285, %dma_start3A_318] : memref<2x10240x144xf32, #tpu.memory_space<hbm>> -> memref<1x40x144xf32, #tpu.memory_space<hbm>>
      %dma_start3A_320 = tpu.memref_squeeze %dma_start3A_319 : memref<1x40x144xf32, #tpu.memory_space<hbm>> -> memref<40x144xf32, #tpu.memory_space<hbm>>
      %dma_start3A_321 = arith.constant 0 : i32
      %dma_start3A_322 = tpu.memref_slice %arg9[%arg0, %add3A_285, %dma_start3A_321] : memref<2x10240x144xf32, #tpu.memory_space<hbm>> -> memref<1x40x144xf32, #tpu.memory_space<hbm>>
      %dma_start3A_323 = tpu.memref_squeeze %dma_start3A_322 : memref<1x40x144xf32, #tpu.memory_space<hbm>> -> memref<40x144xf32, #tpu.memory_space<hbm>>
      tpu.enqueue_dma source(%arg24 : memref<40x144xf32, #tpu.memory_space<vmem>>) target(%dma_start3A_323 : memref<40x144xf32, #tpu.memory_space<hbm>>) target_semaphore(%run_scoped3A : memref<!tpu.dma_semaphore, #tpu.memory_space<semaphore_mem>>)
      %dma_wait3A_324 = arith.constant 0 : i32
      %dma_wait3A_325 = tpu.memref_slice %arg9[%arg0, %add3A_285, %dma_wait3A_324] : memref<2x10240x144xf32, #tpu.memory_space<hbm>> -> memref<1x40x144xf32, #tpu.memory_space<hbm>>
      %dma_wait3A_326 = tpu.memref_squeeze %dma_wait3A_325 : memref<1x40x144xf32, #tpu.memory_space<hbm>> -> memref<40x144xf32, #tpu.memory_space<hbm>>
      %dma_wait3A_327 = arith.constant 0 : i32
      %dma_wait3A_328 = tpu.memref_slice %arg9[%arg0, %add3A_285, %dma_wait3A_327] : memref<2x10240x144xf32, #tpu.memory_space<hbm>> -> memref<1x40x144xf32, #tpu.memory_space<hbm>>
      %dma_wait3A_329 = tpu.memref_squeeze %dma_wait3A_328 : memref<1x40x144xf32, #tpu.memory_space<hbm>> -> memref<40x144xf32, #tpu.memory_space<hbm>>
      tpu.wait_dma2 semaphore(%run_scoped3A : memref<!tpu.dma_semaphore, #tpu.memory_space<semaphore_mem>>) src(%arg24 : memref<40x144xf32, #tpu.memory_space<vmem>>) dst(%dma_wait3A_329 : memref<40x144xf32, #tpu.memory_space<hbm>>)
      tpu.yield
    }) : () -> ()
    %mul3A_286 = arith.constant 640 : i32
    %mul3A_287 = arith.muli %arg1, %mul3A_286 : i32
    %add3A_288 = arith.constant 480 : i32
    %add3A_289 = arith.addi %mul3A_287, %add3A_288 : i32
    "tpu.region"() ({
      %run_scoped3A = tpu.sem_alloc : memref<!tpu.dma_semaphore, #tpu.memory_space<semaphore_mem>>
      %dma_start3A_318 = arith.constant 0 : i32
      %dma_start3A_319 = tpu.memref_slice %arg25[%add3A_289, %dma_start3A_318] : memref<10240x144xf32, #tpu.memory_space<vmem_shared>> -> memref<40x144xf32, #tpu.memory_space<vmem_shared>>
      %dma_start3A_320 = arith.constant 0 : i32
      %dma_start3A_321 = tpu.memref_slice %arg25[%add3A_289, %dma_start3A_320] : memref<10240x144xf32, #tpu.memory_space<vmem_shared>> -> memref<40x144xf32, #tpu.memory_space<vmem_shared>>
      tpu.enqueue_dma source(%dma_start3A_321 : memref<40x144xf32, #tpu.memory_space<vmem_shared>>) target(%arg24 : memref<40x144xf32, #tpu.memory_space<vmem>>) target_semaphore(%run_scoped3A : memref<!tpu.dma_semaphore, #tpu.memory_space<semaphore_mem>>)
      %dma_wait3A_322 = arith.constant 0 : i32
      %dma_wait3A_323 = tpu.memref_slice %arg25[%add3A_289, %dma_wait3A_322] : memref<10240x144xf32, #tpu.memory_space<vmem_shared>> -> memref<40x144xf32, #tpu.memory_space<vmem_shared>>
      %dma_wait3A_324 = arith.constant 0 : i32
      %dma_wait3A_325 = tpu.memref_slice %arg25[%add3A_289, %dma_wait3A_324] : memref<10240x144xf32, #tpu.memory_space<vmem_shared>> -> memref<40x144xf32, #tpu.memory_space<vmem_shared>>
      tpu.wait_dma2 semaphore(%run_scoped3A : memref<!tpu.dma_semaphore, #tpu.memory_space<semaphore_mem>>) src(%dma_wait3A_325 : memref<40x144xf32, #tpu.memory_space<vmem_shared>>) dst(%arg24 : memref<40x144xf32, #tpu.memory_space<vmem>>)
      tpu.yield
    }) : () -> ()
    %mul3A_290 = arith.constant 640 : i32
    %mul3A_291 = arith.muli %arg1, %mul3A_290 : i32
    %add3A_292 = arith.constant 480 : i32
    %add3A_293 = arith.addi %mul3A_291, %add3A_292 : i32
    "tpu.region"() ({
      %run_scoped3A = tpu.sem_alloc : memref<!tpu.dma_semaphore, #tpu.memory_space<semaphore_mem>>
      %dma_start3A_318 = arith.constant 0 : i32
      %dma_start3A_319 = tpu.memref_slice %arg9[%arg0, %add3A_293, %dma_start3A_318] : memref<2x10240x144xf32, #tpu.memory_space<hbm>> -> memref<1x40x144xf32, #tpu.memory_space<hbm>>
      %dma_start3A_320 = tpu.memref_squeeze %dma_start3A_319 : memref<1x40x144xf32, #tpu.memory_space<hbm>> -> memref<40x144xf32, #tpu.memory_space<hbm>>
      %dma_start3A_321 = arith.constant 0 : i32
      %dma_start3A_322 = tpu.memref_slice %arg9[%arg0, %add3A_293, %dma_start3A_321] : memref<2x10240x144xf32, #tpu.memory_space<hbm>> -> memref<1x40x144xf32, #tpu.memory_space<hbm>>
      %dma_start3A_323 = tpu.memref_squeeze %dma_start3A_322 : memref<1x40x144xf32, #tpu.memory_space<hbm>> -> memref<40x144xf32, #tpu.memory_space<hbm>>
      tpu.enqueue_dma source(%arg24 : memref<40x144xf32, #tpu.memory_space<vmem>>) target(%dma_start3A_323 : memref<40x144xf32, #tpu.memory_space<hbm>>) target_semaphore(%run_scoped3A : memref<!tpu.dma_semaphore, #tpu.memory_space<semaphore_mem>>)
      %dma_wait3A_324 = arith.constant 0 : i32
      %dma_wait3A_325 = tpu.memref_slice %arg9[%arg0, %add3A_293, %dma_wait3A_324] : memref<2x10240x144xf32, #tpu.memory_space<hbm>> -> memref<1x40x144xf32, #tpu.memory_space<hbm>>
      %dma_wait3A_326 = tpu.memref_squeeze %dma_wait3A_325 : memref<1x40x144xf32, #tpu.memory_space<hbm>> -> memref<40x144xf32, #tpu.memory_space<hbm>>
      %dma_wait3A_327 = arith.constant 0 : i32
      %dma_wait3A_328 = tpu.memref_slice %arg9[%arg0, %add3A_293, %dma_wait3A_327] : memref<2x10240x144xf32, #tpu.memory_space<hbm>> -> memref<1x40x144xf32, #tpu.memory_space<hbm>>
      %dma_wait3A_329 = tpu.memref_squeeze %dma_wait3A_328 : memref<1x40x144xf32, #tpu.memory_space<hbm>> -> memref<40x144xf32, #tpu.memory_space<hbm>>
      tpu.wait_dma2 semaphore(%run_scoped3A : memref<!tpu.dma_semaphore, #tpu.memory_space<semaphore_mem>>) src(%arg24 : memref<40x144xf32, #tpu.memory_space<vmem>>) dst(%dma_wait3A_329 : memref<40x144xf32, #tpu.memory_space<hbm>>)
      tpu.yield
    }) : () -> ()
    %mul3A_294 = arith.constant 640 : i32
    %mul3A_295 = arith.muli %arg1, %mul3A_294 : i32
    %add3A_296 = arith.constant 520 : i32
    %add3A_297 = arith.addi %mul3A_295, %add3A_296 : i32
    "tpu.region"() ({
      %run_scoped3A = tpu.sem_alloc : memref<!tpu.dma_semaphore, #tpu.memory_space<semaphore_mem>>
      %dma_start3A_318 = arith.constant 0 : i32
      %dma_start3A_319 = tpu.memref_slice %arg25[%add3A_297, %dma_start3A_318] : memref<10240x144xf32, #tpu.memory_space<vmem_shared>> -> memref<40x144xf32, #tpu.memory_space<vmem_shared>>
      %dma_start3A_320 = arith.constant 0 : i32
      %dma_start3A_321 = tpu.memref_slice %arg25[%add3A_297, %dma_start3A_320] : memref<10240x144xf32, #tpu.memory_space<vmem_shared>> -> memref<40x144xf32, #tpu.memory_space<vmem_shared>>
      tpu.enqueue_dma source(%dma_start3A_321 : memref<40x144xf32, #tpu.memory_space<vmem_shared>>) target(%arg24 : memref<40x144xf32, #tpu.memory_space<vmem>>) target_semaphore(%run_scoped3A : memref<!tpu.dma_semaphore, #tpu.memory_space<semaphore_mem>>)
      %dma_wait3A_322 = arith.constant 0 : i32
      %dma_wait3A_323 = tpu.memref_slice %arg25[%add3A_297, %dma_wait3A_322] : memref<10240x144xf32, #tpu.memory_space<vmem_shared>> -> memref<40x144xf32, #tpu.memory_space<vmem_shared>>
      %dma_wait3A_324 = arith.constant 0 : i32
      %dma_wait3A_325 = tpu.memref_slice %arg25[%add3A_297, %dma_wait3A_324] : memref<10240x144xf32, #tpu.memory_space<vmem_shared>> -> memref<40x144xf32, #tpu.memory_space<vmem_shared>>
      tpu.wait_dma2 semaphore(%run_scoped3A : memref<!tpu.dma_semaphore, #tpu.memory_space<semaphore_mem>>) src(%dma_wait3A_325 : memref<40x144xf32, #tpu.memory_space<vmem_shared>>) dst(%arg24 : memref<40x144xf32, #tpu.memory_space<vmem>>)
      tpu.yield
    }) : () -> ()
    %mul3A_298 = arith.constant 640 : i32
    %mul3A_299 = arith.muli %arg1, %mul3A_298 : i32
    %add3A_300 = arith.constant 520 : i32
    %add3A_301 = arith.addi %mul3A_299, %add3A_300 : i32
    "tpu.region"() ({
      %run_scoped3A = tpu.sem_alloc : memref<!tpu.dma_semaphore, #tpu.memory_space<semaphore_mem>>
      %dma_start3A_318 = arith.constant 0 : i32
      %dma_start3A_319 = tpu.memref_slice %arg9[%arg0, %add3A_301, %dma_start3A_318] : memref<2x10240x144xf32, #tpu.memory_space<hbm>> -> memref<1x40x144xf32, #tpu.memory_space<hbm>>
      %dma_start3A_320 = tpu.memref_squeeze %dma_start3A_319 : memref<1x40x144xf32, #tpu.memory_space<hbm>> -> memref<40x144xf32, #tpu.memory_space<hbm>>
      %dma_start3A_321 = arith.constant 0 : i32
      %dma_start3A_322 = tpu.memref_slice %arg9[%arg0, %add3A_301, %dma_start3A_321] : memref<2x10240x144xf32, #tpu.memory_space<hbm>> -> memref<1x40x144xf32, #tpu.memory_space<hbm>>
      %dma_start3A_323 = tpu.memref_squeeze %dma_start3A_322 : memref<1x40x144xf32, #tpu.memory_space<hbm>> -> memref<40x144xf32, #tpu.memory_space<hbm>>
      tpu.enqueue_dma source(%arg24 : memref<40x144xf32, #tpu.memory_space<vmem>>) target(%dma_start3A_323 : memref<40x144xf32, #tpu.memory_space<hbm>>) target_semaphore(%run_scoped3A : memref<!tpu.dma_semaphore, #tpu.memory_space<semaphore_mem>>)
      %dma_wait3A_324 = arith.constant 0 : i32
      %dma_wait3A_325 = tpu.memref_slice %arg9[%arg0, %add3A_301, %dma_wait3A_324] : memref<2x10240x144xf32, #tpu.memory_space<hbm>> -> memref<1x40x144xf32, #tpu.memory_space<hbm>>
      %dma_wait3A_326 = tpu.memref_squeeze %dma_wait3A_325 : memref<1x40x144xf32, #tpu.memory_space<hbm>> -> memref<40x144xf32, #tpu.memory_space<hbm>>
      %dma_wait3A_327 = arith.constant 0 : i32
      %dma_wait3A_328 = tpu.memref_slice %arg9[%arg0, %add3A_301, %dma_wait3A_327] : memref<2x10240x144xf32, #tpu.memory_space<hbm>> -> memref<1x40x144xf32, #tpu.memory_space<hbm>>
      %dma_wait3A_329 = tpu.memref_squeeze %dma_wait3A_328 : memref<1x40x144xf32, #tpu.memory_space<hbm>> -> memref<40x144xf32, #tpu.memory_space<hbm>>
      tpu.wait_dma2 semaphore(%run_scoped3A : memref<!tpu.dma_semaphore, #tpu.memory_space<semaphore_mem>>) src(%arg24 : memref<40x144xf32, #tpu.memory_space<vmem>>) dst(%dma_wait3A_329 : memref<40x144xf32, #tpu.memory_space<hbm>>)
      tpu.yield
    }) : () -> ()
    %mul3A_302 = arith.constant 640 : i32
    %mul3A_303 = arith.muli %arg1, %mul3A_302 : i32
    %add3A_304 = arith.constant 560 : i32
    %add3A_305 = arith.addi %mul3A_303, %add3A_304 : i32
    "tpu.region"() ({
      %run_scoped3A = tpu.sem_alloc : memref<!tpu.dma_semaphore, #tpu.memory_space<semaphore_mem>>
      %dma_start3A_318 = arith.constant 0 : i32
      %dma_start3A_319 = tpu.memref_slice %arg25[%add3A_305, %dma_start3A_318] : memref<10240x144xf32, #tpu.memory_space<vmem_shared>> -> memref<40x144xf32, #tpu.memory_space<vmem_shared>>
      %dma_start3A_320 = arith.constant 0 : i32
      %dma_start3A_321 = tpu.memref_slice %arg25[%add3A_305, %dma_start3A_320] : memref<10240x144xf32, #tpu.memory_space<vmem_shared>> -> memref<40x144xf32, #tpu.memory_space<vmem_shared>>
      tpu.enqueue_dma source(%dma_start3A_321 : memref<40x144xf32, #tpu.memory_space<vmem_shared>>) target(%arg24 : memref<40x144xf32, #tpu.memory_space<vmem>>) target_semaphore(%run_scoped3A : memref<!tpu.dma_semaphore, #tpu.memory_space<semaphore_mem>>)
      %dma_wait3A_322 = arith.constant 0 : i32
      %dma_wait3A_323 = tpu.memref_slice %arg25[%add3A_305, %dma_wait3A_322] : memref<10240x144xf32, #tpu.memory_space<vmem_shared>> -> memref<40x144xf32, #tpu.memory_space<vmem_shared>>
      %dma_wait3A_324 = arith.constant 0 : i32
      %dma_wait3A_325 = tpu.memref_slice %arg25[%add3A_305, %dma_wait3A_324] : memref<10240x144xf32, #tpu.memory_space<vmem_shared>> -> memref<40x144xf32, #tpu.memory_space<vmem_shared>>
      tpu.wait_dma2 semaphore(%run_scoped3A : memref<!tpu.dma_semaphore, #tpu.memory_space<semaphore_mem>>) src(%dma_wait3A_325 : memref<40x144xf32, #tpu.memory_space<vmem_shared>>) dst(%arg24 : memref<40x144xf32, #tpu.memory_space<vmem>>)
      tpu.yield
    }) : () -> ()
    %mul3A_306 = arith.constant 640 : i32
    %mul3A_307 = arith.muli %arg1, %mul3A_306 : i32
    %add3A_308 = arith.constant 560 : i32
    %add3A_309 = arith.addi %mul3A_307, %add3A_308 : i32
    "tpu.region"() ({
      %run_scoped3A = tpu.sem_alloc : memref<!tpu.dma_semaphore, #tpu.memory_space<semaphore_mem>>
      %dma_start3A_318 = arith.constant 0 : i32
      %dma_start3A_319 = tpu.memref_slice %arg9[%arg0, %add3A_309, %dma_start3A_318] : memref<2x10240x144xf32, #tpu.memory_space<hbm>> -> memref<1x40x144xf32, #tpu.memory_space<hbm>>
      %dma_start3A_320 = tpu.memref_squeeze %dma_start3A_319 : memref<1x40x144xf32, #tpu.memory_space<hbm>> -> memref<40x144xf32, #tpu.memory_space<hbm>>
      %dma_start3A_321 = arith.constant 0 : i32
      %dma_start3A_322 = tpu.memref_slice %arg9[%arg0, %add3A_309, %dma_start3A_321] : memref<2x10240x144xf32, #tpu.memory_space<hbm>> -> memref<1x40x144xf32, #tpu.memory_space<hbm>>
      %dma_start3A_323 = tpu.memref_squeeze %dma_start3A_322 : memref<1x40x144xf32, #tpu.memory_space<hbm>> -> memref<40x144xf32, #tpu.memory_space<hbm>>
      tpu.enqueue_dma source(%arg24 : memref<40x144xf32, #tpu.memory_space<vmem>>) target(%dma_start3A_323 : memref<40x144xf32, #tpu.memory_space<hbm>>) target_semaphore(%run_scoped3A : memref<!tpu.dma_semaphore, #tpu.memory_space<semaphore_mem>>)
      %dma_wait3A_324 = arith.constant 0 : i32
      %dma_wait3A_325 = tpu.memref_slice %arg9[%arg0, %add3A_309, %dma_wait3A_324] : memref<2x10240x144xf32, #tpu.memory_space<hbm>> -> memref<1x40x144xf32, #tpu.memory_space<hbm>>
      %dma_wait3A_326 = tpu.memref_squeeze %dma_wait3A_325 : memref<1x40x144xf32, #tpu.memory_space<hbm>> -> memref<40x144xf32, #tpu.memory_space<hbm>>
      %dma_wait3A_327 = arith.constant 0 : i32
      %dma_wait3A_328 = tpu.memref_slice %arg9[%arg0, %add3A_309, %dma_wait3A_327] : memref<2x10240x144xf32, #tpu.memory_space<hbm>> -> memref<1x40x144xf32, #tpu.memory_space<hbm>>
      %dma_wait3A_329 = tpu.memref_squeeze %dma_wait3A_328 : memref<1x40x144xf32, #tpu.memory_space<hbm>> -> memref<40x144xf32, #tpu.memory_space<hbm>>
      tpu.wait_dma2 semaphore(%run_scoped3A : memref<!tpu.dma_semaphore, #tpu.memory_space<semaphore_mem>>) src(%arg24 : memref<40x144xf32, #tpu.memory_space<vmem>>) dst(%dma_wait3A_329 : memref<40x144xf32, #tpu.memory_space<hbm>>)
      tpu.yield
    }) : () -> ()
    %mul3A_310 = arith.constant 640 : i32
    %mul3A_311 = arith.muli %arg1, %mul3A_310 : i32
    %add3A_312 = arith.constant 600 : i32
    %add3A_313 = arith.addi %mul3A_311, %add3A_312 : i32
    "tpu.region"() ({
      %run_scoped3A = tpu.sem_alloc : memref<!tpu.dma_semaphore, #tpu.memory_space<semaphore_mem>>
      %dma_start3A_318 = arith.constant 0 : i32
      %dma_start3A_319 = tpu.memref_slice %arg25[%add3A_313, %dma_start3A_318] : memref<10240x144xf32, #tpu.memory_space<vmem_shared>> -> memref<40x144xf32, #tpu.memory_space<vmem_shared>>
      %dma_start3A_320 = arith.constant 0 : i32
      %dma_start3A_321 = tpu.memref_slice %arg25[%add3A_313, %dma_start3A_320] : memref<10240x144xf32, #tpu.memory_space<vmem_shared>> -> memref<40x144xf32, #tpu.memory_space<vmem_shared>>
      tpu.enqueue_dma source(%dma_start3A_321 : memref<40x144xf32, #tpu.memory_space<vmem_shared>>) target(%arg24 : memref<40x144xf32, #tpu.memory_space<vmem>>) target_semaphore(%run_scoped3A : memref<!tpu.dma_semaphore, #tpu.memory_space<semaphore_mem>>)
      %dma_wait3A_322 = arith.constant 0 : i32
      %dma_wait3A_323 = tpu.memref_slice %arg25[%add3A_313, %dma_wait3A_322] : memref<10240x144xf32, #tpu.memory_space<vmem_shared>> -> memref<40x144xf32, #tpu.memory_space<vmem_shared>>
      %dma_wait3A_324 = arith.constant 0 : i32
      %dma_wait3A_325 = tpu.memref_slice %arg25[%add3A_313, %dma_wait3A_324] : memref<10240x144xf32, #tpu.memory_space<vmem_shared>> -> memref<40x144xf32, #tpu.memory_space<vmem_shared>>
      tpu.wait_dma2 semaphore(%run_scoped3A : memref<!tpu.dma_semaphore, #tpu.memory_space<semaphore_mem>>) src(%dma_wait3A_325 : memref<40x144xf32, #tpu.memory_space<vmem_shared>>) dst(%arg24 : memref<40x144xf32, #tpu.memory_space<vmem>>)
      tpu.yield
    }) : () -> ()
    %mul3A_314 = arith.constant 640 : i32
    %mul3A_315 = arith.muli %arg1, %mul3A_314 : i32
    %add3A_316 = arith.constant 600 : i32
    %add3A_317 = arith.addi %mul3A_315, %add3A_316 : i32
    "tpu.region"() ({
      %run_scoped3A = tpu.sem_alloc : memref<!tpu.dma_semaphore, #tpu.memory_space<semaphore_mem>>
      %dma_start3A_318 = arith.constant 0 : i32
      %dma_start3A_319 = tpu.memref_slice %arg9[%arg0, %add3A_317, %dma_start3A_318] : memref<2x10240x144xf32, #tpu.memory_space<hbm>> -> memref<1x40x144xf32, #tpu.memory_space<hbm>>
      %dma_start3A_320 = tpu.memref_squeeze %dma_start3A_319 : memref<1x40x144xf32, #tpu.memory_space<hbm>> -> memref<40x144xf32, #tpu.memory_space<hbm>>
      %dma_start3A_321 = arith.constant 0 : i32
      %dma_start3A_322 = tpu.memref_slice %arg9[%arg0, %add3A_317, %dma_start3A_321] : memref<2x10240x144xf32, #tpu.memory_space<hbm>> -> memref<1x40x144xf32, #tpu.memory_space<hbm>>
      %dma_start3A_323 = tpu.memref_squeeze %dma_start3A_322 : memref<1x40x144xf32, #tpu.memory_space<hbm>> -> memref<40x144xf32, #tpu.memory_space<hbm>>
      tpu.enqueue_dma source(%arg24 : memref<40x144xf32, #tpu.memory_space<vmem>>) target(%dma_start3A_323 : memref<40x144xf32, #tpu.memory_space<hbm>>) target_semaphore(%run_scoped3A : memref<!tpu.dma_semaphore, #tpu.memory_space<semaphore_mem>>)
      %dma_wait3A_324 = arith.constant 0 : i32
      %dma_wait3A_325 = tpu.memref_slice %arg9[%arg0, %add3A_317, %dma_wait3A_324] : memref<2x10240x144xf32, #tpu.memory_space<hbm>> -> memref<1x40x144xf32, #tpu.memory_space<hbm>>
      %dma_wait3A_326 = tpu.memref_squeeze %dma_wait3A_325 : memref<1x40x144xf32, #tpu.memory_space<hbm>> -> memref<40x144xf32, #tpu.memory_space<hbm>>
      %dma_wait3A_327 = arith.constant 0 : i32
      %dma_wait3A_328 = tpu.memref_slice %arg9[%arg0, %add3A_317, %dma_wait3A_327] : memref<2x10240x144xf32, #tpu.memory_space<hbm>> -> memref<1x40x144xf32, #tpu.memory_space<hbm>>
      %dma_wait3A_329 = tpu.memref_squeeze %dma_wait3A_328 : memref<1x40x144xf32, #tpu.memory_space<hbm>> -> memref<40x144xf32, #tpu.memory_space<hbm>>
      tpu.wait_dma2 semaphore(%run_scoped3A : memref<!tpu.dma_semaphore, #tpu.memory_space<semaphore_mem>>) src(%arg24 : memref<40x144xf32, #tpu.memory_space<vmem>>) dst(%dma_wait3A_329 : memref<40x144xf32, #tpu.memory_space<hbm>>)
      tpu.yield
    }) : () -> ()
    return
  }
}

module attributes {stable_mosaic.version = 14 : i64} {
  func.func @_node_body(%arg0: i32, %arg1: memref<2000x128xf32, #tpu.memory_space<vmem>>, %arg2: memref<128x128xf32, #tpu.memory_space<vmem>>, %arg3: memref<128x16xf32, #tpu.memory_space<vmem>>, %arg4: memref<128x16xf32, #tpu.memory_space<vmem>>, %arg5: memref<2000x128xf32, #tpu.memory_space<vmem>>, %arg6: memref<2000x16xf32, #tpu.memory_space<vmem>>, %arg7: memref<2000x16xf32, #tpu.memory_space<vmem>>) attributes {dimension_semantics = [#tpu.dimension_semantics<arbitrary>], iteration_bounds = array<i64: 5>, scalar_prefetch = 0 : i64, scratch_operands = 0 : i64, tpu.core_type = #tpu.core_type<tc>, window_params = [{transform_indices = @transform_0, window_bounds = array<i64: 2000, 128>}, {pipeline_mode = #tpu.pipeline_mode<synchronous>, transform_indices = @transform_1, window_bounds = array<i64: 128, 128>}, {pipeline_mode = #tpu.pipeline_mode<synchronous>, transform_indices = @transform_2, window_bounds = array<i64: 128, 16>}, {pipeline_mode = #tpu.pipeline_mode<synchronous>, transform_indices = @transform_3, window_bounds = array<i64: 128, 16>}, {transform_indices = @transform_4, window_bounds = array<i64: 2000, 128>}, {transform_indices = @transform_5, window_bounds = array<i64: 2000, 16>}, {transform_indices = @transform_6, window_bounds = array<i64: 2000, 16>}]} {
    %get3A = arith.constant 0 : index
    %get3A_0 = arith.constant 0 : index
    %get3A_1 = vector.load %arg1[%get3A, %get3A_0] : memref<2000x128xf32, #tpu.memory_space<vmem>>, vector<2000x128xf32>
    %get3A_2 = arith.constant 0 : index
    %get3A_3 = arith.constant 0 : index
    %get3A_4 = vector.load %arg2[%get3A_2, %get3A_3] : memref<128x128xf32, #tpu.memory_space<vmem>>, vector<128x128xf32>
    %dot_general3A = arith.constant dense<0.000000e+00> : vector<2000x128xf32>
    %dot_general3A_5 = tpu.matmul %get3A_1, %get3A_4, %dot_general3A {dimension_numbers = #tpu.dot_dimension_numbers<[1], [0], [0], [1], [0, 0, 1, 1], [], []>, transpose_lhs_hint = false} : vector<2000x128xf32>, vector<128x128xf32>, vector<2000x128xf32> -> vector<2000x128xf32>
    %swap3A = arith.constant 0 : index
    %swap3A_6 = arith.constant 0 : index
    %swap3A_7 = vector.load %arg5[%swap3A, %swap3A_6] : memref<2000x128xf32, #tpu.memory_space<vmem>>, vector<2000x128xf32>
    tpu.vector_store %arg5[%swap3A, %swap3A_6], %dot_general3A_5 {strides = array<i32>} : memref<2000x128xf32, #tpu.memory_space<vmem>>, vector<2000x128xf32>,
    %get3A_8 = arith.constant 0 : index
    %get3A_9 = arith.constant 0 : index
    %get3A_10 = vector.load %arg3[%get3A_8, %get3A_9] : memref<128x16xf32, #tpu.memory_space<vmem>>, vector<128x16xf32>
    %dot_general3A_11 = arith.constant dense<0.000000e+00> : vector<2000x16xf32>
    %dot_general3A_12 = tpu.matmul %dot_general3A_5, %get3A_10, %dot_general3A_11 {dimension_numbers = #tpu.dot_dimension_numbers<[1], [0], [0], [1], [0, 0, 1, 1], [], []>, transpose_lhs_hint = false} : vector<2000x128xf32>, vector<128x16xf32>, vector<2000x16xf32> -> vector<2000x16xf32>
    %swap3A_13 = arith.constant 0 : index
    %swap3A_14 = arith.constant 0 : index
    %swap3A_15 = vector.load %arg6[%swap3A_13, %swap3A_14] : memref<2000x16xf32, #tpu.memory_space<vmem>>, vector<2000x16xf32>
    tpu.vector_store %arg6[%swap3A_13, %swap3A_14], %dot_general3A_12 {strides = array<i32>} : memref<2000x16xf32, #tpu.memory_space<vmem>>, vector<2000x16xf32>,
    %get3A_16 = arith.constant 0 : index
    %get3A_17 = arith.constant 0 : index
    %get3A_18 = vector.load %arg4[%get3A_16, %get3A_17] : memref<128x16xf32, #tpu.memory_space<vmem>>, vector<128x16xf32>
    %dot_general3A_19 = arith.constant dense<0.000000e+00> : vector<2000x16xf32>
    %dot_general3A_20 = tpu.matmul %dot_general3A_5, %get3A_18, %dot_general3A_19 {dimension_numbers = #tpu.dot_dimension_numbers<[1], [0], [0], [1], [0, 0, 1, 1], [], []>, transpose_lhs_hint = false} : vector<2000x128xf32>, vector<128x16xf32>, vector<2000x16xf32> -> vector<2000x16xf32>
    %swap3A_21 = arith.constant 0 : index
    %swap3A_22 = arith.constant 0 : index
    %swap3A_23 = vector.load %arg7[%swap3A_21, %swap3A_22] : memref<2000x16xf32, #tpu.memory_space<vmem>>, vector<2000x16xf32>
    tpu.vector_store %arg7[%swap3A_21, %swap3A_22], %dot_general3A_20 {strides = array<i32>} : memref<2000x16xf32, #tpu.memory_space<vmem>>, vector<2000x16xf32>,
    return
  }
  func.func @transform_0(%arg0: i32) -> (i32, i32) {
    %c0_i32 = arith.constant 0 : i32
    %c0_i32_0 = arith.constant 0 : i32
    return %arg0, %c0_i32 : i32, i32
  }
  func.func @transform_1(%arg0: i32) -> (i32, i32) {
    %c0_i32 = arith.constant 0 : i32
    %c0_i32_0 = arith.constant 0 : i32
    %c0_i32_1 = arith.constant 0 : i32
    return %c0_i32, %c0_i32_0 : i32, i32
  }
  func.func @transform_2(%arg0: i32) -> (i32, i32) {
    %c0_i32 = arith.constant 0 : i32
    %c0_i32_0 = arith.constant 0 : i32
    %c0_i32_1 = arith.constant 0 : i32
    return %c0_i32, %c0_i32_0 : i32, i32
  }
  func.func @transform_3(%arg0: i32) -> (i32, i32) {
    %c0_i32 = arith.constant 0 : i32
    %c0_i32_0 = arith.constant 0 : i32
    %c0_i32_1 = arith.constant 0 : i32
    return %c0_i32, %c0_i32_0 : i32, i32
  }
  func.func @transform_4(%arg0: i32) -> (i32, i32) {
    %c0_i32 = arith.constant 0 : i32
    %c0_i32_0 = arith.constant 0 : i32
    return %arg0, %c0_i32 : i32, i32
  }
  func.func @transform_5(%arg0: i32) -> (i32, i32) {
    %c0_i32 = arith.constant 0 : i32
    %c0_i32_0 = arith.constant 0 : i32
    return %arg0, %c0_i32 : i32, i32
  }
  func.func @transform_6(%arg0: i32) -> (i32, i32) {
    %c0_i32 = arith.constant 0 : i32
    %c0_i32_0 = arith.constant 0 : i32
    return %arg0, %c0_i32 : i32, i32
  }
}

module attributes {stable_mosaic.version = 14 : i64} {
  func.func @_edge_body(%arg0: i32, %arg1: memref<2000x128xf32, #tpu.memory_space<vmem>>, %arg2: memref<128x128xf32, #tpu.memory_space<vmem>>, %arg3: memref<128x16xf32, #tpu.memory_space<vmem>>, %arg4: memref<2000x128xf32, #tpu.memory_space<vmem>>, %arg5: memref<2000x16xf32, #tpu.memory_space<vmem>>) attributes {dimension_semantics = [#tpu.dimension_semantics<arbitrary>], iteration_bounds = array<i64: 160>, scalar_prefetch = 0 : i64, scratch_operands = 0 : i64, tpu.core_type = #tpu.core_type<tc>, window_params = [{transform_indices = @transform_0, window_bounds = array<i64: 2000, 128>}, {pipeline_mode = #tpu.pipeline_mode<synchronous>, transform_indices = @transform_1, window_bounds = array<i64: 128, 128>}, {pipeline_mode = #tpu.pipeline_mode<synchronous>, transform_indices = @transform_2, window_bounds = array<i64: 128, 16>}, {transform_indices = @transform_3, window_bounds = array<i64: 2000, 128>}, {transform_indices = @transform_4, window_bounds = array<i64: 2000, 16>}]} {
    %get3A = arith.constant 0 : index
    %get3A_0 = arith.constant 0 : index
    %get3A_1 = vector.load %arg1[%get3A, %get3A_0] : memref<2000x128xf32, #tpu.memory_space<vmem>>, vector<2000x128xf32>
    %get3A_2 = arith.constant 0 : index
    %get3A_3 = arith.constant 0 : index
    %get3A_4 = vector.load %arg2[%get3A_2, %get3A_3] : memref<128x128xf32, #tpu.memory_space<vmem>>, vector<128x128xf32>
    %dot_general3A = arith.constant dense<0.000000e+00> : vector<2000x128xf32>
    %dot_general3A_5 = tpu.matmul %get3A_1, %get3A_4, %dot_general3A {dimension_numbers = #tpu.dot_dimension_numbers<[1], [0], [0], [1], [0, 0, 1, 1], [], []>, transpose_lhs_hint = false} : vector<2000x128xf32>, vector<128x128xf32>, vector<2000x128xf32> -> vector<2000x128xf32>
    %swap3A = arith.constant 0 : index
    %swap3A_6 = arith.constant 0 : index
    %swap3A_7 = vector.load %arg4[%swap3A, %swap3A_6] : memref<2000x128xf32, #tpu.memory_space<vmem>>, vector<2000x128xf32>
    tpu.vector_store %arg4[%swap3A, %swap3A_6], %dot_general3A_5 {strides = array<i32>} : memref<2000x128xf32, #tpu.memory_space<vmem>>, vector<2000x128xf32>,
    %get3A_8 = arith.constant 0 : index
    %get3A_9 = arith.constant 0 : index
    %get3A_10 = vector.load %arg3[%get3A_8, %get3A_9] : memref<128x16xf32, #tpu.memory_space<vmem>>, vector<128x16xf32>
    %dot_general3A_11 = arith.constant dense<0.000000e+00> : vector<2000x16xf32>
    %dot_general3A_12 = tpu.matmul %dot_general3A_5, %get3A_10, %dot_general3A_11 {dimension_numbers = #tpu.dot_dimension_numbers<[1], [0], [0], [1], [0, 0, 1, 1], [], []>, transpose_lhs_hint = false} : vector<2000x128xf32>, vector<128x16xf32>, vector<2000x16xf32> -> vector<2000x16xf32>
    %swap3A_13 = arith.constant 0 : index
    %swap3A_14 = arith.constant 0 : index
    %swap3A_15 = vector.load %arg5[%swap3A_13, %swap3A_14] : memref<2000x16xf32, #tpu.memory_space<vmem>>, vector<2000x16xf32>
    tpu.vector_store %arg5[%swap3A_13, %swap3A_14], %dot_general3A_12 {strides = array<i32>} : memref<2000x16xf32, #tpu.memory_space<vmem>>, vector<2000x16xf32>,
    return
  }
  func.func @transform_0(%arg0: i32) -> (i32, i32) {
    %c0_i32 = arith.constant 0 : i32
    %c0_i32_0 = arith.constant 0 : i32
    return %arg0, %c0_i32 : i32, i32
  }
  func.func @transform_1(%arg0: i32) -> (i32, i32) {
    %c0_i32 = arith.constant 0 : i32
    %c0_i32_0 = arith.constant 0 : i32
    %c0_i32_1 = arith.constant 0 : i32
    return %c0_i32, %c0_i32_0 : i32, i32
  }
  func.func @transform_2(%arg0: i32) -> (i32, i32) {
    %c0_i32 = arith.constant 0 : i32
    %c0_i32_0 = arith.constant 0 : i32
    %c0_i32_1 = arith.constant 0 : i32
    return %c0_i32, %c0_i32_0 : i32, i32
  }
  func.func @transform_3(%arg0: i32) -> (i32, i32) {
    %c0_i32 = arith.constant 0 : i32
    %c0_i32_0 = arith.constant 0 : i32
    return %arg0, %c0_i32 : i32, i32
  }
  func.func @transform_4(%arg0: i32) -> (i32, i32) {
    %c0_i32 = arith.constant 0 : i32
    %c0_i32_0 = arith.constant 0 : i32
    return %arg0, %c0_i32 : i32, i32
  }
}

module attributes {stable_mosaic.version = 14 : i64} {
  func.func @_fin_body(%arg0: i32, %arg1: memref<2000x144xf32, #tpu.memory_space<vmem>>, %arg2: memref<2000x144xf32, #tpu.memory_space<vmem>>, %arg3: memref<2000x128xf32, #tpu.memory_space<vmem>>, %arg4: memref<1x128xf32, #tpu.memory_space<vmem>>, %arg5: memref<16x128xf32, #tpu.memory_space<vmem>>, %arg6: memref<2000x128xf32, #tpu.memory_space<vmem>>) attributes {dimension_semantics = [#tpu.dimension_semantics<arbitrary>], iteration_bounds = array<i64: 5>, scalar_prefetch = 0 : i64, scratch_operands = 0 : i64, tpu.core_type = #tpu.core_type<tc>, window_params = [{transform_indices = @transform_0, window_bounds = array<i64: 2000, 144>}, {transform_indices = @transform_1, window_bounds = array<i64: 2000, 144>}, {transform_indices = @transform_2, window_bounds = array<i64: 2000, 128>}, {pipeline_mode = #tpu.pipeline_mode<synchronous>, transform_indices = @transform_3, window_bounds = array<i64: 1, 128>}, {pipeline_mode = #tpu.pipeline_mode<synchronous>, transform_indices = @transform_4, window_bounds = array<i64: 16, 128>}, {transform_indices = @transform_5, window_bounds = array<i64: 2000, 128>}]} {
    %get3A = arith.constant 0 : index
    %get3A_0 = arith.constant 0 : index
    %get3A_1 = vector.load %arg1[%get3A, %get3A_0] : memref<2000x144xf32, #tpu.memory_space<vmem>>, vector<2000x144xf32>
    %get3A_2 = arith.constant 0 : index
    %get3A_3 = arith.constant 0 : index
    %get3A_4 = vector.load %arg2[%get3A_2, %get3A_3] : memref<2000x144xf32, #tpu.memory_space<vmem>>, vector<2000x144xf32>
    %add3A = arith.addf %get3A_1, %get3A_4 : vector<2000x144xf32>
    %slice3A = vector.extract_strided_slice %add3A {offsets = [0, 0], sizes = [2000, 128], strides = [1, 1]} : vector<2000x144xf32> to vector<2000x128xf32>
    %slice3A_5 = vector.extract_strided_slice %add3A {offsets = [0, 128], sizes = [2000, 16], strides = [1, 1]} : vector<2000x144xf32> to vector<2000x16xf32>
    %get3A_6 = arith.constant 0 : index
    %get3A_7 = arith.constant 0 : index
    %get3A_8 = vector.load %arg5[%get3A_6, %get3A_7] : memref<16x128xf32, #tpu.memory_space<vmem>>, vector<16x128xf32>
    %dot_general3A = arith.constant dense<0.000000e+00> : vector<2000x128xf32>
    %dot_general3A_9 = tpu.matmul %slice3A_5, %get3A_8, %dot_general3A {dimension_numbers = #tpu.dot_dimension_numbers<[1], [0], [0], [1], [0, 0, 1, 1], [], []>, transpose_lhs_hint = false} : vector<2000x16xf32>, vector<16x128xf32>, vector<2000x128xf32> -> vector<2000x128xf32>
    %gt3A = arith.constant 0.000000e+00 : f32
    %gt3A_10 = vector.broadcast %gt3A : f32 to vector<2000x128xf32>
    %gt3A_11 = arith.cmpf ogt, %dot_general3A_9, %gt3A_10 : vector<2000x128xf32>
    %div3A = arith.divf %slice3A, %dot_general3A_9 : vector<2000x128xf32>
    %jit3A = arith.constant 0.000000e+00 : f32
    %broadcast_in_dim3A = vector.broadcast %jit3A : f32 to vector<2000x128xf32>
    %select_n3A = arith.select %gt3A_11, %div3A, %broadcast_in_dim3A : vector<2000x128xi1>, vector<2000x128xf32>
    %get3A_12 = arith.constant 0 : index
    %get3A_13 = arith.constant 0 : index
    %get3A_14 = vector.load %arg3[%get3A_12, %get3A_13] : memref<2000x128xf32, #tpu.memory_space<vmem>>, vector<2000x128xf32>
    %add3A_15 = arith.addf %select_n3A, %get3A_14 : vector<2000x128xf32>
    %get3A_16 = arith.constant 0 : index
    %get3A_17 = arith.constant 0 : index
    %get3A_18 = vector.load %arg4[%get3A_16, %get3A_17] : memref<1x128xf32, #tpu.memory_space<vmem>>, vector<1x128xf32>
    %add3A_19 = vector.broadcast %get3A_18 : vector<1x128xf32> to vector<2000x128xf32>
    %add3A_20 = arith.addf %add3A_15, %add3A_19 : vector<2000x128xf32>
    %max3A = arith.constant 0.000000e+00 : f32
    %max3A_21 = vector.broadcast %max3A : f32 to vector<2000x128xf32>
    %max3A_22 = arith.maximumf %add3A_20, %max3A_21 : vector<2000x128xf32>
    %swap3A = arith.constant 0 : index
    %swap3A_23 = arith.constant 0 : index
    %swap3A_24 = vector.load %arg6[%swap3A, %swap3A_23] : memref<2000x128xf32, #tpu.memory_space<vmem>>, vector<2000x128xf32>
    tpu.vector_store %arg6[%swap3A, %swap3A_23], %max3A_22 {strides = array<i32>} : memref<2000x128xf32, #tpu.memory_space<vmem>>, vector<2000x128xf32>,
    return
  }
  func.func @transform_0(%arg0: i32) -> (i32, i32) {
    %c0_i32 = arith.constant 0 : i32
    %c0_i32_0 = arith.constant 0 : i32
    return %arg0, %c0_i32 : i32, i32
  }
  func.func @transform_1(%arg0: i32) -> (i32, i32) {
    %c0_i32 = arith.constant 0 : i32
    %c0_i32_0 = arith.constant 0 : i32
    return %arg0, %c0_i32 : i32, i32
  }
  func.func @transform_2(%arg0: i32) -> (i32, i32) {
    %c0_i32 = arith.constant 0 : i32
    %c0_i32_0 = arith.constant 0 : i32
    return %arg0, %c0_i32 : i32, i32
  }
  func.func @transform_3(%arg0: i32) -> (i32, i32) {
    %c0_i32 = arith.constant 0 : i32
    %c0_i32_0 = arith.constant 0 : i32
    %c0_i32_1 = arith.constant 0 : i32
    return %c0_i32, %c0_i32_0 : i32, i32
  }
  func.func @transform_4(%arg0: i32) -> (i32, i32) {
    %c0_i32 = arith.constant 0 : i32
    %c0_i32_0 = arith.constant 0 : i32
    %c0_i32_1 = arith.constant 0 : i32
    return %c0_i32, %c0_i32_0 : i32, i32
  }
  func.func @transform_5(%arg0: i32) -> (i32, i32) {
    %c0_i32 = arith.constant 0 : i32
    %c0_i32_0 = arith.constant 0 : i32
    return %arg0, %c0_i32 : i32, i32
  }
}

</mosaic_0001>

<sc_bundles>
// kernel: kernel.6.cloned.1.call-start
scs
__scs_entry_jumppad:
0x0: {  	(pc) =	sbr.rel $0x88, $3  }
0x1: {  	(tag) =	ssettag $0x0;
	lr =	simm.s32 $0x1  }
0x2: {  	[smem:$0x3F98] =	sst lr;
	_ =	strace $0xD0000000  }
0x3: {  	_ = 	snop  }
0x4: {  	_ = 	snop  }
0x5: {  	_ = 	snop  }
0x6: {  	_ = 	snop  }
0x7: {  	_ = 	snop  }
__scs_overlays_trampoline_lowered:
0x8: {  	[smem:$0x3FA7] =	sst s0  }
0x9: {  	[smem:$0x3FA8] =	sst s1  }
0xa: {  	[smem:$0x3FA9] =	sst s2  }
0xb: {  	[smem:$0x3FAA] =	sst s3  }
0xc: {  	[smem:$0x3FAB] =	sst s4  }
0xd: {  	[smem:$0x3FAC] =	sst s5  }
0xe: {  	[smem:$0x3FAD] =	sst s6  }
0xf: {  	[smem:$0x3FAE] =	sst s7  }
0x10: {  	[smem:$0x3FAF] =	sst s8  }
0x11: {  	[smem:$0x3FB0] =	sst s9;
	s0 =	simm.s32 @!p0 $0x0  }
0x12: {  	s1 =	sld [smem:$0x3F96];
	s0 =	simm.s32 @p0 $0x1  }
0x13: {  	[smem:$0x3FB1] =	sst s0;
	s0 =	simm.s32 @!p1 $0x0  }
0x14: {  	s2 =	sld [smem:$0x3F95];
	s0 =	simm.s32 @p1 $0x1  }
0x15: {  	[smem:$0x3FB2] =	sst s0;
	s0 =	simm.s32 @!p2 $0x0  }
0x16: {  	s3 =	sld [smem:$0x3FDB];
	s0 =	simm.s32 @p2 $0x1  }
0x17: {  	s4 =	simm.s32 $0x1BF5;
	[smem:$0x3FB4] =	sst s0  }
0x18: {  	s0 =	sld [smem:$0x3F97];
	_ =	swait.ge [sflag:s4], $0x0  }
0x19: {  	s7 =	sld [smem:$0x3F98]  }
0x1a: {  	s8 =	sadd.s32 $0xFFFFE003, lr  }
0x1b: {  	s9 =	sadd.s32 $0xFFFFFEF7, lr;
	s5 =	simm.s32 $0xFFFFFFFF;
	p2 =	slt.u32 s8, $0xFFFFF086  }
0x1c: {  	p1 =	slt.u32 s9, $0xF7A;
	s5 =	simm.s32 @!p2 $0x0  }
0x1d: {  	s5 =	simm.s32 @p1 $0x1;
	p0 =	seq.s32 s7, s2  }
0x1e: {  	s7 =	smul.u32 @!p0 $0xF7A, s2;
	p2 =	seq.s32 @!p0 s5, $0x0  }
0x1f: {  	s9 =	smul.u32 $0xF7A, s1;
	s8 =	simm.s32 @!p0 $0x1BF5;
	p2 =	por !p2, p0  }
0x20: {  	[sflag:s8] =	ssyncset.s32 @!p0 $0xFFFFF086;
	s6 =	sadd.s32 @!p0 s3, s7;
	s7 =	simm.s32 @!p0 $0x108  }
0x21: {  	s3 =	sadd.s32 s3, s9;
	s6 =	sadd.s32 @!p0 $0x88, s6;
	s7 =	simm.s32 @p2 $0x1082  }
0x22: {  	[simem:s7], [sflag:s8] =	dma.local @!p0 [hbm:s6], $0xF7A  }
0x23: {  	s9 =	sor.u32 $0xD0000000, s2;
	s6 =	simm.s32 $0x108;
	_ =	swait.ge @!p0 [sflag:s8], $0x0  }
0x24: {  	s3 =	sadd.s32 $0x88, s3;
	s6 =	simm.s32 @!p1 $0x1082;
	[sflag:s4] =	ssyncset.s32 $0xFFFFF086  }
0x25: {  	[simem:s6], [sflag:s4] =	dma.local [hbm:s3], $0xF7A  }
0x26: {  	[smem:$0x3F98] =	sst s1;
	(tag) =	ssettag s2;
	_ =	strace s9  }
0x27: {  	s1 =	sld [smem:$0x3FA8]  }
0x28: {  	s2 =	sld [smem:$0x3FA9]  }
0x29: {  	s4 =	sld [smem:$0x3FAB]  }
0x2a: {  	p0 =	seq.s32 s5, $0x0;
	s5 =	sld [smem:$0x3FAC]  }
0x2b: {  	s6 =	sld [smem:$0x3FAD]  }
0x2c: {  	s7 =	sld [smem:$0x3FAE]  }
0x2d: {  	s3 =	simm.s32 $0x108;
	s8 =	sld [smem:$0x3FAF]  }
0x2e: {  	s3 =	simm.s32 @!p0 $0x1082;
	s9 =	sld [smem:$0x3FB0]  }
0x2f: {  	lr =	sadd.s32 s0, s3;
	s0 =	sld [smem:$0x3FA7]  }
0x30: {  	s3 =	sld [smem:$0x3FAA]  }
0x31: {  	[smem:$0x3FB3] =	sst s10  }
0x32: {  	s10 =	sld [smem:$0x3FB1];
	_ =	sdelay $0x3  }
0x33: {  	p0 =	seq.s32 s10, $0x1;
	s10 =	sld [smem:$0x3FB3];
	_ =	sdelay $0x3  }
0x34: {  	[smem:$0x3FB3] =	sst s10  }
0x35: {  	s10 =	sld [smem:$0x3FB2];
	_ =	sdelay $0x3  }
0x36: {  	p1 =	seq.s32 s10, $0x1;
	s10 =	sld [smem:$0x3FB3];
	_ =	sdelay $0x3  }
0x37: {  	[smem:$0x3FB3] =	sst s10  }
0x38: {  	s10 =	sld [smem:$0x3FB4]  }
0x39: {  	_ = 	snop;
	(pc) =	sbr.ind lr, $3  }
0x3a: {  	_ = 	snop  }
0x3b: {  	_ = 	snop  }
0x3c: {  	p2 =	seq.s32 s10, $0x1;
	s10 =	sld [smem:$0x3FB3]  }
0x3d: {  	_ =	shalt  }
0x3e: {  	_ =	shalt  }
0x3f: {  	_ =	shalt  }
0x40: {  	_ =	shalt  }
0x41: {  	_ =	shalt  }
0x42: {  	_ =	shalt  }
0x43: {  	_ =	shalt  }
0x44: {  	_ =	shalt  }
0x45: {  	_ =	shalt  }
0x46: {  	_ =	shalt  }
0x47: {  	_ =	shalt  }
0x48: {  	_ =	shalt  }
0x49: {  	_ =	shalt  }
0x4a: {  	_ =	shalt  }
0x4b: {  	_ =	shalt  }
0x4c: {  	_ =	shalt  }
0x4d: {  	_ =	shalt  }
0x4e: {  	_ =	shalt  }
0x4f: {  	_ =	shalt  }
0x50: {  	_ =	shalt  }
0x51: {  	_ =	shalt  }
0x52: {  	_ =	shalt  }
0x53: {  	_ =	shalt  }
0x54: {  	_ =	shalt  }
0x55: {  	_ =	shalt  }
0x56: {  	_ =	shalt  }
0x57: {  	_ =	shalt  }
0x58: {  	_ =	shalt  }
0x59: {  	_ =	shalt  }
0x5a: {  	_ =	shalt  }
0x5b: {  	_ =	shalt  }
0x5c: {  	_ =	shalt  }
0x5d: {  	_ =	shalt  }
0x5e: {  	_ =	shalt  }
0x5f: {  	_ =	shalt  }
0x60: {  	_ =	shalt  }
0x61: {  	_ =	shalt  }
0x62: {  	_ =	shalt  }
0x63: {  	_ =	shalt  }
0x64: {  	_ =	shalt  }
0x65: {  	_ =	shalt  }
0x66: {  	_ =	shalt  }
0x67: {  	_ =	shalt  }
0x68: {  	_ =	shalt  }
0x69: {  	_ =	shalt  }
0x6a: {  	_ =	shalt  }
0x6b: {  	_ =	shalt  }
0x6c: {  	_ =	shalt  }
0x6d: {  	_ =	shalt  }
0x6e: {  	_ =	shalt  }
0x6f: {  	_ =	shalt  }
0x70: {  	_ =	shalt  }
0x71: {  	_ =	shalt  }
0x72: {  	_ =	shalt  }
0x73: {  	_ =	shalt  }
0x74: {  	_ =	shalt  }
0x75: {  	_ =	shalt  }
0x76: {  	_ =	shalt  }
0x77: {  	_ =	shalt  }
0x78: {  	_ =	shalt  }
0x79: {  	_ =	shalt  }
0x7a: {  	_ =	shalt  }
0x7b: {  	_ =	shalt  }
0x7c: {  	_ =	shalt  }
0x7d: {  	_ =	shalt  }
0x7e: {  	_ =	shalt  }
0x7f: {  	_ =	shalt  }
0x80: {  	_ =	shalt  }
0x81: {  	_ =	shalt  }
0x82: {  	_ =	shalt  }
0x83: {  	_ =	shalt  }
0x84: {  	_ =	shalt  }
0x85: {  	_ =	shalt  }
0x86: {  	_ =	shalt  }
0x87: {  	_ =	shalt  }
.Lfunc_end0:
.L_simem_size_0:
called_computation_lowered:
.L_overlay_start_0:
0x88: {  	s2 =	sld [smem:$0x3FD9]  }
0x89: {  	s3 =	sld [smem:$0x3FFE];
	_ =	sdelay $0x1  }
0x8a: {  	s1 =	srdreg.scid  }
0x8b: {  	s0 =	sand.u32 $0x1, s1  }
0x8c: {  	s17 =	sshll.u32 s0, $0xA;
	s2 =	sadd.s32 s3, s2  }
0x8d: {  	s2 =	sadd.s32 s2, s17  }
0x8e: {  	[smem:$0x3FBF] =	sst s2  }
0x8f: {  	_ = 	snop  }
0x90: {  	s2 =	sld [smem:$0x3FD0];
	(tm) =	ssettm $0x1  }
0x91: {  	s18 =	sld [smem:$0x3FFB];
	_ =	sdelay $0x3  }
0x92: {  	_ =	strace s18  }
0x93: {  	s3 =	sld [smem:$0x3FFC];
	_ =	sdelay $0x3  }
0x94: {  	_ =	strace s3  }
0x95: {  	s3 =	sld [smem:$0x3FFD];
	_ =	sdelay $0x3  }
0x96: {  	_ =	strace s3  }
0x97: {  	_ =	strace $0x8FFFFFFF  }
0x98: {  	s19 =	sld [smem:$0x3FDB];
	_ =	sdelay $0x1  }
0x99: {  	s4 =	simm.s32 $_scs_section_size  }
0x9a: {  	s5 =	simm.s32 $_size__tile_overlayer_lowered;
	s6 =	simm.s32 $_tile_overlayer_lowered  }
0x9b: {  	s22 =	simm.s32 $0x1BFF;
	s21 =	sshll.u32 s6, $0x1;
	s3 =	sadd.s32 s4, s19  }
0x9c: {  	s7 =	simm.s32 $0x0;
	s20 =	sshll.u32 s5, $0x1;
	s5 =	sadd.s32 s21, s3  }
0x9d: {  	[timem:s7], [sflag:s22] =	dma.local [hbm:s5], s20  }
0x9e: {  	_ =	swait.ge [sflag:s22], s20  }
0x9f: {  	s4 =	ssub.s32 $0x0, s20;
	[sflag:s22] =	ssyncset.done $0x0  }
0xa0: {  	[sflag:s22] =	ssyncadd.s32 s4;
	_ =	sdelay $0x1  }
0xa1: {  	s23 =	simm.s32 $0x1B8B  }
0xa2: {  	_ =	swait.ge [sflag:s23], $0x1  }
0xa3: {  	[sflag:s23] =	ssyncset.done $0x0  }
0xa4: {  	s25 =	simm.s32 $0x1B8E;
	s24 =	sld [smem:$0x3FFE];
	[sflag:s23] =	ssyncadd.s32 $0xFFFFFFFF  }
0xa5: {  	s26 =	simm.s32 $execute0_lowered;
	[smem:$0x3FD2] =	sst s25  }
0xa6: {  	s5 =	sshll.u32 s26, $0x1;
	_ =	strace $0x80000046;
	[dreg:$0x1] =	wrdreg $0xFFFFFFFF  }
0xa7: {  	s28 =	simm.s32 $_size_execute0_lowered;
	s3 =	sadd.s32 s3, s5;
	[dreg:$0x0] =	wrdreg $0x0  }
0xa8: {  	s5 =	sshll.u32 s28, $0x1;
	[dreg:$0x2] =	wrdreg s3  }
0xa9: {  	[dreg:$0x3] =	wrdreg s5  }
0xaa: {  	[dreg:$0x4] =	wrdreg $0xC0  }
0xab: {  	_ =	task [dreg:s7], $0x5FFFF  }
0xac: {  	[dreg:$0x1] =	wrdreg $0xFFFFFFFF  }
0xad: {  	[dreg:$0x0] =	wrdreg $0x60  }
0xae: {  	[dreg:$0x2] =	wrdreg s24  }
0xaf: {  	[dreg:$0x3] =	wrdreg s2  }
0xb0: {  	[dreg:$0x4] =	wrdreg $0x76200  }
0xb1: {  	[dreg:$0x5] =	wrdreg $0x9  }
0xb2: {  	_ =	task.clear_ibuf [dreg:s7], $0x6FFFF;
	_ =	strace $0x90000046  }
0xb3: {  	s29 =	simm.s32 $0x9;
	_ =	strace $0x80000048  }
0xb4: {  	_ =	swait.ge [sflag:s29], $0x1  }
0xb5: {  	[sflag:s29] =	ssyncadd.s32 $0xFFFFFFFF  }
0xb6: {  	_ =	strace $0x90000048  }
0xb7: {  	_ =	sfence  }
0xb8: {  	s30 =	sld [smem:$0x0];
	_ =	sdelay $0x2  }
0xb9: {  	s31 =	sshll.u32 s1, $0xD;
	s1 =	sshrl.u32 s1, $0x2  }
0xba: {  	s3 =	sand.u32 $0x4000, s31;
	s1 =	sadd.s32 s1, s30  }
0xbb: {  	s0 =	sor.u32 s3, s0;
	s1 =	sshll.u32 s1, $0x11  }
0xbc: {  	s0 =	sor.u32 s1, s0  }
0xbd: {  	s0 =	sadd.s32 $0x8F2B, s0  }
0xbe: {  	[sflag:s0] =	ssyncadd.remote.s32 $0x1  }
0xbf: {  	_ =	sfence.sel $0xFFFF  }
0xc0: {  	[dreg:$0x0] =	wrdreg $0xFFFFFFFF;
	(pc) =	sbr.abs _section_cstart, $3  }
0xc1: {  	[dreg:$0x1] =	wrdreg $0xFFFFFFFF  }
0xc2: {  	_ =	task.clear_ibuf [dreg:s7], $0x2FFFF;
	_ =	strace $0x9FFFFFFF  }
0xc3: {  	(tm) =	ssettm $0x7FFFFFFF  }
tec
execute0_lowered:
.L_overlay_start_1:
0x0: {  	(tag) =	ssettag $0x1  }
0x1: {  	s0 =	srdreg.scid;
	s3 =	rddreg [dreg:$0x0]  }
0x2: {  	s1 =	simm.s32 $0x0;
	s4 =	stileid.u32;
	s10 =	sand.u32 $0x1, s0  }
0x3: {  	[smem:$0x7FF] =	sst s1;
	s5 =	sshll.u32 s4, $0x1;
	s4 =	smul.u32 $0x16800, s4  }
0x4: {  	s15 =	sadd.s32 $0x1EA00, s3;
	s0 =	ssub.s32 $0x2, s10;
	s17 =	smul.u32 $0x168000, s10  }
0x5: {  	s2 =	sshrl.u32 s0, $0x1;
	s6 =	sadd.s32 $0x2D00, s4;
	s7 =	sadd.s32 $0x4380, s4  }
0x6: {  	s8 =	sadd.s32 $0x5A00, s4;
	s9 =	sadd.s32 $0x7080, s4;
	s11 =	sadd.s32 $0x9D80, s4  }
0x7: {  	s12 =	sadd.s32 $0xB400, s4;
	s13 =	sadd.s32 $0xCA80, s4;
	s14 =	sadd.s32 $0xE100, s4  }
0x8: {  	s28 =	sadd.s32 $0x12480, s4;
	s29 =	sadd.s32 $0x13B00, s4;
	s30 =	sadd.s32 $0x15180, s4  }
0x9: {  	s0 =	ssub.s32 s0, s2;
	s2 =	sor.u32 s10, s5;
	s5 =	sadd.s32 $0x1680, s4  }
0xa: {  	s10 =	sadd.s32 $0x8700, s4;
	s16 =	sadd.s32 s4, s17;
	s25 =	sadd.s32 s17, s6  }
0xb: {  	s26 =	sadd.s32 s17, s7;
	s19 =	sadd.s32 s17, s8;
	s22 =	sadd.s32 s17, s9  }
0xc: {  	s18 =	sadd.s32 s17, s5;
	s16 =	sshrl.u32 s16, $0x3;
	s20 =	sshrl.u32 s19, $0x3  }
0xd: {  	s23 =	sadd.s32 s17, s10;
	s19 =	sadd.s32 s17, s12;
	s18 =	sshrl.u32 s18, $0x3  }
0xe: {  	s16 =	sadd.s32 s15, s16;
	s21 =	sadd.s32 s15, s20;
	s20 =	sadd.s32 s17, s13  }
0xf: {  	[dreg:$0x4] =	wrdreg s16;
	s24 =	sadd.s32 s15, s18;
	s16 =	sshrl.u32 s25, $0x3  }
0x10: {  	s18 =	sshrl.u32 s26, $0x3;
	[dreg:$0x8] =	wrdreg s21;
	s25 =	sshrl.u32 s23, $0x3  }
0x11: {  	s21 =	sadd.s32 s17, s14;
	[dreg:$0x5] =	wrdreg s24;
	s16 =	sadd.s32 s15, s16  }
0x12: {  	s24 =	sadd.s32 s17, s11;
	s23 =	sshrl.u32 s21, $0x3;
	s21 =	sadd.s32 s17, s28  }
0x13: {  	[dreg:$0x6] =	wrdreg s16;
	s16 =	sadd.s32 s15, s18;
	s26 =	sshrl.u32 s24, $0x3  }
0x14: {  	s24 =	sadd.s32 s15, s23;
	s23 =	sshrl.u32 s21, $0x3;
	[dreg:$0x7] =	wrdreg s16  }
0x15: {  	s16 =	sshrl.u32 s22, $0x3;
	s18 =	sadd.s32 s15, s26;
	[dreg:$0xe] =	wrdreg s24  }
0x16: {  	s22 =	sshrl.u32 s20, $0x3;
	s16 =	sadd.s32 s15, s16;
	[dreg:$0xb] =	wrdreg s18  }
0x17: {  	s20 =	sadd.s32 $0x10E00, s4;
	[dreg:$0x9] =	wrdreg s16;
	s16 =	sadd.s32 s15, s25  }
0x18: {  	s24 =	sadd.s32 s15, s23;
	[dreg:$0xa] =	wrdreg s16;
	s16 =	sshrl.u32 s19, $0x3  }
0x19: {  	[dreg:$0x11] =	wrdreg s24;
	s19 =	sadd.s32 $0xF780, s4;
	s16 =	sadd.s32 s15, s16  }
0x1a: {  	s25 =	sadd.s32 s17, s19;
	[dreg:$0xc] =	wrdreg s16;
	s16 =	sadd.s32 s15, s22  }
0x1b: {  	s26 =	sadd.s32 s17, s20;
	[dreg:$0xd] =	wrdreg s16;
	s16 =	sshrl.u32 s25, $0x3  }
0x1c: {  	s18 =	rddreg [dreg:$0x2];
	s22 =	sshrl.u32 s26, $0x3;
	s16 =	sadd.s32 s15, s16  }
0x1d: {  	s25 =	sadd.s32 s17, s29;
	[dreg:$0xf] =	wrdreg s16;
	s16 =	sadd.s32 s15, s22  }
0x1e: {  	s17 =	sadd.s32 s17, s30;
	s26 =	sshrl.u32 s25, $0x3;
	[dreg:$0x10] =	wrdreg s16  }
0x1f: {  	s17 =	sshrl.u32 s17, $0x3;
	s21 =	sadd.s32 s15, s26;
	s16 =	rddreg [dreg:$0x1]  }
0x20: {  	s15 =	sadd.s32 s15, s17;
	[dreg:$0x12] =	wrdreg s21  }
0x21: {  	s6 =	sadd.s32 s6, s18;
	[dreg:$0x13] =	wrdreg s15  }
0x22: {  	s7 =	sadd.s32 s7, s18;
	_ =	strace $0x80000047;
	[dreg:$0x16] =	wrdreg s6  }
0x23: {  	s8 =	sadd.s32 s8, s18;
	[dreg:$0x17] =	wrdreg s7  }
0x24: {  	s9 =	sadd.s32 s9, s18;
	[dreg:$0x18] =	wrdreg s8  }
0x25: {  	s10 =	sadd.s32 s10, s18;
	[dreg:$0x19] =	wrdreg s9  }
0x26: {  	s11 =	sadd.s32 s11, s18;
	[dreg:$0x1a] =	wrdreg s10  }
0x27: {  	s15 =	sadd.s32 s12, s18;
	[dreg:$0x1b] =	wrdreg s11  }
0x28: {  	s17 =	sadd.s32 s4, s18;
	s4 =	sadd.s32 s13, s18;
	[dreg:$0x1c] =	wrdreg s15  }
0x29: {  	s31 =	sadd.s32 s5, s18;
	s5 =	sadd.s32 s14, s18;
	[dreg:$0x1d] =	wrdreg s4  }
0x2a: {  	s0 =	smax.u32 s0, $0x1;
	s23 =	sadd.s32 $0x5E00, s3;
	[dreg:$0x1e] =	wrdreg s5  }
0x2b: {  	s24 =	sadd.s32 $0xE00, s3;
	s28 =	sadd.s32 s28, s18;
	[smem:$0x7FB] =	sst s0  }
0x2c: {  	s19 =	sadd.s32 s19, s18;
	s30 =	sadd.s32 s30, s18;
	[dreg:$0x14] =	wrdreg s17  }
0x2d: {  	s25 =	sadd.s32 $0x9CEE00, s3;
	s22 =	sadd.s32 $0xAE00, s3;
	[dreg:$0x15] =	wrdreg s31  }
0x2e: {  	s26 =	sadd.s32 $0x4ECE00, s3;
	s21 =	sadd.s32 $0x14C00, s3;
	[dreg:$0x1f] =	wrdreg s19  }
0x2f: {  	s3 =	smul.u32 $0x2710, s2;
	s6 =	sadd.s32 s20, s18;
	[smem:$0x7FC] =	sst s28  }
0x30: {  	s7 =	sadd.s32 s29, s18;
	s9 =	smul.u32 $0x4E20, s2;
	[smem:$0x7FD] =	sst s30  }
0x31: {  	s2 =	smul.u32 $0x27100, s2;
	s29 =	simm.s32 $0x1;
	[smem:$0x7F1] =	sst s6  }
0x32: {  	s0 =	simm.s32 $0x2FD0;
	s5 =	simm.s32 $0x2;
	[smem:$0x7F2] =	sst s7  }
0x33: {  	s8 =	sshrl.u32 s3, $0x3;
	s11 =	sadd.s32 $0x28, s3;
	s6 =	simm.s32 $0x3020  }
0x34: {  	s7 =	simm.s32 $0x32A0;
	s10 =	sadd.s32 s21, s8;
	s4 =	sadd.s32 s22, s8  }
0x35: {  	s12 =	sadd.s32 s25, s9;
	s13 =	sshrl.u32 s11, $0x3;
	[smem:$0x7F3] =	sst s10  }
0x36: {  	s2 =	sadd.s32 s26, s2;
	s15 =	sshll.u32 s11, $0x1;
	[smem:$0x7F4] =	sst s4  }
0x37: {  	s20 =	sshll.u32 s11, $0x4;
	s8 =	simm.s32 $0x37A0;
	[smem:$0x7F5] =	sst s12  }
0x38: {  	s9 =	simm.s32 $0x3;
	[smem:$0x7F6] =	sst s2;
	s14 =	sadd.s32 s21, s13  }
0x39: {  	s4 =	sadd.s32 s22, s13;
	s2 =	sadd.s32 s25, s15;
	[smem:$0x7F7] =	sst s14  }
0x3a: {  	s15 =	sadd.s32 $0x78, s3;
	s12 =	simm.s32 $0x5;
	[smem:$0x7F8] =	sst s4  }
0x3b: {  	s13 =	simm.s32 $0x28;
	s10 =	simm.s32 $0x4;
	[smem:$0x7F9] =	sst s2  }
0x3c: {  	s2 =	sadd.s32 s26, s20;
	s14 =	sadd.s32 $0x50, s3;
	s20 =	simm.s32 $0x5FA0  }
0x3d: {  	v0 =	vimm.f32 $0.0e+00;
	s4 =	simm.s32 $0x0;
	[smem:$0x7FA] =	sst s2;
	s2 =	simm.s32 $0x2FF8  }
.LBB2_1:
0x3e: {  	[smem:$0x7F0] =	sst s4;
	s3 =	simm.s32 $0x0;
	s11 =	simm.s32 $0x240  }
.LBB2_2:
0x3f: {  	p0 =	sne.s32 s11, $0x57C0;
	[tilespmem:s3+$0x6020] =	vst v0  }
0x40: {  	[tilespmem:s3+$0x5FA0] =	vst v0  }
0x41: {  	[tilespmem:s3+$0x5FB0] =	vst v0  }
0x42: {  	[tilespmem:s3+$0x5FC0] =	vst v0  }
.Ltmp0:
0x43: {  	[tilespmem:s3+$0x5FD0] =	vst v0;
	(pc) =	sbr.rel @p0 .LBB2_2-.Ltmp0, $4  }
0x44: {  	[tilespmem:s3+$0x5FE0] =	vst v0  }
0x45: {  	[tilespmem:s3+$0x5FF0] =	vst v0  }
0x46: {  	[tilespmem:s3+$0x6000] =	vst v0  }
0x47: {  	[tilespmem:s3+$0x6010] =	vst v0;
	s3 =	sshra.s32 s11, $0x2;
	s11 =	sadd.s32 $0x240, s11  }
0x48: {  	[tilespmem:s3+$0x6020] =	vst v0  }
0x49: {  	[tilespmem:s3+$0x5FA0] =	vst v0  }
0x4a: {  	[tilespmem:s3+$0x5FB0] =	vst v0  }
0x4b: {  	[tilespmem:s3+$0x5FC0] =	vst v0  }
0x4c: {  	[tilespmem:s3+$0x5FD0] =	vst v0  }
0x4d: {  	[tilespmem:s3+$0x5FE0] =	vst v0  }
0x4e: {  	[tilespmem:s3+$0x5FF0] =	vst v0  }
0x4f: {  	[tilespmem:s3+$0x6000] =	vst v0  }
0x50: {  	[tilespmem:s3+$0x6010] =	vst v0  }
0x51: {  	[spmem:s17] =	stream.linear.scatter [tilespmem:s20], [sflag:$0x5], $0x1680, $0x38;
	[tilespmem:$0x1DE20] =	vst v63  }
0x52: {  	_ =	swait.ge [sflag:s12], $0x1680  }
0x53: {  	[sflag:s12] =	ssyncset.done $0x0  }
0x54: {  	[sflag:s12] =	ssyncadd.s32 $0xFFFFE980  }
0x55: {  	[spmem:s31] =	stream.linear.scatter [tilespmem:s20], [sflag:$0x5], $0x1680, $0x38;
	[tilespmem:$0x1DE20] =	vst v63  }
0x56: {  	_ =	swait.ge [sflag:s12], $0x1680  }
0x57: {  	[sflag:s12] =	ssyncset.done $0x0  }
0x58: {  	s11 =	rddreg [dreg:$0x16];
	[sflag:s12] =	ssyncadd.s32 $0xFFFFE980  }
0x59: {  	[spmem:s11] =	stream.linear.scatter [tilespmem:s20], [sflag:$0x5], $0x1680, $0x38;
	[tilespmem:$0x1DE20] =	vst v63  }
0x5a: {  	_ =	swait.ge [sflag:s12], $0x1680  }
0x5b: {  	[sflag:s12] =	ssyncset.done $0x0  }
0x5c: {  	s17 =	rddreg [dreg:$0x17];
	[sflag:s12] =	ssyncadd.s32 $0xFFFFE980  }
0x5d: {  	[spmem:s17] =	stream.linear.scatter [tilespmem:s20], [sflag:$0x5], $0x1680, $0x38;
	[tilespmem:$0x1DE20] =	vst v63  }
0x5e: {  	_ =	swait.ge [sflag:s12], $0x1680  }
0x5f: {  	[sflag:s12] =	ssyncset.done $0x0  }
0x60: {  	s31 =	rddreg [dreg:$0x18];
	[sflag:s12] =	ssyncadd.s32 $0xFFFFE980  }
0x61: {  	[spmem:s31] =	stream.linear.scatter [tilespmem:s20], [sflag:$0x5], $0x1680, $0x38;
	[tilespmem:$0x1DE20] =	vst v63  }
0x62: {  	_ =	swait.ge [sflag:s12], $0x1680  }
0x63: {  	[sflag:s12] =	ssyncset.done $0x0  }
0x64: {  	s4 =	rddreg [dreg:$0x19];
	[sflag:s12] =	ssyncadd.s32 $0xFFFFE980  }
0x65: {  	[spmem:s4] =	stream.linear.scatter [tilespmem:s20], [sflag:$0x5], $0x1680, $0x38;
	[tilespmem:$0x1DE20] =	vst v63  }
0x66: {  	_ =	swait.ge [sflag:s12], $0x1680  }
0x67: {  	[sflag:s12] =	ssyncset.done $0x0  }
0x68: {  	s11 =	rddreg [dreg:$0x1a];
	[sflag:s12] =	ssyncadd.s32 $0xFFFFE980  }
0x69: {  	[spmem:s11] =	stream.linear.scatter [tilespmem:s20], [sflag:$0x5], $0x1680, $0x38;
	[tilespmem:$0x1DE20] =	vst v63  }
0x6a: {  	_ =	swait.ge [sflag:s12], $0x1680  }
0x6b: {  	[sflag:s12] =	ssyncset.done $0x0  }
0x6c: {  	s17 =	rddreg [dreg:$0x1b];
	[sflag:s12] =	ssyncadd.s32 $0xFFFFE980  }
0x6d: {  	[spmem:s17] =	stream.linear.scatter [tilespmem:s20], [sflag:$0x5], $0x1680, $0x38;
	[tilespmem:$0x1DE20] =	vst v63  }
0x6e: {  	_ =	swait.ge [sflag:s12], $0x1680  }
0x6f: {  	[sflag:s12] =	ssyncset.done $0x0  }
0x70: {  	s31 =	rddreg [dreg:$0x1c];
	[sflag:s12] =	ssyncadd.s32 $0xFFFFE980  }
0x71: {  	[spmem:s31] =	stream.linear.scatter [tilespmem:s20], [sflag:$0x5], $0x1680, $0x38;
	[tilespmem:$0x1DE20] =	vst v63  }
0x72: {  	_ =	swait.ge [sflag:s12], $0x1680  }
0x73: {  	[sflag:s12] =	ssyncset.done $0x0  }
0x74: {  	s4 =	rddreg [dreg:$0x1d];
	[sflag:s12] =	ssyncadd.s32 $0xFFFFE980  }
0x75: {  	[spmem:s4] =	stream.linear.scatter [tilespmem:s20], [sflag:$0x5], $0x1680, $0x38;
	[tilespmem:$0x1DE20] =	vst v63  }
0x76: {  	_ =	swait.ge [sflag:s12], $0x1680  }
0x77: {  	[sflag:s12] =	ssyncset.done $0x0  }
0x78: {  	s11 =	rddreg [dreg:$0x1e];
	[sflag:s12] =	ssyncadd.s32 $0xFFFFE980  }
0x79: {  	[spmem:s11] =	stream.linear.scatter [tilespmem:s20], [sflag:$0x5], $0x1680, $0x38;
	[tilespmem:$0x1DE20] =	vst v63  }
0x7a: {  	_ =	swait.ge [sflag:s12], $0x1680  }
0x7b: {  	[sflag:s12] =	ssyncset.done $0x0  }
0x7c: {  	[sflag:s12] =	ssyncadd.s32 $0xFFFFE980  }
0x7d: {  	[spmem:s19] =	stream.linear.scatter [tilespmem:s20], [sflag:$0x5], $0x1680, $0x38;
	[tilespmem:$0x1DE20] =	vst v63  }
0x7e: {  	_ =	swait.ge [sflag:s12], $0x1680  }
0x7f: {  	s17 =	sld [smem:$0x7F1]  }
0x80: {  	[sflag:s12] =	ssyncset.done $0x0  }
0x81: {  	[sflag:s12] =	ssyncadd.s32 $0xFFFFE980  }
0x82: {  	[spmem:s17] =	stream.linear.scatter [tilespmem:s20], [sflag:$0x5], $0x1680, $0x38;
	[tilespmem:$0x1DE20] =	vst v63  }
0x83: {  	_ =	swait.ge [sflag:s12], $0x1680  }
0x84: {  	[sflag:s12] =	ssyncset.done $0x0  }
0x85: {  	[sflag:s12] =	ssyncadd.s32 $0xFFFFE980  }
0x86: {  	[spmem:s28] =	stream.linear.scatter [tilespmem:s20], [sflag:$0x5], $0x1680, $0x38;
	[tilespmem:$0x1DE20] =	vst v63  }
0x87: {  	_ =	swait.ge [sflag:s12], $0x1680  }
0x88: {  	s19 =	sld [smem:$0x7F2]  }
0x89: {  	[sflag:s12] =	ssyncset.done $0x0  }
0x8a: {  	[sflag:s12] =	ssyncadd.s32 $0xFFFFE980  }
0x8b: {  	[spmem:s19] =	stream.linear.scatter [tilespmem:s20], [sflag:$0x5], $0x1680, $0x38;
	[tilespmem:$0x1DE20] =	vst v63  }
0x8c: {  	_ =	swait.ge [sflag:s12], $0x1680  }
0x8d: {  	[sflag:s12] =	ssyncset.done $0x0  }
0x8e: {  	[sflag:s12] =	ssyncadd.s32 $0xFFFFE980  }
0x8f: {  	[spmem:s30] =	stream.linear.scatter [tilespmem:s20], [sflag:$0x5], $0x1680, $0x38;
	[tilespmem:$0x1DE20] =	vst v63  }
0x90: {  	_ =	swait.ge [sflag:s12], $0x1680  }
0x91: {  	[sflag:s12] =	ssyncset.done $0x0  }
0x92: {  	[sflag:s12] =	ssyncadd.s32 $0xFFFFE980  }
0x93: {  	[bflag:$0x0] =	sbarrier.arrive $0xFFFF  }
0x94: {  	s28 =	sld [smem:$0x7F3];
	_ =	sdelay $0x1  }
0x95: {  	s11 =	simm.s32 $0x0;
	s30 =	sld [smem:$0x7F4]  }
0x96: {  	[tilespmem:s11], [sflag:$0x1] =	stream.linear.gather [hbm4b:s28+s11], $0x28, $0x38;
	[tilespmem:$0x1DE20] =	vst v63  }
0x97: {  	s31 =	sld [smem:$0x7F5]  }
0x98: {  	[tilespmem:s13], [sflag:$0x1] =	stream.linear.gather [hbm4b:s30+s11], $0x28, $0x38;
	[tilespmem:$0x1DE20] =	vst v63  }
0x99: {  	s4 =	simm.s32 $0x550;
	s17 =	sld [smem:$0x7F6]  }
0x9a: {  	[tilespmem:s4], [sflag:$0x1] =	stream.linear.gather [hbm4b:s31+s11], $0x280, $0x38;
	[tilespmem:$0x1DE20] =	vst v63  }
0x9b: {  	s19 =	simm.s32 $0x1BD0  }
0x9c: {  	[tilespmem:s19], [sflag:$0x1] =	stream.linear.gather [hbm4b:s17+s11], $0x1400, $0x38;
	[tilespmem:$0x1DE20] =	vst v63  }
0x9d: {  	_ =	swait.ge [sflag:s29], $0x28  }
0x9e: {  	[sflag:s29] =	ssyncset.done $0x0  }
0x9f: {  	[sflag:s29] =	ssyncadd.s32 $0xFFFFFFD8  }
0xa0: {  	_ =	swait.ge [sflag:s29], $0x28  }
0xa1: {  	[sflag:s29] =	ssyncset.done $0x0  }
0xa2: {  	[sflag:s29] =	ssyncadd.s32 $0xFFFFFFD8  }
0xa3: {  	_ =	swait.ge [sflag:s29], $0x280  }
0xa4: {  	[sflag:s29] =	ssyncset.done $0x0  }
0xa5: {  	[sflag:s29] =	ssyncadd.s32 $0xFFFFFD80  }
0xa6: {  	_ =	swait.ge [sflag:s29], $0x1400  }
0xa7: {  	[sflag:s29] =	ssyncset.done $0x0  }
0xa8: {  	s28 =	simm.s32 $0x50;
	[sflag:s29] =	ssyncadd.s32 $0xFFFFEC00  }
0xa9: {  	[tilespmem:s28], [sflag:$0x3] =	stream.indirect.gather [hbm4b:s23+s13], $0x10, s11, s13, $0xb8;
	[tilespmem:$0x1DE20] =	vst v63  }
0xaa: {  	s30 =	simm.s32 $0x2D0  }
0xab: {  	[tilespmem:s30], [sflag:$0x3] =	stream.indirect.gather [hbm4b:s24+s13], $0x10, s13, s13, $0xb8;
	[tilespmem:$0x1DE20] =	vst v63  }
0xac: {  	s31 =	simm.s32 $0x7D0;
	s4 =	sld [smem:$0x7F7]  }
0xad: {  	[tilespmem:s31], [sflag:$0x3] =	stream.indirect.gather [hbm4b:s16+s13], $0x80, s11, s13, $0xb8;
	[tilespmem:$0x1DE20] =	vst v63  }
0xae: {  	s17 =	sld [smem:$0x7F8]  }
0xaf: {  	[tilespmem:s0], [sflag:$0x2] =	stream.linear.gather [hbm4b:s4+s11], $0x28, $0x38;
	[tilespmem:$0x1DE20] =	vst v63  }
0xb0: {  	s19 =	sld [smem:$0x7F9]  }
0xb1: {  	[tilespmem:s2], [sflag:$0x2] =	stream.linear.gather [hbm4b:s17+s11], $0x28, $0x38;
	[tilespmem:$0x1DE20] =	vst v63  }
0xb2: {  	s28 =	simm.s32 $0x3520;
	s30 =	sld [smem:$0x7FA]  }
0xb3: {  	[tilespmem:s28], [sflag:$0x2] =	stream.linear.gather [hbm4b:s19+s11], $0x280, $0x38;
	[tilespmem:$0x1DE20] =	vst v63  }
0xb4: {  	s31 =	simm.s32 $0x4BA0  }
0xb5: {  	[tilespmem:s31], [sflag:$0x2] =	stream.linear.gather [hbm4b:s30+s11], $0x1400, $0x38;
	[tilespmem:$0x1DE20] =	vst v63  }
.LBB2_4:
0xb6: {  	_ =	swait.ge [sflag:s5], $0x28  }
0xb7: {  	[sflag:s5] =	ssyncset.done $0x0  }
0xb8: {  	[sflag:s5] =	ssyncadd.s32 $0xFFFFFFD8  }
0xb9: {  	_ =	swait.ge [sflag:s5], $0x28  }
0xba: {  	[sflag:s5] =	ssyncset.done $0x0  }
0xbb: {  	[sflag:s5] =	ssyncadd.s32 $0xFFFFFFD8  }
0xbc: {  	_ =	swait.ge [sflag:s5], $0x280  }
0xbd: {  	[sflag:s5] =	ssyncset.done $0x0  }
0xbe: {  	[sflag:s5] =	ssyncadd.s32 $0xFFFFFD80  }
0xbf: {  	_ =	swait.ge [sflag:s5], $0x1400  }
0xc0: {  	[sflag:s5] =	ssyncset.done $0x0  }
0xc1: {  	[sflag:s5] =	ssyncadd.s32 $0xFFFFEC00  }
0xc2: {  	[tilespmem:s6], [sflag:$0x4] =	stream.indirect.gather [hbm4b:s23+s13], $0x10, s0, s13, $0xb8;
	[tilespmem:$0x1DE20] =	vst v63  }
0xc3: {  	_ = 	snop  }
0xc4: {  	[tilespmem:s7], [sflag:$0x4] =	stream.indirect.gather [hbm4b:s24+s13], $0x10, s2, s13, $0xb8;
	[tilespmem:$0x1DE20] =	vst v63  }
0xc5: {  	_ = 	snop  }
0xc6: {  	[tilespmem:s8], [sflag:$0x4] =	stream.indirect.gather [hbm4b:s16+s13], $0x80, s0, s13, $0xb8;
	[tilespmem:$0x1DE20] =	vst v63  }
0xc7: {  	_ =	swait.ge [sflag:s9], $0x280  }
0xc8: {  	[sflag:s9] =	ssyncset.done $0x0  }
0xc9: {  	[sflag:s9] =	ssyncadd.s32 $0xFFFFFD80  }
0xca: {  	_ =	swait.ge [sflag:s9], $0x280  }
0xcb: {  	[sflag:s9] =	ssyncset.done $0x0  }
0xcc: {  	[sflag:s9] =	ssyncadd.s32 $0xFFFFFD80  }
0xcd: {  	_ =	swait.ge [sflag:s9], $0x1400  }
0xce: {  	[sflag:s9] =	ssyncset.done $0x0  }
0xcf: {  	s3 =	simm.s32 $0x0;
	[sflag:s9] =	ssyncadd.s32 $0xFFFFEC00  }
0xd0: {  	v1 =	vld [tilespmem:s3+$0x50]  }
0xd1: {  	v2 =	vld [tilespmem:s3+$0x2D0];
	_ =	sdelay $0x1  }
0xd2: {  	v3 =	vld [tilespmem:s3+$0x550];
	_ =	sdelay $0x2  }
0xd3: {  	v1 =	vadd.f32 v2, v1;
	_ =	sdelay $0x1  }
0xd4: {  	v1 =	vadd.f32 v3, v1;
	_ =	sdelay $0x1  }
0xd5: {  	v2 =	vmul.f32 $2.000000030e-01, v1  }
0xd6: {  	vm0 =	vge.f32 v1, $0.0e+00  }
0xd7: {  	v1 =	vsel vm0, v1, v2  }
0xd8: {  	v1 =	vmul.f32 $1.442695020e+00, v1;
	_ =	sdelay $0x1  }
0xd9: {  	(erf) = vpow2.f32 v1;
	_ =	sdelay $0x8  }
0xda: {  	s19 =	simm.s32 $0x5FE0;
	v1 =	vpop (erf)  }
0xdb: {  	s28 =	simm.s32 $0x810;
	[tilespmem:s19+$0x40] =	vst v1  }
0xdc: {  	s30 =	simm.s32 $0x1C10;
	v2 =	vld [tilespmem:s28+$0xFFFFFFC0]  }
0xdd: {  	v3 =	vld [tilespmem:s30+$0xFFFFFFC0];
	_ =	sdelay $0x4  }
0xde: {  	v4 =	vbroadcast v1, $0x0;
	v2 =	vadd.f32 v3, v2;
	_ =	sdelay $0x1  }
0xdf: {  	v2 =	vmul.f32 v4, v2;
	_ =	sdelay $0x1  }
0xe0: {  	[tilespmem:s19+$0xFFFFFFC0] =	vst v2  }
0xe1: {  	v2 =	vld [tilespmem:s28+$0xFFFFFFD0]  }
0xe2: {  	v3 =	vld [tilespmem:s30+$0xFFFFFFD0];
	_ =	sdelay $0x4  }
0xe3: {  	v2 =	vadd.f32 v3, v2;
	_ =	sdelay $0x1  }
0xe4: {  	v2 =	vmul.f32 v2, v4;
	_ =	sdelay $0x1  }
0xe5: {  	[tilespmem:s19+$0xFFFFFFD0] =	vst v2  }
0xe6: {  	v2 =	vld [tilespmem:s28+$0xFFFFFFE0]  }
0xe7: {  	v3 =	vld [tilespmem:s30+$0xFFFFFFE0];
	_ =	sdelay $0x4  }
0xe8: {  	v62 =	vbroadcast v1, $0x1;
	v2 =	vadd.f32 v3, v2;
	_ =	sdelay $0x1  }
0xe9: {  	v2 =	vmul.f32 v2, v62;
	_ =	sdelay $0x1  }
0xea: {  	[tilespmem:s19+$0xFFFFFFE0] =	vst v2  }
0xeb: {  	v2 =	vld [tilespmem:s28+$0xFFFFFFF0]  }
0xec: {  	v3 =	vld [tilespmem:s30+$0xFFFFFFF0];
	_ =	sdelay $0x4  }
0xed: {  	v2 =	vadd.f32 v3, v2;
	_ =	sdelay $0x1  }
0xee: {  	v2 =	vmul.f32 v2, v62;
	_ =	sdelay $0x1  }
0xef: {  	[tilespmem:s19+$0xFFFFFFF0] =	vst v2  }
0xf0: {  	v2 =	vld [tilespmem:s28+$0x0]  }
0xf1: {  	v3 =	vld [tilespmem:s30+$0x0];
	_ =	sdelay $0x4  }
0xf2: {  	v63 =	vbroadcast v1, $0x2;
	v2 =	vadd.f32 v3, v2;
	_ =	sdelay $0x1  }
0xf3: {  	v2 =	vmul.f32 v2, v63;
	_ =	sdelay $0x1  }
0xf4: {  	[tilespmem:s19+$0x0] =	vst v2  }
0xf5: {  	v2 =	vld [tilespmem:s28+$0x10]  }
0xf6: {  	v3 =	vld [tilespmem:s30+$0x10];
	_ =	sdelay $0x4  }
0xf7: {  	v2 =	vadd.f32 v3, v2;
	_ =	sdelay $0x1  }
0xf8: {  	v2 =	vmul.f32 v2, v63;
	_ =	sdelay $0x1  }
0xf9: {  	[tilespmem:s19+$0x10] =	vst v2  }
0xfa: {  	v2 =	vld [tilespmem:s28+$0x20]  }
0xfb: {  	v3 =	vld [tilespmem:s30+$0x20];
	_ =	sdelay $0x4  }
0xfc: {  	v1 =	vbroadcast v1, $0x3;
	v2 =	vadd.f32 v3, v2;
	_ =	sdelay $0x1  }
0xfd: {  	v2 =	vmul.f32 v2, v1;
	_ =	sdelay $0x1  }
0xfe: {  	[tilespmem:s19+$0x20] =	vst v2  }
0xff: {  	s17 =	simm.s32 $0x40;
	s31 =	simm.s32 $0x5FE0;
	v2 =	vld [tilespmem:s28+$0x30]  }
.LBB2_5:
0x100: {  	v3 =	vld [tilespmem:s30+$0x30];
	s19 =	sadd.s32 $0x90, s19;
	s30 =	sadd.s32 $0x80, s30;
	s28 =	sadd.s32 $0x80, s28  }
0x101: {  	p0 =	sne.s32 s17, $0x9C0;
	s3 =	smov.u32 s17;
	s17 =	sadd.s32 $0x40, s17  }
0x102: {  	_ =	sdelay $0x2  }
0x103: {  	v2 =	vadd.f32 v3, v2;
	_ =	sdelay $0x1  }
0x104: {  	v1 =	vmul.f32 v2, v1;
	_ =	sdelay $0x1  }
0x105: {  	s3 =	sshra.s32 s3, $0x2;
	[tilespmem:s31+$0x30] =	vst v1;
	s31 =	smov.u32 s19  }
0x106: {  	v1 =	vld [tilespmem:s3+$0x50]  }
0x107: {  	v2 =	vld [tilespmem:s3+$0x2D0]  }
0x108: {  	v3 =	vld [tilespmem:s3+$0x550];
	_ =	sdelay $0x3  }
0x109: {  	v1 =	vadd.f32 v2, v1;
	_ =	sdelay $0x1  }
0x10a: {  	v1 =	vadd.f32 v3, v1;
	_ =	sdelay $0x1  }
0x10b: {  	vm0 =	vge.f32 v1, $0.0e+00;
	v2 =	vmul.f32 $2.000000030e-01, v1;
	_ =	sdelay $0x1  }
0x10c: {  	v1 =	vsel vm0, v1, v2  }
0x10d: {  	v1 =	vmul.f32 $1.442695020e+00, v1;
	_ =	sdelay $0x1  }
0x10e: {  	(erf) = vpow2.f32 v1;
	_ =	sdelay $0x8  }
0x10f: {  	v1 =	vpop (erf)  }
0x110: {  	[tilespmem:s19+$0x40] =	vst v1  }
0x111: {  	v2 =	vld [tilespmem:s28+$0xFFFFFFC0]  }
0x112: {  	v3 =	vld [tilespmem:s30+$0xFFFFFFC0];
	_ =	sdelay $0x2  }
0x113: {  	v4 =	vbroadcast v1, $0x0;
	_ =	sdelay $0x1  }
0x114: {  	v2 =	vadd.f32 v3, v2;
	_ =	sdelay $0x1  }
0x115: {  	v2 =	vmul.f32 v4, v2;
	_ =	sdelay $0x1  }
0x116: {  	[tilespmem:s19+$0xFFFFFFC0] =	vst v2  }
0x117: {  	v2 =	vld [tilespmem:s28+$0xFFFFFFD0]  }
0x118: {  	v3 =	vld [tilespmem:s30+$0xFFFFFFD0];
	_ =	sdelay $0x4  }
0x119: {  	v2 =	vadd.f32 v3, v2;
	_ =	sdelay $0x1  }
0x11a: {  	v2 =	vmul.f32 v2, v4;
	_ =	sdelay $0x1  }
0x11b: {  	[tilespmem:s19+$0xFFFFFFD0] =	vst v2  }
0x11c: {  	v2 =	vld [tilespmem:s28+$0xFFFFFFE0]  }
0x11d: {  	v3 =	vld [tilespmem:s30+$0xFFFFFFE0]  }
0x11e: {  	v4 =	vbroadcast v1, $0x1;
	_ =	sdelay $0x3  }
0x11f: {  	v2 =	vadd.f32 v3, v2;
	_ =	sdelay $0x1  }
0x120: {  	v2 =	vmul.f32 v2, v4;
	_ =	sdelay $0x1  }
0x121: {  	[tilespmem:s19+$0xFFFFFFE0] =	vst v2  }
0x122: {  	v2 =	vld [tilespmem:s28+$0xFFFFFFF0]  }
0x123: {  	v3 =	vld [tilespmem:s30+$0xFFFFFFF0];
	_ =	sdelay $0x4  }
0x124: {  	v2 =	vadd.f32 v3, v2;
	_ =	sdelay $0x1  }
0x125: {  	v2 =	vmul.f32 v2, v4;
	_ =	sdelay $0x1  }
0x126: {  	[tilespmem:s19+$0xFFFFFFF0] =	vst v2  }
0x127: {  	v3 =	vbroadcast v1, $0x2;
	v2 =	vld [tilespmem:s28+$0x0]  }
0x128: {  	v4 =	vld [tilespmem:s30+$0x0];
	_ =	sdelay $0x4  }
0x129: {  	v2 =	vadd.f32 v4, v2;
	_ =	sdelay $0x1  }
0x12a: {  	v2 =	vmul.f32 v2, v3;
	_ =	sdelay $0x1  }
0x12b: {  	[tilespmem:s19+$0x0] =	vst v2  }
0x12c: {  	v2 =	vld [tilespmem:s28+$0x10]  }
0x12d: {  	v4 =	vld [tilespmem:s30+$0x10];
	_ =	sdelay $0x4  }
0x12e: {  	v2 =	vadd.f32 v4, v2;
	_ =	sdelay $0x1  }
0x12f: {  	v2 =	vmul.f32 v2, v3  }
0x130: {  	v1 =	vbroadcast v1, $0x3  }
0x131: {  	[tilespmem:s19+$0x10] =	vst v2  }
0x132: {  	v2 =	vld [tilespmem:s28+$0x20]  }
0x133: {  	v3 =	vld [tilespmem:s30+$0x20];
	_ =	sdelay $0x4  }
0x134: {  	v2 =	vadd.f32 v3, v2  }
.Ltmp1:
0x135: {  	(pc) =	sbr.rel @p0 .LBB2_5-.Ltmp1, $3  }
0x136: {  	v2 =	vmul.f32 v2, v1;
	_ =	sdelay $0x1  }
0x137: {  	[tilespmem:s19+$0x20] =	vst v2  }
0x138: {  	v2 =	vld [tilespmem:s28+$0x30]  }
0x139: {  	v3 =	vld [tilespmem:s30+$0x30];
	_ =	sdelay $0x4  }
0x13a: {  	v2 =	vadd.f32 v3, v2;
	_ =	sdelay $0x1  }
0x13b: {  	v1 =	vmul.f32 v2, v1;
	_ =	sdelay $0x1  }
0x13c: {  	s19 =	smul.u32 $0x50, s11;
	[tilespmem:s31+$0x30] =	vst v1  }
0x13d: {  	[spmem:s18] =	stream.indirect.scatter.add.f32 [tilespmem:s20], [sflag:$0x5], $0x90, s13, s13, $0xb8;
	[tilespmem:$0x1DE20] =	vst v63  }
0x13e: {  	s3 =	sadd.s32 s19, s14;
	_ =	swait.ge [sflag:s12], $0x1680  }
0x13f: {  	s17 =	sshrl.u32 s3, $0x3;
	[sflag:s12] =	ssyncset.done $0x0  }
0x140: {  	s30 =	simm.s32 $0x0;
	s28 =	sadd.s32 s21, s17;
	[sflag:s12] =	ssyncadd.s32 $0xFFFFE980  }
0x141: {  	[tilespmem:s30], [sflag:$0x1] =	stream.linear.gather [hbm4b:s28+s30], $0x28, $0x38;
	[tilespmem:$0x1DE20] =	vst v63  }
0x142: {  	s4 =	sshll.u32 s3, $0x1;
	s17 =	sadd.s32 s22, s17  }
0x143: {  	[tilespmem:s13], [sflag:$0x1] =	stream.linear.gather [hbm4b:s17+s30], $0x28, $0x38;
	[tilespmem:$0x1DE20] =	vst v63  }
0x144: {  	s3 =	sshll.u32 s3, $0x4;
	s17 =	sand.u32 $0x1FFFFFE0, s4  }
0x145: {  	s3 =	sand.u32 $0x1FFFFF00, s3;
	s4 =	simm.s32 $0x550;
	s17 =	sadd.s32 s25, s17  }
0x146: {  	[tilespmem:s4], [sflag:$0x1] =	stream.linear.gather [hbm4b:s17+s30], $0x280, $0x38;
	[tilespmem:$0x1DE20] =	vst v63  }
0x147: {  	s3 =	sadd.s32 s26, s3;
	s17 =	simm.s32 $0x1BD0  }
0x148: {  	[tilespmem:s17], [sflag:$0x1] =	stream.linear.gather [hbm4b:s3+s30], $0x1400, $0x38;
	[tilespmem:$0x1DE20] =	vst v63  }
0x149: {  	_ =	swait.ge [sflag:s10], $0x280  }
0x14a: {  	[sflag:s10] =	ssyncset.done $0x0  }
0x14b: {  	[sflag:s10] =	ssyncadd.s32 $0xFFFFFD80  }
0x14c: {  	_ =	swait.ge [sflag:s10], $0x280  }
0x14d: {  	[sflag:s10] =	ssyncset.done $0x0  }
0x14e: {  	[sflag:s10] =	ssyncadd.s32 $0xFFFFFD80  }
0x14f: {  	_ =	swait.ge [sflag:s10], $0x1400  }
0x150: {  	[sflag:s10] =	ssyncset.done $0x0  }
0x151: {  	s17 =	simm.s32 $0x0;
	[sflag:s10] =	ssyncadd.s32 $0xFFFFEC00  }
0x152: {  	v1 =	vld [tilespmem:s17+$0x3020]  }
0x153: {  	v2 =	vld [tilespmem:s17+$0x32A0];
	_ =	sdelay $0x1  }
0x154: {  	v3 =	vld [tilespmem:s17+$0x3520];
	_ =	sdelay $0x2  }
0x155: {  	v1 =	vadd.f32 v2, v1;
	_ =	sdelay $0x1  }
0x156: {  	v1 =	vadd.f32 v3, v1;
	_ =	sdelay $0x1  }
0x157: {  	v2 =	vmul.f32 $2.000000030e-01, v1  }
0x158: {  	vm0 =	vge.f32 v1, $0.0e+00  }
0x159: {  	v1 =	vsel vm0, v1, v2  }
0x15a: {  	v1 =	vmul.f32 $1.442695020e+00, v1;
	_ =	sdelay $0x1  }
0x15b: {  	(erf) = vpow2.f32 v1;
	_ =	sdelay $0x8  }
0x15c: {  	s28 =	simm.s32 $0x5FE0;
	v1 =	vpop (erf)  }
0x15d: {  	s30 =	simm.s32 $0x37E0;
	[tilespmem:s28+$0x40] =	vst v1  }
0x15e: {  	s31 =	simm.s32 $0x4BE0;
	v2 =	vld [tilespmem:s30+$0xFFFFFFC0]  }
0x15f: {  	v3 =	vld [tilespmem:s31+$0xFFFFFFC0];
	_ =	sdelay $0x4  }
0x160: {  	v4 =	vbroadcast v1, $0x0;
	v2 =	vadd.f32 v3, v2;
	_ =	sdelay $0x1  }
0x161: {  	v2 =	vmul.f32 v4, v2;
	_ =	sdelay $0x1  }
0x162: {  	[tilespmem:s28+$0xFFFFFFC0] =	vst v2  }
0x163: {  	v2 =	vld [tilespmem:s30+$0xFFFFFFD0]  }
0x164: {  	v3 =	vld [tilespmem:s31+$0xFFFFFFD0];
	_ =	sdelay $0x4  }
0x165: {  	v2 =	vadd.f32 v3, v2;
	_ =	sdelay $0x1  }
0x166: {  	v2 =	vmul.f32 v2, v4;
	_ =	sdelay $0x1  }
0x167: {  	[tilespmem:s28+$0xFFFFFFD0] =	vst v2  }
0x168: {  	v2 =	vld [tilespmem:s30+$0xFFFFFFE0]  }
0x169: {  	v3 =	vld [tilespmem:s31+$0xFFFFFFE0];
	_ =	sdelay $0x4  }
0x16a: {  	v62 =	vbroadcast v1, $0x1;
	v2 =	vadd.f32 v3, v2;
	_ =	sdelay $0x1  }
0x16b: {  	v2 =	vmul.f32 v2, v62;
	_ =	sdelay $0x1  }
0x16c: {  	[tilespmem:s28+$0xFFFFFFE0] =	vst v2  }
0x16d: {  	v2 =	vld [tilespmem:s30+$0xFFFFFFF0]  }
0x16e: {  	v3 =	vld [tilespmem:s31+$0xFFFFFFF0];
	_ =	sdelay $0x4  }
0x16f: {  	v2 =	vadd.f32 v3, v2;
	_ =	sdelay $0x1  }
0x170: {  	v2 =	vmul.f32 v2, v62;
	_ =	sdelay $0x1  }
0x171: {  	[tilespmem:s28+$0xFFFFFFF0] =	vst v2  }
0x172: {  	v2 =	vld [tilespmem:s30+$0x0]  }
0x173: {  	v3 =	vld [tilespmem:s31+$0x0];
	_ =	sdelay $0x4  }
0x174: {  	v63 =	vbroadcast v1, $0x2;
	v2 =	vadd.f32 v3, v2;
	_ =	sdelay $0x1  }
0x175: {  	v2 =	vmul.f32 v2, v63;
	_ =	sdelay $0x1  }
0x176: {  	[tilespmem:s28+$0x0] =	vst v2  }
0x177: {  	v2 =	vld [tilespmem:s30+$0x10]  }
0x178: {  	v3 =	vld [tilespmem:s31+$0x10];
	_ =	sdelay $0x4  }
0x179: {  	v2 =	vadd.f32 v3, v2;
	_ =	sdelay $0x1  }
0x17a: {  	v2 =	vmul.f32 v2, v63;
	_ =	sdelay $0x1  }
0x17b: {  	[tilespmem:s28+$0x10] =	vst v2  }
0x17c: {  	v2 =	vld [tilespmem:s30+$0x20]  }
0x17d: {  	v3 =	vld [tilespmem:s31+$0x20];
	_ =	sdelay $0x4  }
0x17e: {  	v1 =	vbroadcast v1, $0x3;
	v2 =	vadd.f32 v3, v2;
	_ =	sdelay $0x1  }
0x17f: {  	v2 =	vmul.f32 v2, v1;
	_ =	sdelay $0x1  }
0x180: {  	[tilespmem:s28+$0x20] =	vst v2  }
0x181: {  	s3 =	simm.s32 $0x40;
	s17 =	simm.s32 $0x5FE0;
	v2 =	vld [tilespmem:s30+$0x30]  }
.LBB2_7:
0x182: {  	v3 =	vld [tilespmem:s31+$0x30];
	s28 =	sadd.s32 $0x90, s28;
	s31 =	sadd.s32 $0x80, s31;
	s30 =	sadd.s32 $0x80, s30  }
0x183: {  	p0 =	sne.s32 s3, $0x9C0;
	s4 =	smov.u32 s3;
	s3 =	sadd.s32 $0x40, s3  }
0x184: {  	_ =	sdelay $0x2  }
0x185: {  	v2 =	vadd.f32 v3, v2;
	_ =	sdelay $0x1  }
0x186: {  	v1 =	vmul.f32 v2, v1;
	_ =	sdelay $0x1  }
0x187: {  	s4 =	sshra.s32 s4, $0x2;
	[tilespmem:s17+$0x30] =	vst v1;
	s17 =	smov.u32 s28  }
0x188: {  	v1 =	vld [tilespmem:s4+$0x3020]  }
0x189: {  	v2 =	vld [tilespmem:s4+$0x32A0]  }
0x18a: {  	v3 =	vld [tilespmem:s4+$0x3520];
	_ =	sdelay $0x3  }
0x18b: {  	v1 =	vadd.f32 v2, v1;
	_ =	sdelay $0x1  }
0x18c: {  	v1 =	vadd.f32 v3, v1;
	_ =	sdelay $0x1  }
0x18d: {  	vm0 =	vge.f32 v1, $0.0e+00;
	v2 =	vmul.f32 $2.000000030e-01, v1;
	_ =	sdelay $0x1  }
0x18e: {  	v1 =	vsel vm0, v1, v2  }
0x18f: {  	v1 =	vmul.f32 $1.442695020e+00, v1;
	_ =	sdelay $0x1  }
0x190: {  	(erf) = vpow2.f32 v1;
	_ =	sdelay $0x8  }
0x191: {  	v1 =	vpop (erf)  }
0x192: {  	[tilespmem:s28+$0x40] =	vst v1  }
0x193: {  	v2 =	vld [tilespmem:s30+$0xFFFFFFC0]  }
0x194: {  	v3 =	vld [tilespmem:s31+$0xFFFFFFC0];
	_ =	sdelay $0x2  }
0x195: {  	v4 =	vbroadcast v1, $0x0;
	_ =	sdelay $0x1  }
0x196: {  	v2 =	vadd.f32 v3, v2;
	_ =	sdelay $0x1  }
0x197: {  	v2 =	vmul.f32 v4, v2;
	_ =	sdelay $0x1  }
0x198: {  	[tilespmem:s28+$0xFFFFFFC0] =	vst v2  }
0x199: {  	v2 =	vld [tilespmem:s30+$0xFFFFFFD0]  }
0x19a: {  	v3 =	vld [tilespmem:s31+$0xFFFFFFD0];
	_ =	sdelay $0x4  }
0x19b: {  	v2 =	vadd.f32 v3, v2;
	_ =	sdelay $0x1  }
0x19c: {  	v2 =	vmul.f32 v2, v4;
	_ =	sdelay $0x1  }
0x19d: {  	[tilespmem:s28+$0xFFFFFFD0] =	vst v2  }
0x19e: {  	v2 =	vld [tilespmem:s30+$0xFFFFFFE0]  }
0x19f: {  	v3 =	vld [tilespmem:s31+$0xFFFFFFE0]  }
0x1a0: {  	v4 =	vbroadcast v1, $0x1;
	_ =	sdelay $0x3  }
0x1a1: {  	v2 =	vadd.f32 v3, v2;
	_ =	sdelay $0x1  }
0x1a2: {  	v2 =	vmul.f32 v2, v4;
	_ =	sdelay $0x1  }
0x1a3: {  	[tilespmem:s28+$0xFFFFFFE0] =	vst v2  }
0x1a4: {  	v2 =	vld [tilespmem:s30+$0xFFFFFFF0]  }
0x1a5: {  	v3 =	vld [tilespmem:s31+$0xFFFFFFF0];
	_ =	sdelay $0x4  }
0x1a6: {  	v2 =	vadd.f32 v3, v2;
	_ =	sdelay $0x1  }
0x1a7: {  	v2 =	vmul.f32 v2, v4;
	_ =	sdelay $0x1  }
0x1a8: {  	[tilespmem:s28+$0xFFFFFFF0] =	vst v2  }
0x1a9: {  	v3 =	vbroadcast v1, $0x2;
	v2 =	vld [tilespmem:s30+$0x0]  }
0x1aa: {  	v4 =	vld [tilespmem:s31+$0x0];
	_ =	sdelay $0x4  }
0x1ab: {  	v2 =	vadd.f32 v4, v2;
	_ =	sdelay $0x1  }
0x1ac: {  	v2 =	vmul.f32 v2, v3;
	_ =	sdelay $0x1  }
0x1ad: {  	[tilespmem:s28+$0x0] =	vst v2  }
0x1ae: {  	v2 =	vld [tilespmem:s30+$0x10]  }
0x1af: {  	v4 =	vld [tilespmem:s31+$0x10];
	_ =	sdelay $0x4  }
0x1b0: {  	v2 =	vadd.f32 v4, v2;
	_ =	sdelay $0x1  }
0x1b1: {  	v2 =	vmul.f32 v2, v3  }
0x1b2: {  	v1 =	vbroadcast v1, $0x3  }
0x1b3: {  	[tilespmem:s28+$0x10] =	vst v2  }
0x1b4: {  	v2 =	vld [tilespmem:s30+$0x20]  }
0x1b5: {  	v3 =	vld [tilespmem:s31+$0x20];
	_ =	sdelay $0x4  }
0x1b6: {  	v2 =	vadd.f32 v3, v2  }
.Ltmp2:
0x1b7: {  	(pc) =	sbr.rel @p0 .LBB2_7-.Ltmp2, $3  }
0x1b8: {  	v2 =	vmul.f32 v2, v1;
	_ =	sdelay $0x1  }
0x1b9: {  	[tilespmem:s28+$0x20] =	vst v2  }
0x1ba: {  	v2 =	vld [tilespmem:s30+$0x30]  }
0x1bb: {  	v3 =	vld [tilespmem:s31+$0x30];
	_ =	sdelay $0x4  }
0x1bc: {  	v2 =	vadd.f32 v3, v2;
	_ =	sdelay $0x1  }
0x1bd: {  	v1 =	vmul.f32 v2, v1;
	_ =	sdelay $0x1  }
0x1be: {  	[tilespmem:s17+$0x30] =	vst v1  }
0x1bf: {  	[spmem:s18] =	stream.indirect.scatter.add.f32 [tilespmem:s20], [sflag:$0x5], $0x90, s2, s13, $0xb8;
	[tilespmem:$0x1DE20] =	vst v63  }
0x1c0: {  	_ =	swait.ge [sflag:s12], $0x1680  }
0x1c1: {  	[sflag:s12] =	ssyncset.done $0x0  }
0x1c2: {  	[sflag:s12] =	ssyncadd.s32 $0xFFFFE980  }
0x1c3: {  	_ =	swait.ge [sflag:s29], $0x28  }
0x1c4: {  	[sflag:s29] =	ssyncset.done $0x0  }
0x1c5: {  	[sflag:s29] =	ssyncadd.s32 $0xFFFFFFD8  }
0x1c6: {  	_ =	swait.ge [sflag:s29], $0x28  }
0x1c7: {  	[sflag:s29] =	ssyncset.done $0x0  }
0x1c8: {  	[sflag:s29] =	ssyncadd.s32 $0xFFFFFFD8  }
0x1c9: {  	_ =	swait.ge [sflag:s29], $0x280  }
0x1ca: {  	[sflag:s29] =	ssyncset.done $0x0  }
0x1cb: {  	[sflag:s29] =	ssyncadd.s32 $0xFFFFFD80  }
0x1cc: {  	_ =	swait.ge [sflag:s29], $0x1400  }
0x1cd: {  	[sflag:s29] =	ssyncset.done $0x0  }
0x1ce: {  	s3 =	simm.s32 $0x50;
	[sflag:s29] =	ssyncadd.s32 $0xFFFFEC00  }
0x1cf: {  	[tilespmem:s3], [sflag:$0x3] =	stream.indirect.gather [hbm4b:s23+s13], $0x10, s1, s13, $0xb8;
	[tilespmem:$0x1DE20] =	vst v63  }
0x1d0: {  	s28 =	simm.s32 $0x2D0;
	s31 =	sadd.s32 s19, s15  }
0x1d1: {  	[tilespmem:s28], [sflag:$0x3] =	stream.indirect.gather [hbm4b:s24+s13], $0x10, s13, s13, $0xb8;
	[tilespmem:$0x1DE20] =	vst v63  }
0x1d2: {  	s30 =	simm.s32 $0x7D0;
	s4 =	sshrl.u32 s31, $0x3  }
0x1d3: {  	[tilespmem:s30], [sflag:$0x3] =	stream.indirect.gather [hbm4b:s16+s13], $0x80, s1, s13, $0xb8;
	[tilespmem:$0x1DE20] =	vst v63  }
0x1d4: {  	s11 =	sadd.s32 $0x1, s11;
	s19 =	sadd.s32 s21, s4  }
0x1d5: {  	[tilespmem:s0], [sflag:$0x2] =	stream.linear.gather [hbm4b:s19+s1], $0x28, $0x38;
	[tilespmem:$0x1DE20] =	vst v63  }
0x1d6: {  	p0 =	sne.s32 s11, $0x7C;
	s4 =	sadd.s32 s22, s4;
	s28 =	sshll.u32 s31, $0x1  }
0x1d7: {  	[tilespmem:s2], [sflag:$0x2] =	stream.linear.gather [hbm4b:s4+s1], $0x28, $0x38;
	[tilespmem:$0x1DE20] =	vst v63  }
.Ltmp3:
0x1d8: {  	s3 =	sshll.u32 s31, $0x4;
	s4 =	sand.u32 $0x1FFFFFF0, s28;
	(pc) =	sbr.rel @p0 .LBB2_4-.Ltmp3, $4  }
0x1d9: {  	s3 =	sand.u32 $0x1FFFFF80, s3;
	s30 =	simm.s32 $0x3520;
	s4 =	sadd.s32 s25, s4  }
0x1da: {  	[tilespmem:s30], [sflag:$0x2] =	stream.linear.gather [hbm4b:s4+s1], $0x280, $0x38;
	[tilespmem:$0x1DE20] =	vst v63  }
0x1db: {  	s3 =	sadd.s32 s26, s3;
	s31 =	simm.s32 $0x4BA0  }
0x1dc: {  	[tilespmem:s31], [sflag:$0x2] =	stream.linear.gather [hbm4b:s3+s1], $0x1400, $0x38;
	[tilespmem:$0x1DE20] =	vst v63  }
0x1dd: {  	_ =	swait.ge [sflag:s5], $0x28  }
0x1de: {  	[sflag:s5] =	ssyncset.done $0x0  }
0x1df: {  	[sflag:s5] =	ssyncadd.s32 $0xFFFFFFD8  }
0x1e0: {  	_ =	swait.ge [sflag:s5], $0x28  }
0x1e1: {  	[sflag:s5] =	ssyncset.done $0x0  }
0x1e2: {  	[sflag:s5] =	ssyncadd.s32 $0xFFFFFFD8  }
0x1e3: {  	_ =	swait.ge [sflag:s5], $0x280  }
0x1e4: {  	[sflag:s5] =	ssyncset.done $0x0  }
0x1e5: {  	[sflag:s5] =	ssyncadd.s32 $0xFFFFFD80  }
0x1e6: {  	_ =	swait.ge [sflag:s5], $0x1400  }
0x1e7: {  	[sflag:s5] =	ssyncset.done $0x0  }
0x1e8: {  	[sflag:s5] =	ssyncadd.s32 $0xFFFFEC00  }
0x1e9: {  	[tilespmem:s6], [sflag:$0x4] =	stream.indirect.gather [hbm4b:s23+s13], $0x10, s0, s13, $0xb8;
	[tilespmem:$0x1DE20] =	vst v63  }
0x1ea: {  	_ = 	snop  }
0x1eb: {  	[tilespmem:s7], [sflag:$0x4] =	stream.indirect.gather [hbm4b:s24+s13], $0x10, s2, s13, $0xb8;
	[tilespmem:$0x1DE20] =	vst v63  }
0x1ec: {  	_ = 	snop  }
0x1ed: {  	[tilespmem:s8], [sflag:$0x4] =	stream.indirect.gather [hbm4b:s16+s13], $0x80, s0, s13, $0xb8;
	[tilespmem:$0x1DE20] =	vst v63  }
0x1ee: {  	_ =	swait.ge [sflag:s9], $0x280  }
0x1ef: {  	[sflag:s9] =	ssyncset.done $0x0  }
0x1f0: {  	[sflag:s9] =	ssyncadd.s32 $0xFFFFFD80  }
0x1f1: {  	_ =	swait.ge [sflag:s9], $0x280  }
0x1f2: {  	[sflag:s9] =	ssyncset.done $0x0  }
0x1f3: {  	[sflag:s9] =	ssyncadd.s32 $0xFFFFFD80  }
0x1f4: {  	_ =	swait.ge [sflag:s9], $0x1400  }
0x1f5: {  	[sflag:s9] =	ssyncset.done $0x0  }
0x1f6: {  	s3 =	simm.s32 $0x0;
	[sflag:s9] =	ssyncadd.s32 $0xFFFFEC00  }
0x1f7: {  	v1 =	vld [tilespmem:s3+$0x50]  }
0x1f8: {  	v2 =	vld [tilespmem:s3+$0x2D0];
	_ =	sdelay $0x1  }
0x1f9: {  	v3 =	vld [tilespmem:s3+$0x550];
	_ =	sdelay $0x2  }
0x1fa: {  	v1 =	vadd.f32 v2, v1;
	_ =	sdelay $0x1  }
0x1fb: {  	v1 =	vadd.f32 v3, v1;
	_ =	sdelay $0x1  }
0x1fc: {  	v2 =	vmul.f32 $2.000000030e-01, v1  }
0x1fd: {  	vm0 =	vge.f32 v1, $0.0e+00  }
0x1fe: {  	v1 =	vsel vm0, v1, v2  }
0x1ff: {  	v1 =	vmul.f32 $1.442695020e+00, v1;
	_ =	sdelay $0x1  }
0x200: {  	(erf) = vpow2.f32 v1;
	_ =	sdelay $0x8  }
0x201: {  	s11 =	simm.s32 $0x5FE0;
	v1 =	vpop (erf)  }
0x202: {  	s19 =	simm.s32 $0x810;
	[tilespmem:s11+$0x40] =	vst v1  }
0x203: {  	s28 =	simm.s32 $0x1C10;
	v2 =	vld [tilespmem:s19+$0xFFFFFFC0]  }
0x204: {  	v3 =	vld [tilespmem:s28+$0xFFFFFFC0];
	_ =	sdelay $0x4  }
0x205: {  	v4 =	vbroadcast v1, $0x0;
	v2 =	vadd.f32 v3, v2;
	_ =	sdelay $0x1  }
0x206: {  	v2 =	vmul.f32 v4, v2;
	_ =	sdelay $0x1  }
0x207: {  	[tilespmem:s11+$0xFFFFFFC0] =	vst v2  }
0x208: {  	v2 =	vld [tilespmem:s19+$0xFFFFFFD0]  }
0x209: {  	v3 =	vld [tilespmem:s28+$0xFFFFFFD0];
	_ =	sdelay $0x4  }
0x20a: {  	v2 =	vadd.f32 v3, v2;
	_ =	sdelay $0x1  }
0x20b: {  	v2 =	vmul.f32 v2, v4;
	_ =	sdelay $0x1  }
0x20c: {  	[tilespmem:s11+$0xFFFFFFD0] =	vst v2  }
0x20d: {  	v2 =	vld [tilespmem:s19+$0xFFFFFFE0]  }
0x20e: {  	v3 =	vld [tilespmem:s28+$0xFFFFFFE0];
	_ =	sdelay $0x4  }
0x20f: {  	v62 =	vbroadcast v1, $0x1;
	v2 =	vadd.f32 v3, v2;
	_ =	sdelay $0x1  }
0x210: {  	v2 =	vmul.f32 v2, v62;
	_ =	sdelay $0x1  }
0x211: {  	[tilespmem:s11+$0xFFFFFFE0] =	vst v2  }
0x212: {  	v2 =	vld [tilespmem:s19+$0xFFFFFFF0]  }
0x213: {  	v3 =	vld [tilespmem:s28+$0xFFFFFFF0];
	_ =	sdelay $0x4  }
0x214: {  	v2 =	vadd.f32 v3, v2;
	_ =	sdelay $0x1  }
0x215: {  	v2 =	vmul.f32 v2, v62;
	_ =	sdelay $0x1  }
0x216: {  	[tilespmem:s11+$0xFFFFFFF0] =	vst v2  }
0x217: {  	v2 =	vld [tilespmem:s19+$0x0]  }
0x218: {  	v3 =	vld [tilespmem:s28+$0x0];
	_ =	sdelay $0x4  }
0x219: {  	v63 =	vbroadcast v1, $0x2;
	v2 =	vadd.f32 v3, v2;
	_ =	sdelay $0x1  }
0x21a: {  	v2 =	vmul.f32 v2, v63;
	_ =	sdelay $0x1  }
0x21b: {  	[tilespmem:s11+$0x0] =	vst v2  }
0x21c: {  	v2 =	vld [tilespmem:s19+$0x10]  }
0x21d: {  	v3 =	vld [tilespmem:s28+$0x10];
	_ =	sdelay $0x4  }
0x21e: {  	v2 =	vadd.f32 v3, v2;
	_ =	sdelay $0x1  }
0x21f: {  	v2 =	vmul.f32 v2, v63;
	_ =	sdelay $0x1  }
0x220: {  	[tilespmem:s11+$0x10] =	vst v2  }
0x221: {  	v2 =	vld [tilespmem:s19+$0x20]  }
0x222: {  	v3 =	vld [tilespmem:s28+$0x20];
	_ =	sdelay $0x4  }
0x223: {  	v1 =	vbroadcast v1, $0x3;
	v2 =	vadd.f32 v3, v2;
	_ =	sdelay $0x1  }
0x224: {  	v2 =	vmul.f32 v2, v1;
	_ =	sdelay $0x1  }
0x225: {  	[tilespmem:s11+$0x20] =	vst v2  }
0x226: {  	s17 =	simm.s32 $0x5FE0;
	s3 =	simm.s32 $0x40;
	v2 =	vld [tilespmem:s19+$0x30]  }
.LBB2_10:
0x227: {  	v3 =	vld [tilespmem:s28+$0x30];
	s11 =	sadd.s32 $0x90, s11;
	s28 =	sadd.s32 $0x80, s28;
	s19 =	sadd.s32 $0x80, s19  }
0x228: {  	p0 =	sne.s32 s3, $0x9C0;
	s4 =	smov.u32 s3;
	s3 =	sadd.s32 $0x40, s3  }
0x229: {  	_ =	sdelay $0x2  }
0x22a: {  	v2 =	vadd.f32 v3, v2;
	_ =	sdelay $0x1  }
0x22b: {  	v1 =	vmul.f32 v2, v1;
	_ =	sdelay $0x1  }
0x22c: {  	s4 =	sshra.s32 s4, $0x2;
	[tilespmem:s17+$0x30] =	vst v1;
	s17 =	smov.u32 s11  }
0x22d: {  	v1 =	vld [tilespmem:s4+$0x50]  }
0x22e: {  	v2 =	vld [tilespmem:s4+$0x2D0]  }
0x22f: {  	v3 =	vld [tilespmem:s4+$0x550];
	_ =	sdelay $0x3  }
0x230: {  	v1 =	vadd.f32 v2, v1;
	_ =	sdelay $0x1  }
0x231: {  	v1 =	vadd.f32 v3, v1;
	_ =	sdelay $0x1  }
0x232: {  	vm0 =	vge.f32 v1, $0.0e+00;
	v2 =	vmul.f32 $2.000000030e-01, v1;
	_ =	sdelay $0x1  }
0x233: {  	v1 =	vsel vm0, v1, v2  }
0x234: {  	v1 =	vmul.f32 $1.442695020e+00, v1;
	_ =	sdelay $0x1  }
0x235: {  	(erf) = vpow2.f32 v1;
	_ =	sdelay $0x8  }
0x236: {  	v1 =	vpop (erf)  }
0x237: {  	[tilespmem:s11+$0x40] =	vst v1  }
0x238: {  	v2 =	vld [tilespmem:s19+$0xFFFFFFC0]  }
0x239: {  	v3 =	vld [tilespmem:s28+$0xFFFFFFC0];
	_ =	sdelay $0x2  }
0x23a: {  	v4 =	vbroadcast v1, $0x0;
	_ =	sdelay $0x1  }
0x23b: {  	v2 =	vadd.f32 v3, v2;
	_ =	sdelay $0x1  }
0x23c: {  	v2 =	vmul.f32 v4, v2;
	_ =	sdelay $0x1  }
0x23d: {  	[tilespmem:s11+$0xFFFFFFC0] =	vst v2  }
0x23e: {  	v2 =	vld [tilespmem:s19+$0xFFFFFFD0]  }
0x23f: {  	v3 =	vld [tilespmem:s28+$0xFFFFFFD0];
	_ =	sdelay $0x4  }
0x240: {  	v2 =	vadd.f32 v3, v2;
	_ =	sdelay $0x1  }
0x241: {  	v2 =	vmul.f32 v2, v4;
	_ =	sdelay $0x1  }
0x242: {  	[tilespmem:s11+$0xFFFFFFD0] =	vst v2  }
0x243: {  	v2 =	vld [tilespmem:s19+$0xFFFFFFE0]  }
0x244: {  	v3 =	vld [tilespmem:s28+$0xFFFFFFE0]  }
0x245: {  	v4 =	vbroadcast v1, $0x1;
	_ =	sdelay $0x3  }
0x246: {  	v2 =	vadd.f32 v3, v2;
	_ =	sdelay $0x1  }
0x247: {  	v2 =	vmul.f32 v2, v4;
	_ =	sdelay $0x1  }
0x248: {  	[tilespmem:s11+$0xFFFFFFE0] =	vst v2  }
0x249: {  	v2 =	vld [tilespmem:s19+$0xFFFFFFF0]  }
0x24a: {  	v3 =	vld [tilespmem:s28+$0xFFFFFFF0];
	_ =	sdelay $0x4  }
0x24b: {  	v2 =	vadd.f32 v3, v2;
	_ =	sdelay $0x1  }
0x24c: {  	v2 =	vmul.f32 v2, v4;
	_ =	sdelay $0x1  }
0x24d: {  	[tilespmem:s11+$0xFFFFFFF0] =	vst v2  }
0x24e: {  	v3 =	vbroadcast v1, $0x2;
	v2 =	vld [tilespmem:s19+$0x0]  }
0x24f: {  	v4 =	vld [tilespmem:s28+$0x0];
	_ =	sdelay $0x4  }
0x250: {  	v2 =	vadd.f32 v4, v2;
	_ =	sdelay $0x1  }
0x251: {  	v2 =	vmul.f32 v2, v3;
	_ =	sdelay $0x1  }
0x252: {  	[tilespmem:s11+$0x0] =	vst v2  }
0x253: {  	v2 =	vld [tilespmem:s19+$0x10]  }
0x254: {  	v4 =	vld [tilespmem:s28+$0x10];
	_ =	sdelay $0x4  }
0x255: {  	v2 =	vadd.f32 v4, v2;
	_ =	sdelay $0x1  }
0x256: {  	v2 =	vmul.f32 v2, v3  }
0x257: {  	v1 =	vbroadcast v1, $0x3  }
0x258: {  	[tilespmem:s11+$0x10] =	vst v2  }
0x259: {  	v2 =	vld [tilespmem:s19+$0x20]  }
0x25a: {  	v3 =	vld [tilespmem:s28+$0x20];
	_ =	sdelay $0x4  }
0x25b: {  	v2 =	vadd.f32 v3, v2  }
.Ltmp4:
0x25c: {  	(pc) =	sbr.rel @p0 .LBB2_10-.Ltmp4, $3  }
0x25d: {  	v2 =	vmul.f32 v2, v1;
	_ =	sdelay $0x1  }
0x25e: {  	[tilespmem:s11+$0x20] =	vst v2  }
0x25f: {  	v2 =	vld [tilespmem:s19+$0x30]  }
0x260: {  	v3 =	vld [tilespmem:s28+$0x30];
	_ =	sdelay $0x4  }
0x261: {  	v2 =	vadd.f32 v3, v2;
	_ =	sdelay $0x1  }
0x262: {  	v1 =	vmul.f32 v2, v1;
	_ =	sdelay $0x1  }
0x263: {  	[tilespmem:s17+$0x30] =	vst v1  }
0x264: {  	[spmem:s18] =	stream.indirect.scatter.add.f32 [tilespmem:s20], [sflag:$0x5], $0x90, s13, s13, $0xb8;
	[tilespmem:$0x1DE20] =	vst v63  }
0x265: {  	_ =	swait.ge [sflag:s12], $0x1680  }
0x266: {  	[sflag:s12] =	ssyncset.done $0x0  }
0x267: {  	[sflag:s12] =	ssyncadd.s32 $0xFFFFE980  }
0x268: {  	_ =	swait.ge [sflag:s10], $0x280  }
0x269: {  	[sflag:s10] =	ssyncset.done $0x0  }
0x26a: {  	[sflag:s10] =	ssyncadd.s32 $0xFFFFFD80  }
0x26b: {  	_ =	swait.ge [sflag:s10], $0x280  }
0x26c: {  	[sflag:s10] =	ssyncset.done $0x0  }
0x26d: {  	[sflag:s10] =	ssyncadd.s32 $0xFFFFFD80  }
0x26e: {  	_ =	swait.ge [sflag:s10], $0x1400  }
0x26f: {  	[sflag:s10] =	ssyncset.done $0x0  }
0x270: {  	s3 =	simm.s32 $0x0;
	[sflag:s10] =	ssyncadd.s32 $0xFFFFEC00  }
0x271: {  	v1 =	vld [tilespmem:s3+$0x3020]  }
0x272: {  	v2 =	vld [tilespmem:s3+$0x32A0];
	_ =	sdelay $0x1  }
0x273: {  	v3 =	vld [tilespmem:s3+$0x3520];
	_ =	sdelay $0x2  }
0x274: {  	v1 =	vadd.f32 v2, v1;
	_ =	sdelay $0x1  }
0x275: {  	v1 =	vadd.f32 v3, v1;
	_ =	sdelay $0x1  }
0x276: {  	v2 =	vmul.f32 $2.000000030e-01, v1  }
0x277: {  	vm0 =	vge.f32 v1, $0.0e+00  }
0x278: {  	v1 =	vsel vm0, v1, v2  }
0x279: {  	v1 =	vmul.f32 $1.442695020e+00, v1;
	_ =	sdelay $0x1  }
0x27a: {  	(erf) = vpow2.f32 v1;
	_ =	sdelay $0x8  }
0x27b: {  	s11 =	simm.s32 $0x5FE0;
	v1 =	vpop (erf)  }
0x27c: {  	s19 =	simm.s32 $0x37E0;
	[tilespmem:s11+$0x40] =	vst v1  }
0x27d: {  	s28 =	simm.s32 $0x4BE0;
	v2 =	vld [tilespmem:s19+$0xFFFFFFC0]  }
0x27e: {  	v3 =	vld [tilespmem:s28+$0xFFFFFFC0];
	_ =	sdelay $0x4  }
0x27f: {  	v4 =	vbroadcast v1, $0x0;
	v2 =	vadd.f32 v3, v2;
	_ =	sdelay $0x1  }
0x280: {  	v2 =	vmul.f32 v4, v2;
	_ =	sdelay $0x1  }
0x281: {  	[tilespmem:s11+$0xFFFFFFC0] =	vst v2  }
0x282: {  	v2 =	vld [tilespmem:s19+$0xFFFFFFD0]  }
0x283: {  	v3 =	vld [tilespmem:s28+$0xFFFFFFD0];
	_ =	sdelay $0x4  }
0x284: {  	v2 =	vadd.f32 v3, v2;
	_ =	sdelay $0x1  }
0x285: {  	v2 =	vmul.f32 v2, v4;
	_ =	sdelay $0x1  }
0x286: {  	[tilespmem:s11+$0xFFFFFFD0] =	vst v2  }
0x287: {  	v2 =	vld [tilespmem:s19+$0xFFFFFFE0]  }
0x288: {  	v3 =	vld [tilespmem:s28+$0xFFFFFFE0];
	_ =	sdelay $0x4  }
0x289: {  	v62 =	vbroadcast v1, $0x1;
	v2 =	vadd.f32 v3, v2;
	_ =	sdelay $0x1  }
0x28a: {  	v2 =	vmul.f32 v2, v62;
	_ =	sdelay $0x1  }
0x28b: {  	[tilespmem:s11+$0xFFFFFFE0] =	vst v2  }
0x28c: {  	v2 =	vld [tilespmem:s19+$0xFFFFFFF0]  }
0x28d: {  	v3 =	vld [tilespmem:s28+$0xFFFFFFF0];
	_ =	sdelay $0x4  }
0x28e: {  	v2 =	vadd.f32 v3, v2;
	_ =	sdelay $0x1  }
0x28f: {  	v2 =	vmul.f32 v2, v62;
	_ =	sdelay $0x1  }
0x290: {  	[tilespmem:s11+$0xFFFFFFF0] =	vst v2  }
0x291: {  	v2 =	vld [tilespmem:s19+$0x0]  }
0x292: {  	v3 =	vld [tilespmem:s28+$0x0];
	_ =	sdelay $0x4  }
0x293: {  	v63 =	vbroadcast v1, $0x2;
	v2 =	vadd.f32 v3, v2;
	_ =	sdelay $0x1  }
0x294: {  	v2 =	vmul.f32 v2, v63;
	_ =	sdelay $0x1  }
0x295: {  	[tilespmem:s11+$0x0] =	vst v2  }
0x296: {  	v2 =	vld [tilespmem:s19+$0x10]  }
0x297: {  	v3 =	vld [tilespmem:s28+$0x10];
	_ =	sdelay $0x4  }
0x298: {  	v2 =	vadd.f32 v3, v2;
	_ =	sdelay $0x1  }
0x299: {  	v2 =	vmul.f32 v2, v63;
	_ =	sdelay $0x1  }
0x29a: {  	[tilespmem:s11+$0x10] =	vst v2  }
0x29b: {  	v2 =	vld [tilespmem:s19+$0x20]  }
0x29c: {  	v3 =	vld [tilespmem:s28+$0x20];
	_ =	sdelay $0x4  }
0x29d: {  	v1 =	vbroadcast v1, $0x3;
	v2 =	vadd.f32 v3, v2;
	_ =	sdelay $0x1  }
0x29e: {  	v2 =	vmul.f32 v2, v1;
	_ =	sdelay $0x1  }
0x29f: {  	s31 =	rddreg [dreg:$0x15];
	[tilespmem:s11+$0x20] =	vst v2  }
0x2a0: {  	s17 =	simm.s32 $0x5FE0;
	s30 =	sld [smem:$0x7FD];
	s3 =	simm.s32 $0x40;
	v2 =	vld [tilespmem:s19+$0x30]  }
.LBB2_12:
0x2a1: {  	v3 =	vld [tilespmem:s28+$0x30];
	s11 =	sadd.s32 $0x90, s11;
	s28 =	sadd.s32 $0x80, s28;
	s19 =	sadd.s32 $0x80, s19  }
0x2a2: {  	p0 =	sne.s32 s3, $0x9C0;
	s4 =	smov.u32 s3;
	s3 =	sadd.s32 $0x40, s3  }
0x2a3: {  	_ =	sdelay $0x2  }
0x2a4: {  	v2 =	vadd.f32 v3, v2;
	_ =	sdelay $0x1  }
0x2a5: {  	v1 =	vmul.f32 v2, v1;
	_ =	sdelay $0x1  }
0x2a6: {  	s4 =	sshra.s32 s4, $0x2;
	[tilespmem:s17+$0x30] =	vst v1;
	s17 =	smov.u32 s11  }
0x2a7: {  	v1 =	vld [tilespmem:s4+$0x3020]  }
0x2a8: {  	v2 =	vld [tilespmem:s4+$0x32A0]  }
0x2a9: {  	v3 =	vld [tilespmem:s4+$0x3520];
	_ =	sdelay $0x3  }
0x2aa: {  	v1 =	vadd.f32 v2, v1;
	_ =	sdelay $0x1  }
0x2ab: {  	v1 =	vadd.f32 v3, v1;
	_ =	sdelay $0x1  }
0x2ac: {  	vm0 =	vge.f32 v1, $0.0e+00;
	v2 =	vmul.f32 $2.000000030e-01, v1;
	_ =	sdelay $0x1  }
0x2ad: {  	v1 =	vsel vm0, v1, v2  }
0x2ae: {  	v1 =	vmul.f32 $1.442695020e+00, v1;
	_ =	sdelay $0x1  }
0x2af: {  	(erf) = vpow2.f32 v1;
	_ =	sdelay $0x8  }
0x2b0: {  	v1 =	vpop (erf)  }
0x2b1: {  	[tilespmem:s11+$0x40] =	vst v1  }
0x2b2: {  	v2 =	vld [tilespmem:s19+$0xFFFFFFC0]  }
0x2b3: {  	v3 =	vld [tilespmem:s28+$0xFFFFFFC0];
	_ =	sdelay $0x2  }
0x2b4: {  	v4 =	vbroadcast v1, $0x0;
	_ =	sdelay $0x1  }
0x2b5: {  	v2 =	vadd.f32 v3, v2;
	_ =	sdelay $0x1  }
0x2b6: {  	v2 =	vmul.f32 v4, v2;
	_ =	sdelay $0x1  }
0x2b7: {  	[tilespmem:s11+$0xFFFFFFC0] =	vst v2  }
0x2b8: {  	v2 =	vld [tilespmem:s19+$0xFFFFFFD0]  }
0x2b9: {  	v3 =	vld [tilespmem:s28+$0xFFFFFFD0];
	_ =	sdelay $0x4  }
0x2ba: {  	v2 =	vadd.f32 v3, v2;
	_ =	sdelay $0x1  }
0x2bb: {  	v2 =	vmul.f32 v2, v4;
	_ =	sdelay $0x1  }
0x2bc: {  	[tilespmem:s11+$0xFFFFFFD0] =	vst v2  }
0x2bd: {  	v2 =	vld [tilespmem:s19+$0xFFFFFFE0]  }
0x2be: {  	v3 =	vld [tilespmem:s28+$0xFFFFFFE0]  }
0x2bf: {  	v4 =	vbroadcast v1, $0x1;
	_ =	sdelay $0x3  }
0x2c0: {  	v2 =	vadd.f32 v3, v2;
	_ =	sdelay $0x1  }
0x2c1: {  	v2 =	vmul.f32 v2, v4;
	_ =	sdelay $0x1  }
0x2c2: {  	[tilespmem:s11+$0xFFFFFFE0] =	vst v2  }
0x2c3: {  	v2 =	vld [tilespmem:s19+$0xFFFFFFF0]  }
0x2c4: {  	v3 =	vld [tilespmem:s28+$0xFFFFFFF0];
	_ =	sdelay $0x4  }
0x2c5: {  	v2 =	vadd.f32 v3, v2;
	_ =	sdelay $0x1  }
0x2c6: {  	v2 =	vmul.f32 v2, v4;
	_ =	sdelay $0x1  }
0x2c7: {  	[tilespmem:s11+$0xFFFFFFF0] =	vst v2  }
0x2c8: {  	v3 =	vbroadcast v1, $0x2;
	v2 =	vld [tilespmem:s19+$0x0]  }
0x2c9: {  	v4 =	vld [tilespmem:s28+$0x0];
	_ =	sdelay $0x4  }
0x2ca: {  	v2 =	vadd.f32 v4, v2;
	_ =	sdelay $0x1  }
0x2cb: {  	v2 =	vmul.f32 v2, v3;
	_ =	sdelay $0x1  }
0x2cc: {  	[tilespmem:s11+$0x0] =	vst v2  }
0x2cd: {  	v2 =	vld [tilespmem:s19+$0x10]  }
0x2ce: {  	v4 =	vld [tilespmem:s28+$0x10];
	_ =	sdelay $0x4  }
0x2cf: {  	v2 =	vadd.f32 v4, v2;
	_ =	sdelay $0x1  }
0x2d0: {  	v2 =	vmul.f32 v2, v3  }
0x2d1: {  	v1 =	vbroadcast v1, $0x3  }
0x2d2: {  	[tilespmem:s11+$0x10] =	vst v2  }
0x2d3: {  	v2 =	vld [tilespmem:s19+$0x20]  }
0x2d4: {  	v3 =	vld [tilespmem:s28+$0x20];
	_ =	sdelay $0x4  }
0x2d5: {  	v2 =	vadd.f32 v3, v2  }
.Ltmp5:
0x2d6: {  	(pc) =	sbr.rel @p0 .LBB2_12-.Ltmp5, $3  }
0x2d7: {  	v2 =	vmul.f32 v2, v1;
	_ =	sdelay $0x1  }
0x2d8: {  	[tilespmem:s11+$0x20] =	vst v2  }
0x2d9: {  	v2 =	vld [tilespmem:s19+$0x30]  }
0x2da: {  	v3 =	vld [tilespmem:s28+$0x30];
	_ =	sdelay $0x4  }
0x2db: {  	v2 =	vadd.f32 v3, v2;
	_ =	sdelay $0x1  }
0x2dc: {  	v1 =	vmul.f32 v2, v1;
	_ =	sdelay $0x1  }
0x2dd: {  	[tilespmem:s17+$0x30] =	vst v1  }
0x2de: {  	[spmem:s18] =	stream.indirect.scatter.add.f32 [tilespmem:s20], [sflag:$0x5], $0x90, s2, s13, $0xb8;
	[tilespmem:$0x1DE20] =	vst v63  }
0x2df: {  	_ =	swait.ge [sflag:s12], $0x1680  }
0x2e0: {  	[sflag:s12] =	ssyncset.done $0x0  }
0x2e1: {  	[sflag:s12] =	ssyncadd.s32 $0xFFFFE980  }
0x2e2: {  	[bflag:$0x0] =	sbarrier.arrive $0xFFFF  }
0x2e3: {  	s17 =	rddreg [dreg:$0x14]  }
0x2e4: {  	[tilespmem:s20], [sflag:$0x5] =	stream.linear.gather [spmem:s17], $0x1680, $0x38;
	[tilespmem:$0x1DE20] =	vst v63  }
0x2e5: {  	_ =	swait.ge [sflag:s12], $0x1680  }
0x2e6: {  	[sflag:s12] =	ssyncset.done $0x0  }
0x2e7: {  	s3 =	rddreg [dreg:$0x4];
	[sflag:s12] =	ssyncadd.s32 $0xFFFFE980  }
0x2e8: {  	[hbm4b:s3+s1] =	stream.linear.scatter [tilespmem:s20], [sflag:$0x5], $0x1680, $0x38;
	[tilespmem:$0x1DE20] =	vst v63  }
0x2e9: {  	_ =	swait.ge [sflag:s12], $0x1680  }
0x2ea: {  	[sflag:s12] =	ssyncset.done $0x0  }
0x2eb: {  	[sflag:s12] =	ssyncadd.s32 $0xFFFFE980  }
0x2ec: {  	[tilespmem:s20], [sflag:$0x5] =	stream.linear.gather [spmem:s31], $0x1680, $0x38;
	[tilespmem:$0x1DE20] =	vst v63  }
0x2ed: {  	_ =	swait.ge [sflag:s12], $0x1680  }
0x2ee: {  	[sflag:s12] =	ssyncset.done $0x0  }
0x2ef: {  	s19 =	rddreg [dreg:$0x5];
	[sflag:s12] =	ssyncadd.s32 $0xFFFFE980  }
0x2f0: {  	[hbm4b:s19+s1] =	stream.linear.scatter [tilespmem:s20], [sflag:$0x5], $0x1680, $0x38;
	[tilespmem:$0x1DE20] =	vst v63  }
0x2f1: {  	_ =	swait.ge [sflag:s12], $0x1680  }
0x2f2: {  	[sflag:s12] =	ssyncset.done $0x0  }
0x2f3: {  	s4 =	rddreg [dreg:$0x16];
	[sflag:s12] =	ssyncadd.s32 $0xFFFFE980  }
0x2f4: {  	[tilespmem:s20], [sflag:$0x5] =	stream.linear.gather [spmem:s4], $0x1680, $0x38;
	[tilespmem:$0x1DE20] =	vst v63  }
0x2f5: {  	_ =	swait.ge [sflag:s12], $0x1680  }
0x2f6: {  	[sflag:s12] =	ssyncset.done $0x0  }
0x2f7: {  	s11 =	rddreg [dreg:$0x6];
	[sflag:s12] =	ssyncadd.s32 $0xFFFFE980  }
0x2f8: {  	[hbm4b:s11+s1] =	stream.linear.scatter [tilespmem:s20], [sflag:$0x5], $0x1680, $0x38;
	[tilespmem:$0x1DE20] =	vst v63  }
0x2f9: {  	_ =	swait.ge [sflag:s12], $0x1680  }
0x2fa: {  	[sflag:s12] =	ssyncset.done $0x0  }
0x2fb: {  	s19 =	rddreg [dreg:$0x17];
	[sflag:s12] =	ssyncadd.s32 $0xFFFFE980  }
0x2fc: {  	[tilespmem:s20], [sflag:$0x5] =	stream.linear.gather [spmem:s19], $0x1680, $0x38;
	[tilespmem:$0x1DE20] =	vst v63  }
0x2fd: {  	_ =	swait.ge [sflag:s12], $0x1680  }
0x2fe: {  	[sflag:s12] =	ssyncset.done $0x0  }
0x2ff: {  	s4 =	rddreg [dreg:$0x7];
	[sflag:s12] =	ssyncadd.s32 $0xFFFFE980  }
0x300: {  	[hbm4b:s4+s1] =	stream.linear.scatter [tilespmem:s20], [sflag:$0x5], $0x1680, $0x38;
	[tilespmem:$0x1DE20] =	vst v63  }
0x301: {  	_ =	swait.ge [sflag:s12], $0x1680  }
0x302: {  	[sflag:s12] =	ssyncset.done $0x0  }
0x303: {  	s11 =	rddreg [dreg:$0x18];
	[sflag:s12] =	ssyncadd.s32 $0xFFFFE980  }
0x304: {  	[tilespmem:s20], [sflag:$0x5] =	stream.linear.gather [spmem:s11], $0x1680, $0x38;
	[tilespmem:$0x1DE20] =	vst v63  }
0x305: {  	_ =	swait.ge [sflag:s12], $0x1680  }
0x306: {  	[sflag:s12] =	ssyncset.done $0x0  }
0x307: {  	s19 =	rddreg [dreg:$0x8];
	[sflag:s12] =	ssyncadd.s32 $0xFFFFE980  }
0x308: {  	[hbm4b:s19+s1] =	stream.linear.scatter [tilespmem:s20], [sflag:$0x5], $0x1680, $0x38;
	[tilespmem:$0x1DE20] =	vst v63  }
0x309: {  	_ =	swait.ge [sflag:s12], $0x1680  }
0x30a: {  	[sflag:s12] =	ssyncset.done $0x0  }
0x30b: {  	s4 =	rddreg [dreg:$0x19];
	[sflag:s12] =	ssyncadd.s32 $0xFFFFE980  }
0x30c: {  	[tilespmem:s20], [sflag:$0x5] =	stream.linear.gather [spmem:s4], $0x1680, $0x38;
	[tilespmem:$0x1DE20] =	vst v63  }
0x30d: {  	_ =	swait.ge [sflag:s12], $0x1680  }
0x30e: {  	[sflag:s12] =	ssyncset.done $0x0  }
0x30f: {  	s11 =	rddreg [dreg:$0x9];
	[sflag:s12] =	ssyncadd.s32 $0xFFFFE980  }
0x310: {  	[hbm4b:s11+s1] =	stream.linear.scatter [tilespmem:s20], [sflag:$0x5], $0x1680, $0x38;
	[tilespmem:$0x1DE20] =	vst v63  }
0x311: {  	_ =	swait.ge [sflag:s12], $0x1680  }
0x312: {  	[sflag:s12] =	ssyncset.done $0x0  }
0x313: {  	s19 =	rddreg [dreg:$0x1a];
	[sflag:s12] =	ssyncadd.s32 $0xFFFFE980  }
0x314: {  	[tilespmem:s20], [sflag:$0x5] =	stream.linear.gather [spmem:s19], $0x1680, $0x38;
	[tilespmem:$0x1DE20] =	vst v63  }
0x315: {  	_ =	swait.ge [sflag:s12], $0x1680  }
0x316: {  	[sflag:s12] =	ssyncset.done $0x0  }
0x317: {  	s4 =	rddreg [dreg:$0xa];
	[sflag:s12] =	ssyncadd.s32 $0xFFFFE980  }
0x318: {  	[hbm4b:s4+s1] =	stream.linear.scatter [tilespmem:s20], [sflag:$0x5], $0x1680, $0x38;
	[tilespmem:$0x1DE20] =	vst v63  }
0x319: {  	_ =	swait.ge [sflag:s12], $0x1680  }
0x31a: {  	[sflag:s12] =	ssyncset.done $0x0  }
0x31b: {  	s11 =	rddreg [dreg:$0x1b];
	[sflag:s12] =	ssyncadd.s32 $0xFFFFE980  }
0x31c: {  	[tilespmem:s20], [sflag:$0x5] =	stream.linear.gather [spmem:s11], $0x1680, $0x38;
	[tilespmem:$0x1DE20] =	vst v63  }
0x31d: {  	_ =	swait.ge [sflag:s12], $0x1680  }
0x31e: {  	[sflag:s12] =	ssyncset.done $0x0  }
0x31f: {  	s19 =	rddreg [dreg:$0xb];
	[sflag:s12] =	ssyncadd.s32 $0xFFFFE980  }
0x320: {  	[hbm4b:s19+s1] =	stream.linear.scatter [tilespmem:s20], [sflag:$0x5], $0x1680, $0x38;
	[tilespmem:$0x1DE20] =	vst v63  }
0x321: {  	_ =	swait.ge [sflag:s12], $0x1680  }
0x322: {  	[sflag:s12] =	ssyncset.done $0x0  }
0x323: {  	s4 =	rddreg [dreg:$0x1c];
	[sflag:s12] =	ssyncadd.s32 $0xFFFFE980  }
0x324: {  	[tilespmem:s20], [sflag:$0x5] =	stream.linear.gather [spmem:s4], $0x1680, $0x38;
	[tilespmem:$0x1DE20] =	vst v63  }
0x325: {  	_ =	swait.ge [sflag:s12], $0x1680  }
0x326: {  	[sflag:s12] =	ssyncset.done $0x0  }
0x327: {  	s11 =	rddreg [dreg:$0xc];
	[sflag:s12] =	ssyncadd.s32 $0xFFFFE980  }
0x328: {  	[hbm4b:s11+s1] =	stream.linear.scatter [tilespmem:s20], [sflag:$0x5], $0x1680, $0x38;
	[tilespmem:$0x1DE20] =	vst v63  }
0x329: {  	_ =	swait.ge [sflag:s12], $0x1680  }
0x32a: {  	[sflag:s12] =	ssyncset.done $0x0  }
0x32b: {  	s19 =	rddreg [dreg:$0x1d];
	[sflag:s12] =	ssyncadd.s32 $0xFFFFE980  }
0x32c: {  	[tilespmem:s20], [sflag:$0x5] =	stream.linear.gather [spmem:s19], $0x1680, $0x38;
	[tilespmem:$0x1DE20] =	vst v63  }
0x32d: {  	_ =	swait.ge [sflag:s12], $0x1680  }
0x32e: {  	[sflag:s12] =	ssyncset.done $0x0  }
0x32f: {  	s4 =	rddreg [dreg:$0xd];
	[sflag:s12] =	ssyncadd.s32 $0xFFFFE980  }
0x330: {  	[hbm4b:s4+s1] =	stream.linear.scatter [tilespmem:s20], [sflag:$0x5], $0x1680, $0x38;
	[tilespmem:$0x1DE20] =	vst v63  }
0x331: {  	_ =	swait.ge [sflag:s12], $0x1680  }
0x332: {  	[sflag:s12] =	ssyncset.done $0x0  }
0x333: {  	s11 =	rddreg [dreg:$0x1e];
	[sflag:s12] =	ssyncadd.s32 $0xFFFFE980  }
0x334: {  	[tilespmem:s20], [sflag:$0x5] =	stream.linear.gather [spmem:s11], $0x1680, $0x38;
	[tilespmem:$0x1DE20] =	vst v63  }
0x335: {  	_ =	swait.ge [sflag:s12], $0x1680  }
0x336: {  	[sflag:s12] =	ssyncset.done $0x0  }
0x337: {  	s19 =	rddreg [dreg:$0xe];
	[sflag:s12] =	ssyncadd.s32 $0xFFFFE980  }
0x338: {  	[hbm4b:s19+s1] =	stream.linear.scatter [tilespmem:s20], [sflag:$0x5], $0x1680, $0x38;
	[tilespmem:$0x1DE20] =	vst v63  }
0x339: {  	_ =	swait.ge [sflag:s12], $0x1680  }
0x33a: {  	[sflag:s12] =	ssyncset.done $0x0  }
0x33b: {  	s19 =	rddreg [dreg:$0x1f];
	[sflag:s12] =	ssyncadd.s32 $0xFFFFE980  }
0x33c: {  	[tilespmem:s20], [sflag:$0x5] =	stream.linear.gather [spmem:s19], $0x1680, $0x38;
	[tilespmem:$0x1DE20] =	vst v63  }
0x33d: {  	_ =	swait.ge [sflag:s12], $0x1680  }
0x33e: {  	[sflag:s12] =	ssyncset.done $0x0  }
0x33f: {  	s4 =	rddreg [dreg:$0xf];
	[sflag:s12] =	ssyncadd.s32 $0xFFFFE980  }
0x340: {  	[hbm4b:s4+s1] =	stream.linear.scatter [tilespmem:s20], [sflag:$0x5], $0x1680, $0x38;
	[tilespmem:$0x1DE20] =	vst v63  }
0x341: {  	_ =	swait.ge [sflag:s12], $0x1680  }
0x342: {  	s11 =	sld [smem:$0x7F1]  }
0x343: {  	[sflag:s12] =	ssyncset.done $0x0  }
0x344: {  	[sflag:s12] =	ssyncadd.s32 $0xFFFFE980  }
0x345: {  	[tilespmem:s20], [sflag:$0x5] =	stream.linear.gather [spmem:s11], $0x1680, $0x38;
	[tilespmem:$0x1DE20] =	vst v63  }
0x346: {  	_ =	swait.ge [sflag:s12], $0x1680  }
0x347: {  	[sflag:s12] =	ssyncset.done $0x0  }
0x348: {  	s4 =	rddreg [dreg:$0x10];
	[sflag:s12] =	ssyncadd.s32 $0xFFFFE980  }
0x349: {  	[hbm4b:s4+s1] =	stream.linear.scatter [tilespmem:s20], [sflag:$0x5], $0x1680, $0x38;
	[tilespmem:$0x1DE20] =	vst v63  }
0x34a: {  	_ =	swait.ge [sflag:s12], $0x1680  }
0x34b: {  	s28 =	sld [smem:$0x7FC]  }
0x34c: {  	[sflag:s12] =	ssyncset.done $0x0  }
0x34d: {  	[sflag:s12] =	ssyncadd.s32 $0xFFFFE980  }
0x34e: {  	[tilespmem:s20], [sflag:$0x5] =	stream.linear.gather [spmem:s28], $0x1680, $0x38;
	[tilespmem:$0x1DE20] =	vst v63  }
0x34f: {  	_ =	swait.ge [sflag:s12], $0x1680  }
0x350: {  	[sflag:s12] =	ssyncset.done $0x0  }
0x351: {  	s11 =	rddreg [dreg:$0x11];
	[sflag:s12] =	ssyncadd.s32 $0xFFFFE980  }
0x352: {  	[hbm4b:s11+s1] =	stream.linear.scatter [tilespmem:s20], [sflag:$0x5], $0x1680, $0x38;
	[tilespmem:$0x1DE20] =	vst v63  }
0x353: {  	_ =	swait.ge [sflag:s12], $0x1680  }
0x354: {  	s4 =	sld [smem:$0x7F2]  }
0x355: {  	[sflag:s12] =	ssyncset.done $0x0  }
0x356: {  	[sflag:s12] =	ssyncadd.s32 $0xFFFFE980  }
0x357: {  	[tilespmem:s20], [sflag:$0x5] =	stream.linear.gather [spmem:s4], $0x1680, $0x38;
	[tilespmem:$0x1DE20] =	vst v63  }
0x358: {  	_ =	swait.ge [sflag:s12], $0x1680  }
0x359: {  	[sflag:s12] =	ssyncset.done $0x0  }
0x35a: {  	s11 =	rddreg [dreg:$0x12];
	[sflag:s12] =	ssyncadd.s32 $0xFFFFE980  }
0x35b: {  	[hbm4b:s11+s1] =	stream.linear.scatter [tilespmem:s20], [sflag:$0x5], $0x1680, $0x38;
	[tilespmem:$0x1DE20] =	vst v63  }
0x35c: {  	_ =	swait.ge [sflag:s12], $0x1680  }
0x35d: {  	[sflag:s12] =	ssyncset.done $0x0  }
0x35e: {  	[sflag:s12] =	ssyncadd.s32 $0xFFFFE980  }
0x35f: {  	[tilespmem:s20], [sflag:$0x5] =	stream.linear.gather [spmem:s30], $0x1680, $0x38;
	[tilespmem:$0x1DE20] =	vst v63  }
0x360: {  	_ =	swait.ge [sflag:s12], $0x1680  }
0x361: {  	[sflag:s12] =	ssyncset.done $0x0  }
0x362: {  	s4 =	rddreg [dreg:$0x13];
	[sflag:s12] =	ssyncadd.s32 $0xFFFFE980  }
0x363: {  	[hbm4b:s4+s1] =	stream.linear.scatter [tilespmem:s20], [sflag:$0x5], $0x1680, $0x38;
	[tilespmem:$0x1DE20] =	vst v63  }
0x364: {  	_ =	swait.ge [sflag:s12], $0x1680  }
0x365: {  	s4 =	sld [smem:$0x7F0]  }
0x366: {  	s11 =	sld [smem:$0x7FB];
	_ =	sdelay $0x1  }
0x367: {  	s4 =	sadd.s32 $0x1, s4  }
0x368: {  	p0 =	sne.s32 s4, s11  }
.Ltmp6:
0x369: {  	_ = 	snop;
	(pc) =	sbr.rel @p0 .LBB2_1-.Ltmp6, $3  }
0x36a: {  	_ =	sdelay $0x1  }
0x36b: {  	[sflag:s12] =	ssyncset.done $0x0  }
0x36c: {  	[sflag:s12] =	ssyncadd.s32 $0xFFFFE980  }
0x36d: {  	_ =	sfence.sel $0x180000  }
0x36e: {  	[bflag:$0x0] =	sbarrier.arrive $0xFFFF  }
0x36f: {  	_ =	strace $0x90000047  }
0x370: {  	s0 =	stileid.u32;
	[bflag:$0x2] =	sbarrier.arrive $0xFFFF  }
0x371: {  	p0 =	sne.s32 s0, $0x0;
	s0 =	rddreg [dreg:$0x3]  }
0x372: {  	s0 =	sadd.s32 @!p0 $0x100000, s0  }
0x373: {  	[sflag:s0] =	ssyncadd.tile.s32 @!p0 $0x1;
	_ =	shalt  }
.Lfunc_end2:
_tile_overlayer_lowered:
.L_overlay_start_2:
0x374: {  	(tag) =	ssettag $0x2  }
0x375: {  	s0 =	rddreg [dreg:$0x0];
	s2 =	stileid.u32  }
0x376: {  	s1 =	rddreg [dreg:$0x1];
	p0 =	sne.s32 s2, $0x0  }
0x377: {  	s3 =	rddreg [dreg:$0x2];
	[bflag:$0x3] =	sbarrier.arrive $0xFFFF;
	s2 =	simm.s32 @!p0 $0x1C05  }
0x378: {  	[timem:s3], [sflag:s2] =	dma.local @!p0 [hbm:s0], s1  }
0x379: {  	s0 =	simm.s32 @!p0 $0x5  }
0x37a: {  	_ =	swait.ge @!p0 [sflag:s0], s1  }
0x37b: {  	s1 =	ssub.s32 @!p0 $0x0, s1;
	[sflag:s0] =	ssyncset.done @!p0 $0x0  }
0x37c: {  	[sflag:s0] =	ssyncadd.s32 @!p0 s1  }
0x37d: {  	[bflag:$0x3] =	sbarrier.arrive $0xFFFF  }
0x37e: {  	_ =	shalt  }

</sc_bundles>
